<compile_context>
chip_gen: v7x
topology: tpu7x:2x2x1
jax: 0.10.2.dev20260603
libtpu: 0.0.44.dev20260713+nightly
codegen_flags: <defaults>
</compile_context>

<pallas_src>
import functools

import numpy as np
import jax
import jax.numpy as jnp
from jax import lax
from jax.experimental import pallas as pl
from jax.experimental.pallas import tpu as pltpu
from jax.experimental.pallas import tpu_sc as plsc

_B, _L = 8, 512
_LH = _L - 1
_N_ENTITY, _N_REL, _N_GROUPS = 2000, 50, 100
_HIDDEN = 128
_D_MODEL, _D_TIME = 128, 32
_N_HEAD, _N_LAYERS = 2, 2
_GP_DIM = 64
_MHA_HD = 32
_NTOK = _B * _L

_NW = 32
_CHUNK = _NTOK // _NW

_OCHUNKS = ((0, 128), (128, 128), (256, 128), (384, 127))
_N_OCHUNK = len(_OCHUNKS)


def _sc_gather_body(subs_hbm, marks_hbm, objs_hbm, gmap_hbm, evemb_hbm,
                    subemb_hbm, relemb_hbm, subs0_hbm, marks0_hbm,
                    gid_out, x_out, semb_out, remb_out,
                    ia_v, ib_v, ic_v, rows_v, idx8_v, rows8_v, sem, sem2):
    wid = lax.axis_index("s") * 2 + lax.axis_index("c")
    base = wid * _CHUNK
    sl = pl.ds(base, _CHUNK)

    pltpu.sync_copy(subs_hbm.at[sl], ia_v)
    pltpu.sync_copy(marks_hbm.at[sl], ib_v)
    pltpu.sync_copy(objs_hbm.at[sl], ic_v)
    for i in range(_CHUNK // 16):
        v = pl.ds(i * 16, 16)
        ib_v[v] = ia_v[v] * _N_REL + ib_v[v]
    cg = pltpu.async_copy(gmap_hbm.at[ib_v], ia_v, sem)
    cr = pltpu.async_copy(evemb_hbm.at[ic_v], rows_v, sem2)
    cg.wait()
    pltpu.sync_copy(ia_v, gid_out.at[sl])
    cr.wait()
    pltpu.sync_copy(rows_v, x_out.at[sl])

    @pl.when(wid == 0)
    def _():
        pltpu.sync_copy(subs0_hbm, idx8_v)
        pltpu.async_copy(subemb_hbm.at[idx8_v], rows8_v, sem).wait()
        pltpu.sync_copy(rows8_v, semb_out)

    @pl.when(wid == 1)
    def _():
        pltpu.sync_copy(marks0_hbm, idx8_v)
        pltpu.async_copy(relemb_hbm.at[idx8_v], rows8_v, sem).wait()
        pltpu.sync_copy(rows8_v, remb_out)


_sc_gather_cache = []


def _sc_gather(*args):
    if not _sc_gather_cache:
        _sc_gather_cache.append(_make_sc_gather())
    return _sc_gather_cache[0](*args)


def _make_sc_gather():
    return functools.partial(
        pl.kernel,
        out_type=(
        jax.ShapeDtypeStruct((_NTOK,), jnp.int32),
        jax.ShapeDtypeStruct((_NTOK, _D_MODEL), jnp.float32),
            jax.ShapeDtypeStruct((_B, _HIDDEN), jnp.float32),
            jax.ShapeDtypeStruct((_B, _HIDDEN), jnp.float32),
        ),
        mesh=plsc.VectorSubcoreMesh(core_axis_name="c", subcore_axis_name="s"),
        scratch_types=(
            pltpu.VMEM((_CHUNK,), jnp.int32),
            pltpu.VMEM((_CHUNK,), jnp.int32),
            pltpu.VMEM((_CHUNK,), jnp.int32),
            pltpu.VMEM((_CHUNK, _D_MODEL), jnp.float32),
            pltpu.VMEM((_B,), jnp.int32),
            pltpu.VMEM((_B, _HIDDEN), jnp.float32),
            pltpu.SemaphoreType.DMA,
            pltpu.SemaphoreType.DMA,
        ),
    )(_sc_gather_body)


def _mm(a, b):
    return lax.dot_general(a, b, (((1,), (0,)), ((), ())),
                           preferred_element_type=jnp.float32)


def _mm_t(a, b):
    return lax.dot_general(a, b, (((1,), (1,)), ((), ())),
                           preferred_element_type=jnp.float32)


def _mm_tl(a, b):
    return lax.dot_general(a, b, (((0,), (0,)), ((), ())),
                           preferred_element_type=jnp.float32)


def _bf(a):
    return a.astype(jnp.bfloat16)


def _mmb(a, b):
    return _mm(_bf(a), _bf(b))


def _mmb_t(a, b):
    return _mm_t(_bf(a), _bf(b))


_PAIR = 2
_NSTEP = _B // _PAIR


def _tc_body(*refs):
    (x_ref, tm_ref, dt_ref, gid_ref, msk_ref, se_ref, re_ref) = refs[:7]
    wrefs = refs[7:19]
    (gpw_ref, gpb_ref,
     mwq_ref, mwk_ref, mwv_ref, mwo_ref,
     mbq_ref, mbk_ref, mbv_ref, mbo_ref,
     fw1_ref, fb1_ref, fw2_ref, fb2_ref,
     l1g_ref, l1b_ref, l2g_ref, l2b_ref,
     mgw_ref, mgb_ref, intw_ref, intb_ref) = refs[19:41]
    out_ref = refs[41]
    nscr = 42 + _PAIR * _N_OCHUNK
    scr = refs[42:nscr]
    sems = refs[nscr]
    b = pl.program_id(0)

    half = _D_TIME // 2
    ci3 = lax.broadcasted_iota(jnp.int32, (3, 3 * _D_TIME), 1)
    ri3 = lax.broadcasted_iota(jnp.int32, (3, 3 * _D_TIME), 0)
    kk = ci3 & (_D_TIME - 1)
    k16 = jnp.where(kk < half, kk, kk - half).astype(jnp.float32)
    dvv = jnp.exp(-k16 * (np.log(10000.0) / (half - 1)))
    sel = jnp.where(lax.shift_right_logical(ci3, 5) == ri3, dvv, 0.0)
    ph96 = jnp.where(kk < half, np.float32(np.pi / 2), 0.0)[0:1, :]

    ri = lax.broadcasted_iota(jnp.int32, (_LH, _LH), 0)
    ci = lax.broadcasted_iota(jnp.int32, (_LH, _LH), 1)
    causal = ci <= ri
    scale = 1.0 / np.sqrt(_D_MODEL)
    gi = lax.broadcasted_iota(jnp.int32, (_N_GROUPS, _LH), 0)

    def _one_batch(p):
        xb = _bf(x_ref[p, :_LH, :])
        tc3 = jnp.concatenate(
            [tm_ref[p, :, :_LH], tm_ref[p, :, 1:_L], dt_ref[p, :, :_LH]],
            axis=0)

        ang = _mm_tl(tc3, sel) - ph96
        c96 = jnp.cos(ang)
        te_h = c96[:, :_D_TIME] + c96[:, 2 * _D_TIME:]
        te_q = c96[:, _D_TIME:2 * _D_TIME]

        heads = []
        te_hb, te_qb = _bf(te_h), _bf(te_q)
        for h in range(_N_HEAD):
            cur = None
            for l in range(_N_LAYERS):
                i = h * _N_LAYERS + l
                wq, wk, wv = (_bf(wrefs[3 * i][...]),
                              _bf(wrefs[3 * i + 1][...]),
                              _bf(wrefs[3 * i + 2][...]))
                q = _mm(te_qb, wq[_D_MODEL:])
                if cur is not None:
                    q = q + _mm(_bf(cur), wq[:_D_MODEL])
                k = _mm(xb, wk[:_D_MODEL]) + _mm(te_hb, wk[_D_MODEL:])
                v = _mm(xb, wv[:_D_MODEL]) + _mm(te_hb, wv[_D_MODEL:])
                sc = jnp.where(causal, _mm_t(_bf(q), _bf(k)) * scale, -1e9)
                m = jnp.max(sc, axis=1, keepdims=True)
                pp = jnp.exp(sc - m)
                attn = pp / jnp.sum(pp, axis=1, keepdims=True)
                upd = jnp.tanh(_mm(_bf(attn), _bf(v)))
                cur = upd if cur is None else upd + cur
            heads.append(cur)
        enc = jnp.concatenate(heads, axis=1)

        gid = gid_ref[p][:, :_LH]
        mb = msk_ref[p][:, :_LH]
        oh = jnp.where((gi == gid) & mb, 1.0, 0.0)

        gsum = _mm(oh, enc)
        cnt = jnp.sum(oh, axis=1, keepdims=True)
        inv = 1.0 / jnp.maximum(cnt, 1.0)
        ind = jnp.where(cnt > 0.5, 1.0, 0.0)
        se = se_ref[p]
        re = re_ref[p]
        grep = jnp.concatenate([gsum * inv, ind * se, ind * re], axis=1)

        gp = _mm(grep, gpw_ref[...]) + gpb_ref[...]
        q2 = _mm(gp, mwq_ref[...]) + mbq_ref[...]
        k2 = _mm(gp, mwk_ref[...]) + mbk_ref[...]
        v2 = _mm(gp, mwv_ref[...]) + mbv_ref[...]
        hs = 1.0 / np.sqrt(_MHA_HD)
        outs = []
        for h in range(_GP_DIM // _MHA_HD):
            s = slice(h * _MHA_HD, (h + 1) * _MHA_HD)
            sc2 = _mm_t(q2[:, s], k2[:, s]) * hs
            m2 = jnp.max(sc2, axis=1, keepdims=True)
            p2 = jnp.exp(sc2 - m2)
            a2 = p2 / jnp.sum(p2, axis=1, keepdims=True)
            outs.append(_mm(a2, v2[:, s]))
        att = _mm(jnp.concatenate(outs, axis=1), mwo_ref[...]) + mbo_ref[...]

        def ln(xx, g, bb):
            mu = jnp.mean(xx, axis=1, keepdims=True)
            var = jnp.mean((xx - mu) ** 2, axis=1, keepdims=True)
            return (xx - mu) / jnp.sqrt(var + 1e-5) * g + bb

        gn = ln(gp + att, l1g_ref[...], l1b_ref[...])
        ffn = _mm(jnp.maximum(_mm(gn, fw1_ref[...]) + fb1_ref[...], 0.0),
                  fw2_ref[...]) + fb2_ref[...]
        gout = ln(gn + ffn, l2g_ref[...], l2b_ref[...])

        enhanced = _mm_tl(oh, gout)
        seb = jnp.broadcast_to(se, (_LH, _HIDDEN))
        reb = jnp.broadcast_to(re, (_LH, _HIDDEN))
        merged = jnp.concatenate([enc, seb, reb, enhanced], axis=1)
        return _bf(_mmb(merged, mgw_ref[...]) + mgb_ref[...])

    def _chunk_copy(step, p, j, off, w):
        return pltpu.make_async_copy(
            scr[p * _N_OCHUNK + j],
            out_ref.at[_PAIR * step + p, pl.ds(off, w), :],
            sems.at[p * _N_OCHUNK + j])

    @pl.when(b > 0)
    def _():
        for p in range(_PAIR):
            for j, (off, w) in enumerate(_OCHUNKS):
                _chunk_copy(b - 1, p, j, off, w).wait()

    intw_b = _bf(intw_ref[...])
    ib = intb_ref[...]
    for p in range(_PAIR):
        enh_b = _one_batch(p)
        for j, (off, w) in enumerate(_OCHUNKS):
            lg = _mm(enh_b[off:off + w], intw_b) + ib
            scr[p * _N_OCHUNK + j][...] = (
                jnp.maximum(lg, 0.0)
                + jnp.log(1.0 + jnp.exp(-jnp.abs(lg))))
            _chunk_copy(b, p, j, off, w).start()

    @pl.when(b == _NSTEP - 1)
    def _():
        for p in range(_PAIR):
            for j, (off, w) in enumerate(_OCHUNKS):
                _chunk_copy(b, p, j, off, w).wait()


def _full(shape):
    nd = len(shape)
    return pl.BlockSpec(shape, lambda b, _n=nd: (0,) * _n)


def _per_pair(shape):
    nd = len(shape)
    return pl.BlockSpec((_PAIR,) + shape[1:],
                        lambda b, _n=nd: (b,) + (0,) * (_n - 1))


_D_FEAT = 2 * _D_MODEL + 2 * _HIDDEN


def _tc_in_specs():
    specs = [
        _per_pair((_B, _L, _D_MODEL)),
        _per_pair((_B, 1, _L)),
        _per_pair((_B, 1, _L)),
        _per_pair((_B, 1, _L)),
        _per_pair((_B, 1, _L)),
        _per_pair((_B, 1, _HIDDEN)),
        _per_pair((_B, 1, _HIDDEN)),
    ]
    specs += [_full((_D_MODEL + _D_TIME, _D_MODEL))] * 12
    specs += [
        _full((_D_FEAT, _GP_DIM)), _full((1, _GP_DIM)),
        _full((_GP_DIM, _GP_DIM)), _full((_GP_DIM, _GP_DIM)),
        _full((_GP_DIM, _GP_DIM)), _full((_GP_DIM, _GP_DIM)),
        _full((1, _GP_DIM)), _full((1, _GP_DIM)),
        _full((1, _GP_DIM)), _full((1, _GP_DIM)),
        _full((_GP_DIM, _GP_DIM)), _full((1, _GP_DIM)),
        _full((_GP_DIM, _GP_DIM)), _full((1, _GP_DIM)),
        _full((1, _GP_DIM)), _full((1, _GP_DIM)),
        _full((1, _GP_DIM)), _full((1, _GP_DIM)),
        _full((_D_FEAT + _GP_DIM, _D_FEAT)), _full((1, _D_FEAT)),
        _full((_D_FEAT, _N_ENTITY)), _full((1, _N_ENTITY)),
    ]
    return specs


def _tc_call(*args):
    return pl.pallas_call(
        _tc_body,
        grid=(_NSTEP,),
        in_specs=_tc_in_specs(),
        out_specs=pl.BlockSpec(memory_space=pltpu.MemorySpace.HBM),
        out_shape=jax.ShapeDtypeStruct((_B, _LH, _N_ENTITY), jnp.float32),
        scratch_shapes=(
            [pltpu.VMEM((w, _N_ENTITY), jnp.float32)
             for _ in range(_PAIR) for _, w in _OCHUNKS]
            + [pltpu.SemaphoreType.DMA((_PAIR * _N_OCHUNK,))]),
    )(*args)


def kernel(subs, marks, objs, times, dt, mask, group_map, params):
    subs = subs.astype(jnp.int32)
    marks = marks.astype(jnp.int32)
    objs = objs.astype(jnp.int32)
    group_map = group_map.astype(jnp.int32)

    g_ids, x_rows, s_emb, r_emb = _sc_gather(
        subs.reshape(-1), marks.reshape(-1), objs.reshape(-1),
        group_map, params['event_emb'], params['sub_emb'], params['rel_emb'],
        subs[:, 0], marks[:, 0])

    p = params
    wqkv = []
    for h in range(_N_HEAD):
        for l in range(_N_LAYERS):
            wqkv += [p[f'Wq_{h}_{l}'], p[f'Wk_{h}_{l}'], p[f'Wv_{h}_{l}']]
    args = (
        x_rows.reshape(_B, _L, _D_MODEL),
        times.reshape(_B, 1, _L),
        dt.reshape(_B, 1, _L),
        g_ids.reshape(_B, 1, _L),
        mask.reshape(_B, 1, _L),
        s_emb.reshape(_B, 1, _HIDDEN),
        r_emb.reshape(_B, 1, _HIDDEN),
        *wqkv,
        p['gp_W'], p['gp_b'].reshape(1, _GP_DIM),
        p['mha_Wq'], p['mha_Wk'], p['mha_Wv'], p['mha_Wo'],
        p['mha_bq'].reshape(1, _GP_DIM), p['mha_bk'].reshape(1, _GP_DIM),
        p['mha_bv'].reshape(1, _GP_DIM), p['mha_bo'].reshape(1, _GP_DIM),
        p['ffn_W1'], p['ffn_b1'].reshape(1, _GP_DIM),
        p['ffn_W2'], p['ffn_b2'].reshape(1, _GP_DIM),
        p['ln1_g'].reshape(1, _GP_DIM), p['ln1_b'].reshape(1, _GP_DIM),
        p['ln2_g'].reshape(1, _GP_DIM), p['ln2_b'].reshape(1, _GP_DIM),
        p['mg_W'], p['mg_b'].reshape(1, -1),
        p['int_W'], p['int_b'].reshape(1, -1),
    )
    return _tc_call(*args)

# --- scband reference (transcript-rebuilt; emitter-appended) ---
"""Pipeline reference for scband-gatt-nhp-model-87179246174577 (READ-ONLY COPY).

The authoritative reference and input builder live on the scoring server;
editing this copy changes nothing except your own understanding.
"""

import jax, jax.numpy as jnp
import numpy as np

B, L = 8, 512
N_ENTITY, N_REL, N_GROUPS = 2000, 50, 100
HIDDEN = 128
D_MODEL, D_TIME, N_HEAD, N_LAYERS = 128, 32, 2, 2
D_TOTAL = D_MODEL * N_HEAD
D_FEAT = D_TOTAL + 2 * HIDDEN
GP_DIM = 64
MHA_HEADS = 2


def temporal_enc(t, d_time):
    half = d_time // 2
    i = jnp.arange(half)
    div = jnp.exp(-i * (np.log(10000.0) / max(half - 1, 1)))
    ang = t[..., None] * div
    return jnp.concatenate([jnp.sin(ang), jnp.cos(ang)], axis=-1)


def layer_norm(x, g, b, eps=1e-5):
    mu = x.mean(-1, keepdims=True)
    var = ((x - mu) ** 2).mean(-1, keepdims=True)
    return (x - mu) / jnp.sqrt(var + eps) * g + b


def make_params(key):
    ks = iter(jax.random.split(key, 64))
    p = {}
    def init(shape, scale=0.02):
        return jax.random.normal(next(ks), shape, dtype=jnp.float32) * scale
    p['event_emb'] = init((N_ENTITY, D_MODEL), 0.05)
    for h in range(N_HEAD):
        for l in range(N_LAYERS):
            for nm in ('Wq', 'Wk', 'Wv'):
                p[f'{nm}_{h}_{l}'] = init((D_MODEL + D_TIME, D_MODEL))
    p['sub_emb'] = init((N_ENTITY, HIDDEN), 0.05)
    p['rel_emb'] = init((N_REL, HIDDEN), 0.05)
    p['gp_W'] = init((D_FEAT, GP_DIM)); p['gp_b'] = jnp.zeros((GP_DIM,), jnp.float32)
    for nm in ('q', 'k', 'v', 'o'):
        p[f'mha_W{nm}'] = init((GP_DIM, GP_DIM)); p[f'mha_b{nm}'] = jnp.zeros((GP_DIM,), jnp.float32)
    p['ffn_W1'] = init((GP_DIM, GP_DIM)); p['ffn_b1'] = jnp.zeros((GP_DIM,), jnp.float32)
    p['ffn_W2'] = init((GP_DIM, GP_DIM)); p['ffn_b2'] = jnp.zeros((GP_DIM,), jnp.float32)
    p['ln1_g'] = jnp.ones((GP_DIM,), jnp.float32); p['ln1_b'] = jnp.zeros((GP_DIM,), jnp.float32)
    p['ln2_g'] = jnp.ones((GP_DIM,), jnp.float32); p['ln2_b'] = jnp.zeros((GP_DIM,), jnp.float32)
    p['mg_W'] = init((D_FEAT + GP_DIM, D_FEAT)); p['mg_b'] = jnp.zeros((D_FEAT,), jnp.float32)
    p['int_W'] = init((D_FEAT, N_ENTITY)); p['int_b'] = jnp.zeros((N_ENTITY,), jnp.float32)
    return p


def setup_inputs(seed: int = 0):
    key = jax.random.key(seed)
    k = jax.random.split(key, 8)
    subs = jax.random.randint(k[0], (B, L), 0, N_ENTITY)
    marks = jax.random.randint(k[1], (B, L), 0, N_REL)
    objs = jax.random.randint(k[2], (B, L), 0, N_ENTITY)
    times = jnp.sort(jax.random.uniform(k[3], (B, L), dtype=jnp.float32) * 100.0, axis=1)
    dt = jnp.concatenate([jnp.zeros((B, 1), jnp.float32), jnp.diff(times, axis=1)], axis=1)
    mask = jax.random.randint(k[4], (B, L), 0, 2).astype(bool)
    group_map = jax.random.randint(k[5], (N_ENTITY * N_REL,), 0, N_GROUPS)
    params = make_params(k[6])
    return {"subs": subs, "marks": marks, "objs": objs, "times": times, "dt": dt, "mask": mask, "group_map": group_map, "params": params}


def attnhp_core(hist_objs, hist_times, hist_dt, attn_mask, query_times, params):
    x = params['event_emb'][hist_objs]
    te_hist = temporal_enc(hist_times, D_TIME) + temporal_enc(hist_dt, D_TIME)
    te_q = temporal_enc(query_times, D_TIME)
    heads = []
    for h in range(N_HEAD):
        cur = jnp.zeros_like(x)
        for l in range(N_LAYERS):
            qin = jnp.concatenate([cur, te_q], axis=-1)
            kin = jnp.concatenate([x, te_hist], axis=-1)
            q = qin @ params[f'Wq_{h}_{l}']
            kk = kin @ params[f'Wk_{h}_{l}']
            v = kin @ params[f'Wv_{h}_{l}']
            scores = jnp.einsum('bqd,bkd->bqk', q, kk) / np.sqrt(D_MODEL)
            scores = jnp.where(attn_mask[None, :, :] > 0, scores, -1e9)
            attn = jax.nn.softmax(scores, axis=-1)
            cur = jnp.tanh(jnp.einsum('bqk,bkd->bqd', attn, v)) + cur
        heads.append(cur)
    return jnp.concatenate(heads, axis=-1)


def forward(times, dt, params, subs, marks, objs, mask, group_map):
    Bx, Lx = objs.shape
    Lh = Lx - 1
    g_ids = group_map[subs * N_REL + marks]
    attn_mask = jnp.tril(jnp.ones((Lh, Lh), dtype=jnp.float32))
    enc_out = attnhp_core(objs[:, :-1], times[:, :-1], dt[:, :-1], attn_mask, times[:, 1:], params)
    s_emb = jnp.broadcast_to(params['sub_emb'][subs[:, 0]][:, None, :], (Bx, Lh, HIDDEN))
    r_emb = jnp.broadcast_to(params['rel_emb'][marks[:, 0]][:, None, :], (Bx, Lh, HIDDEN))
    base = jnp.concatenate([enc_out, s_emb, r_emb], axis=-1)
    flat = base.reshape(-1, D_FEAT)
    flat_g = g_ids[:, :-1].reshape(-1)
    flat_m = mask[:, :-1].reshape(-1).astype(jnp.float32)
    batch_ids = jnp.repeat(jnp.arange(Bx), Lh)
    keys = batch_ids * N_GROUPS + flat_g
    nseg = Bx * N_GROUPS
    gsum = jax.ops.segment_sum(flat * flat_m[:, None], keys, num_segments=nseg)
    gcnt = jax.ops.segment_sum(flat_m, keys, num_segments=nseg)
    grep = (gsum / jnp.clip(gcnt, 1.0, None)[:, None]).reshape(Bx, N_GROUPS, D_FEAT)
    Gp = grep @ params['gp_W'] + params['gp_b']
    hd = GP_DIM // MHA_HEADS
    def split(t):
        return t.reshape(Bx, N_GROUPS, MHA_HEADS, hd).transpose(0, 2, 1, 3)
    q = split(Gp @ params['mha_Wq'] + params['mha_bq'])
    kk = split(Gp @ params['mha_Wk'] + params['mha_bk'])
    v = split(Gp @ params['mha_Wv'] + params['mha_bv'])
    sc = jnp.einsum('bhqd,bhkd->bhqk', q, kk) / np.sqrt(hd)
    att = jnp.einsum('bhqk,bhkd->bhqd', jax.nn.softmax(sc, axis=-1), v)
    att = att.transpose(0, 2, 1, 3).reshape(Bx, N_GROUPS, GP_DIM)
    att = att @ params['mha_Wo'] + params['mha_bo']
    Gn = layer_norm(Gp + att, params['ln1_g'], params['ln1_b'])
    ffn = jax.nn.relu(Gn @ params['ffn_W1'] + params['ffn_b1']) @ params['ffn_W2'] + params['ffn_b2']
    Gout = layer_norm(Gn + ffn, params['ln2_g'], params['ln2_b'])
    Gflat = Gout.reshape(-1, GP_DIM)
    enhanced = Gflat[keys] * flat_m[:, None]
    merged = jnp.concatenate([flat, enhanced], axis=-1)
    enh = (merged @ params['mg_W'] + params['mg_b']).reshape(Bx, Lh, D_FEAT)
    lam = jax.nn.softplus(enh @ params['int_W'] + params['int_b'])
    return lam


def reference(subs, marks, objs, times, dt, mask, group_map, params):
    return forward(times, dt, params, subs, marks, objs, mask, group_map)

if __name__ == "__main__":
    import jax
    _d = setup_inputs()
    print(jax.jit(kernel)(*tuple(_d.values())))

</pallas_src>

<mosaic_0001>
#map = affine_map<(d0, d1) -> (0)>
#map1 = affine_map<(d0, d1) -> (0, 0)>
module attributes {stable_mosaic.version = 14 : i64} {
  func.func @_sc_gather_body(%arg0: i32, %arg1: i32, %arg2: memref<4096xi32, #tpu.memory_space<hbm>>, %arg3: memref<4096xi32, #tpu.memory_space<hbm>>, %arg4: memref<4096xi32, #tpu.memory_space<hbm>>, %arg5: memref<100000xi32, #tpu.memory_space<hbm>>, %arg6: memref<2000x128xf32, #tpu.memory_space<hbm>>, %arg7: memref<2000x128xf32, #tpu.memory_space<hbm>>, %arg8: memref<50x128xf32, #tpu.memory_space<hbm>>, %arg9: memref<8xi32, #tpu.memory_space<hbm>>, %arg10: memref<8xi32, #tpu.memory_space<hbm>>, %arg11: memref<4096xi32, #tpu.memory_space<hbm>>, %arg12: memref<4096x128xf32, #tpu.memory_space<hbm>>, %arg13: memref<8x128xf32, #tpu.memory_space<hbm>>, %arg14: memref<8x128xf32, #tpu.memory_space<hbm>>, %arg15: memref<128xi32, #tpu.memory_space<vmem>>, %arg16: memref<128xi32, #tpu.memory_space<vmem>>, %arg17: memref<128xi32, #tpu.memory_space<vmem>>, %arg18: memref<128x128xf32, #tpu.memory_space<vmem>>, %arg19: memref<8xi32, #tpu.memory_space<vmem>>, %arg20: memref<8x128xf32, #tpu.memory_space<vmem>>, %arg21: memref<!tpu.dma_semaphore, #tpu.memory_space<semaphore_mem>>, %arg22: memref<!tpu.dma_semaphore, #tpu.memory_space<semaphore_mem>>) attributes {dimension_semantics = [#tpu.dimension_semantics<core_parallel>, #tpu.dimension_semantics<subcore_parallel>], iteration_bounds = array<i64: 2, 16>, scalar_prefetch = 0 : i64, scratch_operands = 8 : i64, tpu.core_type = #tpu.core_type<sc_vector_subcore>, window_params = [{transform_indices = #map}, {transform_indices = #map}, {transform_indices = #map}, {transform_indices = #map}, {transform_indices = #map1}, {transform_indices = #map1}, {transform_indices = #map1}, {transform_indices = #map}, {transform_indices = #map}, {transform_indices = #map}, {transform_indices = #map1}, {transform_indices = #map1}, {transform_indices = #map1}]} {
    %mul3A = arith.constant 2 : i32
    %mul3A_0 = arith.muli %arg1, %mul3A : i32
    %add3A = arith.addi %mul3A_0, %arg0 : i32
    %mul3A_1 = arith.constant 128 : i32
    %mul3A_2 = arith.muli %add3A, %mul3A_1 : i32
    "tpu.region"() ({
      %run_scoped3A = tpu.sem_alloc : memref<!tpu.dma_semaphore, #tpu.memory_space<semaphore_mem>>
      %dma_start3A_128 = tpu.memref_slice %arg2[%mul3A_2] : memref<4096xi32, #tpu.memory_space<hbm>> -> memref<128xi32, #tpu.memory_space<hbm>>
      %dma_start3A_129 = tpu.memref_slice %arg2[%mul3A_2] : memref<4096xi32, #tpu.memory_space<hbm>> -> memref<128xi32, #tpu.memory_space<hbm>>
      tpu.enqueue_dma source(%dma_start3A_129 : memref<128xi32, #tpu.memory_space<hbm>>) target(%arg15 : memref<128xi32, #tpu.memory_space<vmem>>) target_semaphore(%run_scoped3A : memref<!tpu.dma_semaphore, #tpu.memory_space<semaphore_mem>>)
      %dma_wait3A_130 = tpu.memref_slice %arg2[%mul3A_2] : memref<4096xi32, #tpu.memory_space<hbm>> -> memref<128xi32, #tpu.memory_space<hbm>>
      %dma_wait3A_131 = tpu.memref_slice %arg2[%mul3A_2] : memref<4096xi32, #tpu.memory_space<hbm>> -> memref<128xi32, #tpu.memory_space<hbm>>
      tpu.wait_dma2 semaphore(%run_scoped3A : memref<!tpu.dma_semaphore, #tpu.memory_space<semaphore_mem>>) src(%dma_wait3A_131 : memref<128xi32, #tpu.memory_space<hbm>>) dst(%arg15 : memref<128xi32, #tpu.memory_space<vmem>>)
      tpu.yield
    }) : () -> ()
    "tpu.region"() ({
      %run_scoped3A = tpu.sem_alloc : memref<!tpu.dma_semaphore, #tpu.memory_space<semaphore_mem>>
      %dma_start3A_128 = tpu.memref_slice %arg3[%mul3A_2] : memref<4096xi32, #tpu.memory_space<hbm>> -> memref<128xi32, #tpu.memory_space<hbm>>
      %dma_start3A_129 = tpu.memref_slice %arg3[%mul3A_2] : memref<4096xi32, #tpu.memory_space<hbm>> -> memref<128xi32, #tpu.memory_space<hbm>>
      tpu.enqueue_dma source(%dma_start3A_129 : memref<128xi32, #tpu.memory_space<hbm>>) target(%arg16 : memref<128xi32, #tpu.memory_space<vmem>>) target_semaphore(%run_scoped3A : memref<!tpu.dma_semaphore, #tpu.memory_space<semaphore_mem>>)
      %dma_wait3A_130 = tpu.memref_slice %arg3[%mul3A_2] : memref<4096xi32, #tpu.memory_space<hbm>> -> memref<128xi32, #tpu.memory_space<hbm>>
      %dma_wait3A_131 = tpu.memref_slice %arg3[%mul3A_2] : memref<4096xi32, #tpu.memory_space<hbm>> -> memref<128xi32, #tpu.memory_space<hbm>>
      tpu.wait_dma2 semaphore(%run_scoped3A : memref<!tpu.dma_semaphore, #tpu.memory_space<semaphore_mem>>) src(%dma_wait3A_131 : memref<128xi32, #tpu.memory_space<hbm>>) dst(%arg16 : memref<128xi32, #tpu.memory_space<vmem>>)
      tpu.yield
    }) : () -> ()
    "tpu.region"() ({
      %run_scoped3A = tpu.sem_alloc : memref<!tpu.dma_semaphore, #tpu.memory_space<semaphore_mem>>
      %dma_start3A_128 = tpu.memref_slice %arg4[%mul3A_2] : memref<4096xi32, #tpu.memory_space<hbm>> -> memref<128xi32, #tpu.memory_space<hbm>>
      %dma_start3A_129 = tpu.memref_slice %arg4[%mul3A_2] : memref<4096xi32, #tpu.memory_space<hbm>> -> memref<128xi32, #tpu.memory_space<hbm>>
      tpu.enqueue_dma source(%dma_start3A_129 : memref<128xi32, #tpu.memory_space<hbm>>) target(%arg17 : memref<128xi32, #tpu.memory_space<vmem>>) target_semaphore(%run_scoped3A : memref<!tpu.dma_semaphore, #tpu.memory_space<semaphore_mem>>)
      %dma_wait3A_130 = tpu.memref_slice %arg4[%mul3A_2] : memref<4096xi32, #tpu.memory_space<hbm>> -> memref<128xi32, #tpu.memory_space<hbm>>
      %dma_wait3A_131 = tpu.memref_slice %arg4[%mul3A_2] : memref<4096xi32, #tpu.memory_space<hbm>> -> memref<128xi32, #tpu.memory_space<hbm>>
      tpu.wait_dma2 semaphore(%run_scoped3A : memref<!tpu.dma_semaphore, #tpu.memory_space<semaphore_mem>>) src(%dma_wait3A_131 : memref<128xi32, #tpu.memory_space<hbm>>) dst(%arg17 : memref<128xi32, #tpu.memory_space<vmem>>)
      tpu.yield
    }) : () -> ()
    %get3A = arith.constant 0 : index
    %get3A_3 = tpu.vector_load %arg15[%get3A] {strides = array<i32>} : memref<128xi32, #tpu.memory_space<vmem>>, vector<16xi32>,
    %get3A_4 = vector.shape_cast %get3A_3 : vector<16xi32> to vector<16xi32>
    %mul3A_5 = arith.constant 50 : i32
    %mul3A_6 = vector.broadcast %mul3A_5 : i32 to vector<16xi32>
    %mul3A_7 = arith.muli %get3A_4, %mul3A_6 : vector<16xi32>
    %get3A_8 = arith.constant 0 : index
    %get3A_9 = tpu.vector_load %arg16[%get3A_8] {strides = array<i32>} : memref<128xi32, #tpu.memory_space<vmem>>, vector<16xi32>,
    %get3A_10 = vector.shape_cast %get3A_9 : vector<16xi32> to vector<16xi32>
    %add3A_11 = arith.addi %mul3A_7, %get3A_10 : vector<16xi32>
    %swap3A = arith.constant 0 : index
    %swap3A_12 = tpu.vector_load %arg16[%swap3A] {strides = array<i32>} : memref<128xi32, #tpu.memory_space<vmem>>, vector<16xi32>,
    %swap3A_13 = vector.shape_cast %swap3A_12 : vector<16xi32> to vector<16xi32>
    %swap3A_14 = vector.shape_cast %add3A_11 : vector<16xi32> to vector<16xi32>
    tpu.vector_store %arg16[%swap3A], %swap3A_14 {strides = array<i32>} : memref<128xi32, #tpu.memory_space<vmem>>, vector<16xi32>,
    %get3A_15 = arith.constant 16 : index
    %get3A_16 = tpu.vector_load %arg15[%get3A_15] {strides = array<i32>} : memref<128xi32, #tpu.memory_space<vmem>>, vector<16xi32>,
    %get3A_17 = vector.shape_cast %get3A_16 : vector<16xi32> to vector<16xi32>
    %mul3A_18 = arith.constant 50 : i32
    %mul3A_19 = vector.broadcast %mul3A_18 : i32 to vector<16xi32>
    %mul3A_20 = arith.muli %get3A_17, %mul3A_19 : vector<16xi32>
    %get3A_21 = arith.constant 16 : index
    %get3A_22 = tpu.vector_load %arg16[%get3A_21] {strides = array<i32>} : memref<128xi32, #tpu.memory_space<vmem>>, vector<16xi32>,
    %get3A_23 = vector.shape_cast %get3A_22 : vector<16xi32> to vector<16xi32>
    %add3A_24 = arith.addi %mul3A_20, %get3A_23 : vector<16xi32>
    %swap3A_25 = arith.constant 16 : index
    %swap3A_26 = tpu.vector_load %arg16[%swap3A_25] {strides = array<i32>} : memref<128xi32, #tpu.memory_space<vmem>>, vector<16xi32>,
    %swap3A_27 = vector.shape_cast %swap3A_26 : vector<16xi32> to vector<16xi32>
    %swap3A_28 = vector.shape_cast %add3A_24 : vector<16xi32> to vector<16xi32>
    tpu.vector_store %arg16[%swap3A_25], %swap3A_28 {strides = array<i32>} : memref<128xi32, #tpu.memory_space<vmem>>, vector<16xi32>,
    %get3A_29 = arith.constant 32 : index
    %get3A_30 = tpu.vector_load %arg15[%get3A_29] {strides = array<i32>} : memref<128xi32, #tpu.memory_space<vmem>>, vector<16xi32>,
    %get3A_31 = vector.shape_cast %get3A_30 : vector<16xi32> to vector<16xi32>
    %mul3A_32 = arith.constant 50 : i32
    %mul3A_33 = vector.broadcast %mul3A_32 : i32 to vector<16xi32>
    %mul3A_34 = arith.muli %get3A_31, %mul3A_33 : vector<16xi32>
    %get3A_35 = arith.constant 32 : index
    %get3A_36 = tpu.vector_load %arg16[%get3A_35] {strides = array<i32>} : memref<128xi32, #tpu.memory_space<vmem>>, vector<16xi32>,
    %get3A_37 = vector.shape_cast %get3A_36 : vector<16xi32> to vector<16xi32>
    %add3A_38 = arith.addi %mul3A_34, %get3A_37 : vector<16xi32>
    %swap3A_39 = arith.constant 32 : index
    %swap3A_40 = tpu.vector_load %arg16[%swap3A_39] {strides = array<i32>} : memref<128xi32, #tpu.memory_space<vmem>>, vector<16xi32>,
    %swap3A_41 = vector.shape_cast %swap3A_40 : vector<16xi32> to vector<16xi32>
    %swap3A_42 = vector.shape_cast %add3A_38 : vector<16xi32> to vector<16xi32>
    tpu.vector_store %arg16[%swap3A_39], %swap3A_42 {strides = array<i32>} : memref<128xi32, #tpu.memory_space<vmem>>, vector<16xi32>,
    %get3A_43 = arith.constant 48 : index
    %get3A_44 = tpu.vector_load %arg15[%get3A_43] {strides = array<i32>} : memref<128xi32, #tpu.memory_space<vmem>>, vector<16xi32>,
    %get3A_45 = vector.shape_cast %get3A_44 : vector<16xi32> to vector<16xi32>
    %mul3A_46 = arith.constant 50 : i32
    %mul3A_47 = vector.broadcast %mul3A_46 : i32 to vector<16xi32>
    %mul3A_48 = arith.muli %get3A_45, %mul3A_47 : vector<16xi32>
    %get3A_49 = arith.constant 48 : index
    %get3A_50 = tpu.vector_load %arg16[%get3A_49] {strides = array<i32>} : memref<128xi32, #tpu.memory_space<vmem>>, vector<16xi32>,
    %get3A_51 = vector.shape_cast %get3A_50 : vector<16xi32> to vector<16xi32>
    %add3A_52 = arith.addi %mul3A_48, %get3A_51 : vector<16xi32>
    %swap3A_53 = arith.constant 48 : index
    %swap3A_54 = tpu.vector_load %arg16[%swap3A_53] {strides = array<i32>} : memref<128xi32, #tpu.memory_space<vmem>>, vector<16xi32>,
    %swap3A_55 = vector.shape_cast %swap3A_54 : vector<16xi32> to vector<16xi32>
    %swap3A_56 = vector.shape_cast %add3A_52 : vector<16xi32> to vector<16xi32>
    tpu.vector_store %arg16[%swap3A_53], %swap3A_56 {strides = array<i32>} : memref<128xi32, #tpu.memory_space<vmem>>, vector<16xi32>,
    %get3A_57 = arith.constant 64 : index
    %get3A_58 = tpu.vector_load %arg15[%get3A_57] {strides = array<i32>} : memref<128xi32, #tpu.memory_space<vmem>>, vector<16xi32>,
    %get3A_59 = vector.shape_cast %get3A_58 : vector<16xi32> to vector<16xi32>
    %mul3A_60 = arith.constant 50 : i32
    %mul3A_61 = vector.broadcast %mul3A_60 : i32 to vector<16xi32>
    %mul3A_62 = arith.muli %get3A_59, %mul3A_61 : vector<16xi32>
    %get3A_63 = arith.constant 64 : index
    %get3A_64 = tpu.vector_load %arg16[%get3A_63] {strides = array<i32>} : memref<128xi32, #tpu.memory_space<vmem>>, vector<16xi32>,
    %get3A_65 = vector.shape_cast %get3A_64 : vector<16xi32> to vector<16xi32>
    %add3A_66 = arith.addi %mul3A_62, %get3A_65 : vector<16xi32>
    %swap3A_67 = arith.constant 64 : index
    %swap3A_68 = tpu.vector_load %arg16[%swap3A_67] {strides = array<i32>} : memref<128xi32, #tpu.memory_space<vmem>>, vector<16xi32>,
    %swap3A_69 = vector.shape_cast %swap3A_68 : vector<16xi32> to vector<16xi32>
    %swap3A_70 = vector.shape_cast %add3A_66 : vector<16xi32> to vector<16xi32>
    tpu.vector_store %arg16[%swap3A_67], %swap3A_70 {strides = array<i32>} : memref<128xi32, #tpu.memory_space<vmem>>, vector<16xi32>,
    %get3A_71 = arith.constant 80 : index
    %get3A_72 = tpu.vector_load %arg15[%get3A_71] {strides = array<i32>} : memref<128xi32, #tpu.memory_space<vmem>>, vector<16xi32>,
    %get3A_73 = vector.shape_cast %get3A_72 : vector<16xi32> to vector<16xi32>
    %mul3A_74 = arith.constant 50 : i32
    %mul3A_75 = vector.broadcast %mul3A_74 : i32 to vector<16xi32>
    %mul3A_76 = arith.muli %get3A_73, %mul3A_75 : vector<16xi32>
    %get3A_77 = arith.constant 80 : index
    %get3A_78 = tpu.vector_load %arg16[%get3A_77] {strides = array<i32>} : memref<128xi32, #tpu.memory_space<vmem>>, vector<16xi32>,
    %get3A_79 = vector.shape_cast %get3A_78 : vector<16xi32> to vector<16xi32>
    %add3A_80 = arith.addi %mul3A_76, %get3A_79 : vector<16xi32>
    %swap3A_81 = arith.constant 80 : index
    %swap3A_82 = tpu.vector_load %arg16[%swap3A_81] {strides = array<i32>} : memref<128xi32, #tpu.memory_space<vmem>>, vector<16xi32>,
    %swap3A_83 = vector.shape_cast %swap3A_82 : vector<16xi32> to vector<16xi32>
    %swap3A_84 = vector.shape_cast %add3A_80 : vector<16xi32> to vector<16xi32>
    tpu.vector_store %arg16[%swap3A_81], %swap3A_84 {strides = array<i32>} : memref<128xi32, #tpu.memory_space<vmem>>, vector<16xi32>,
    %get3A_85 = arith.constant 96 : index
    %get3A_86 = tpu.vector_load %arg15[%get3A_85] {strides = array<i32>} : memref<128xi32, #tpu.memory_space<vmem>>, vector<16xi32>,
    %get3A_87 = vector.shape_cast %get3A_86 : vector<16xi32> to vector<16xi32>
    %mul3A_88 = arith.constant 50 : i32
    %mul3A_89 = vector.broadcast %mul3A_88 : i32 to vector<16xi32>
    %mul3A_90 = arith.muli %get3A_87, %mul3A_89 : vector<16xi32>
    %get3A_91 = arith.constant 96 : index
    %get3A_92 = tpu.vector_load %arg16[%get3A_91] {strides = array<i32>} : memref<128xi32, #tpu.memory_space<vmem>>, vector<16xi32>,
    %get3A_93 = vector.shape_cast %get3A_92 : vector<16xi32> to vector<16xi32>
    %add3A_94 = arith.addi %mul3A_90, %get3A_93 : vector<16xi32>
    %swap3A_95 = arith.constant 96 : index
    %swap3A_96 = tpu.vector_load %arg16[%swap3A_95] {strides = array<i32>} : memref<128xi32, #tpu.memory_space<vmem>>, vector<16xi32>,
    %swap3A_97 = vector.shape_cast %swap3A_96 : vector<16xi32> to vector<16xi32>
    %swap3A_98 = vector.shape_cast %add3A_94 : vector<16xi32> to vector<16xi32>
    tpu.vector_store %arg16[%swap3A_95], %swap3A_98 {strides = array<i32>} : memref<128xi32, #tpu.memory_space<vmem>>, vector<16xi32>,
    %get3A_99 = arith.constant 112 : index
    %get3A_100 = tpu.vector_load %arg15[%get3A_99] {strides = array<i32>} : memref<128xi32, #tpu.memory_space<vmem>>, vector<16xi32>,
    %get3A_101 = vector.shape_cast %get3A_100 : vector<16xi32> to vector<16xi32>
    %mul3A_102 = arith.constant 50 : i32
    %mul3A_103 = vector.broadcast %mul3A_102 : i32 to vector<16xi32>
    %mul3A_104 = arith.muli %get3A_101, %mul3A_103 : vector<16xi32>
    %get3A_105 = arith.constant 112 : index
    %get3A_106 = tpu.vector_load %arg16[%get3A_105] {strides = array<i32>} : memref<128xi32, #tpu.memory_space<vmem>>, vector<16xi32>,
    %get3A_107 = vector.shape_cast %get3A_106 : vector<16xi32> to vector<16xi32>
    %add3A_108 = arith.addi %mul3A_104, %get3A_107 : vector<16xi32>
    %swap3A_109 = arith.constant 112 : index
    %swap3A_110 = tpu.vector_load %arg16[%swap3A_109] {strides = array<i32>} : memref<128xi32, #tpu.memory_space<vmem>>, vector<16xi32>,
    %swap3A_111 = vector.shape_cast %swap3A_110 : vector<16xi32> to vector<16xi32>
    %swap3A_112 = vector.shape_cast %add3A_108 : vector<16xi32> to vector<16xi32>
    tpu.vector_store %arg16[%swap3A_109], %swap3A_112 {strides = array<i32>} : memref<128xi32, #tpu.memory_space<vmem>>, vector<16xi32>,
    %dma_start3A = arith.constant 0 : i32
    %dma_start3A_113 = tpu.memref_slice %arg5[%dma_start3A] : memref<100000xi32, #tpu.memory_space<hbm>> -> memref<100000xi32, #tpu.memory_space<hbm>>
    tpu.enqueue_indirect_dma source(%dma_start3A_113 : memref<100000xi32, #tpu.memory_space<hbm>>) target(%arg15 : memref<128xi32, #tpu.memory_space<vmem>>) offsets(%arg16 : memref<128xi32, #tpu.memory_space<vmem>>) semaphore(%arg21 : memref<!tpu.dma_semaphore, #tpu.memory_space<semaphore_mem>>)
    %dma_start3A_114 = arith.constant 0 : i32
    %dma_start3A_115 = arith.constant 0 : i32
    %dma_start3A_116 = tpu.memref_slice %arg6[%dma_start3A_114, %dma_start3A_115] : memref<2000x128xf32, #tpu.memory_space<hbm>> -> memref<2000x128xf32, #tpu.memory_space<hbm>>
    tpu.enqueue_indirect_dma source(%dma_start3A_116 : memref<2000x128xf32, #tpu.memory_space<hbm>>) target(%arg18 : memref<128x128xf32, #tpu.memory_space<vmem>>) offsets(%arg17 : memref<128xi32, #tpu.memory_space<vmem>>) semaphore(%arg22 : memref<!tpu.dma_semaphore, #tpu.memory_space<semaphore_mem>>)
    %dma_wait3A = arith.constant 0 : i32
    %dma_wait3A_117 = tpu.memref_slice %arg5[%dma_wait3A] : memref<100000xi32, #tpu.memory_space<hbm>> -> memref<100000xi32, #tpu.memory_space<hbm>>
    tpu.wait_indirect_dma semaphore(%arg21 : memref<!tpu.dma_semaphore, #tpu.memory_space<semaphore_mem>>) src(%dma_wait3A_117 : memref<100000xi32, #tpu.memory_space<hbm>>) dst(%arg15 : memref<128xi32, #tpu.memory_space<vmem>>)
    "tpu.region"() ({
      %run_scoped3A = tpu.sem_alloc : memref<!tpu.dma_semaphore, #tpu.memory_space<semaphore_mem>>
      %dma_start3A_128 = tpu.memref_slice %arg11[%mul3A_2] : memref<4096xi32, #tpu.memory_space<hbm>> -> memref<128xi32, #tpu.memory_space<hbm>>
      %dma_start3A_129 = tpu.memref_slice %arg11[%mul3A_2] : memref<4096xi32, #tpu.memory_space<hbm>> -> memref<128xi32, #tpu.memory_space<hbm>>
      tpu.enqueue_dma source(%arg15 : memref<128xi32, #tpu.memory_space<vmem>>) target(%dma_start3A_129 : memref<128xi32, #tpu.memory_space<hbm>>) target_semaphore(%run_scoped3A : memref<!tpu.dma_semaphore, #tpu.memory_space<semaphore_mem>>)
      %dma_wait3A_130 = tpu.memref_slice %arg11[%mul3A_2] : memref<4096xi32, #tpu.memory_space<hbm>> -> memref<128xi32, #tpu.memory_space<hbm>>
      %dma_wait3A_131 = tpu.memref_slice %arg11[%mul3A_2] : memref<4096xi32, #tpu.memory_space<hbm>> -> memref<128xi32, #tpu.memory_space<hbm>>
      tpu.wait_dma2 semaphore(%run_scoped3A : memref<!tpu.dma_semaphore, #tpu.memory_space<semaphore_mem>>) src(%arg15 : memref<128xi32, #tpu.memory_space<vmem>>) dst(%dma_wait3A_131 : memref<128xi32, #tpu.memory_space<hbm>>)
      tpu.yield
    }) : () -> ()
    %dma_wait3A_118 = arith.constant 0 : i32
    %dma_wait3A_119 = arith.constant 0 : i32
    %dma_wait3A_120 = tpu.memref_slice %arg6[%dma_wait3A_118, %dma_wait3A_119] : memref<2000x128xf32, #tpu.memory_space<hbm>> -> memref<2000x128xf32, #tpu.memory_space<hbm>>
    tpu.wait_indirect_dma semaphore(%arg22 : memref<!tpu.dma_semaphore, #tpu.memory_space<semaphore_mem>>) src(%dma_wait3A_120 : memref<2000x128xf32, #tpu.memory_space<hbm>>) dst(%arg18 : memref<128x128xf32, #tpu.memory_space<vmem>>)
    "tpu.region"() ({
      %run_scoped3A = tpu.sem_alloc : memref<!tpu.dma_semaphore, #tpu.memory_space<semaphore_mem>>
      %dma_start3A_128 = arith.constant 0 : i32
      %dma_start3A_129 = tpu.memref_slice %arg12[%mul3A_2, %dma_start3A_128] : memref<4096x128xf32, #tpu.memory_space<hbm>> -> memref<128x128xf32, #tpu.memory_space<hbm>>
      %dma_start3A_130 = arith.constant 0 : i32
      %dma_start3A_131 = tpu.memref_slice %arg12[%mul3A_2, %dma_start3A_130] : memref<4096x128xf32, #tpu.memory_space<hbm>> -> memref<128x128xf32, #tpu.memory_space<hbm>>
      tpu.enqueue_dma source(%arg18 : memref<128x128xf32, #tpu.memory_space<vmem>>) target(%dma_start3A_131 : memref<128x128xf32, #tpu.memory_space<hbm>>) target_semaphore(%run_scoped3A : memref<!tpu.dma_semaphore, #tpu.memory_space<semaphore_mem>>)
      %dma_wait3A_132 = arith.constant 0 : i32
      %dma_wait3A_133 = tpu.memref_slice %arg12[%mul3A_2, %dma_wait3A_132] : memref<4096x128xf32, #tpu.memory_space<hbm>> -> memref<128x128xf32, #tpu.memory_space<hbm>>
      %dma_wait3A_134 = arith.constant 0 : i32
      %dma_wait3A_135 = tpu.memref_slice %arg12[%mul3A_2, %dma_wait3A_134] : memref<4096x128xf32, #tpu.memory_space<hbm>> -> memref<128x128xf32, #tpu.memory_space<hbm>>
      tpu.wait_dma2 semaphore(%run_scoped3A : memref<!tpu.dma_semaphore, #tpu.memory_space<semaphore_mem>>) src(%arg18 : memref<128x128xf32, #tpu.memory_space<vmem>>) dst(%dma_wait3A_135 : memref<128x128xf32, #tpu.memory_space<hbm>>)
      tpu.yield
    }) : () -> ()
    %eq3A = arith.constant 0 : i32
    %eq3A_121 = arith.cmpi eq, %add3A, %eq3A : i32
    %convert_element_type3A = arith.extui %eq3A_121 : i1 to i32
    %cond3A = arith.constant 0 : i32
    %cond3A_122 = arith.cmpi ne, %convert_element_type3A, %cond3A : i32
    scf.if %cond3A_122 {
      "tpu.region"() ({
        %run_scoped3A = tpu.sem_alloc : memref<!tpu.dma_semaphore, #tpu.memory_space<semaphore_mem>>
        tpu.enqueue_dma source(%arg9 : memref<8xi32, #tpu.memory_space<hbm>>) target(%arg19 : memref<8xi32, #tpu.memory_space<vmem>>) target_semaphore(%run_scoped3A : memref<!tpu.dma_semaphore, #tpu.memory_space<semaphore_mem>>)
        tpu.wait_dma2 semaphore(%run_scoped3A : memref<!tpu.dma_semaphore, #tpu.memory_space<semaphore_mem>>) src(%arg9 : memref<8xi32, #tpu.memory_space<hbm>>) dst(%arg19 : memref<8xi32, #tpu.memory_space<vmem>>)
        tpu.yield
      }) : () -> ()
      %dma_start3A_128 = arith.constant 0 : i32
      %dma_start3A_129 = arith.constant 0 : i32
      %dma_start3A_130 = tpu.memref_slice %arg7[%dma_start3A_128, %dma_start3A_129] : memref<2000x128xf32, #tpu.memory_space<hbm>> -> memref<2000x128xf32, #tpu.memory_space<hbm>>
      tpu.enqueue_indirect_dma source(%dma_start3A_130 : memref<2000x128xf32, #tpu.memory_space<hbm>>) target(%arg20 : memref<8x128xf32, #tpu.memory_space<vmem>>) offsets(%arg19 : memref<8xi32, #tpu.memory_space<vmem>>) semaphore(%arg21 : memref<!tpu.dma_semaphore, #tpu.memory_space<semaphore_mem>>)
      %dma_wait3A_131 = arith.constant 0 : i32
      %dma_wait3A_132 = arith.constant 0 : i32
      %dma_wait3A_133 = tpu.memref_slice %arg7[%dma_wait3A_131, %dma_wait3A_132] : memref<2000x128xf32, #tpu.memory_space<hbm>> -> memref<2000x128xf32, #tpu.memory_space<hbm>>
      tpu.wait_indirect_dma semaphore(%arg21 : memref<!tpu.dma_semaphore, #tpu.memory_space<semaphore_mem>>) src(%dma_wait3A_133 : memref<2000x128xf32, #tpu.memory_space<hbm>>) dst(%arg20 : memref<8x128xf32, #tpu.memory_space<vmem>>)
      "tpu.region"() ({
        %run_scoped3A = tpu.sem_alloc : memref<!tpu.dma_semaphore, #tpu.memory_space<semaphore_mem>>
        tpu.enqueue_dma source(%arg20 : memref<8x128xf32, #tpu.memory_space<vmem>>) target(%arg13 : memref<8x128xf32, #tpu.memory_space<hbm>>) target_semaphore(%run_scoped3A : memref<!tpu.dma_semaphore, #tpu.memory_space<semaphore_mem>>)
        tpu.wait_dma2 semaphore(%run_scoped3A : memref<!tpu.dma_semaphore, #tpu.memory_space<semaphore_mem>>) src(%arg20 : memref<8x128xf32, #tpu.memory_space<vmem>>) dst(%arg13 : memref<8x128xf32, #tpu.memory_space<hbm>>)
        tpu.yield
      }) : () -> ()
    } else {
    }
    %eq3A_123 = arith.constant 1 : i32
    %eq3A_124 = arith.cmpi eq, %add3A, %eq3A_123 : i32
    %convert_element_type3A_125 = arith.extui %eq3A_124 : i1 to i32
    %cond3A_126 = arith.constant 0 : i32
    %cond3A_127 = arith.cmpi ne, %convert_element_type3A_125, %cond3A_126 : i32
    scf.if %cond3A_127 {
      "tpu.region"() ({
        %run_scoped3A = tpu.sem_alloc : memref<!tpu.dma_semaphore, #tpu.memory_space<semaphore_mem>>
        tpu.enqueue_dma source(%arg10 : memref<8xi32, #tpu.memory_space<hbm>>) target(%arg19 : memref<8xi32, #tpu.memory_space<vmem>>) target_semaphore(%run_scoped3A : memref<!tpu.dma_semaphore, #tpu.memory_space<semaphore_mem>>)
        tpu.wait_dma2 semaphore(%run_scoped3A : memref<!tpu.dma_semaphore, #tpu.memory_space<semaphore_mem>>) src(%arg10 : memref<8xi32, #tpu.memory_space<hbm>>) dst(%arg19 : memref<8xi32, #tpu.memory_space<vmem>>)
        tpu.yield
      }) : () -> ()
      %dma_start3A_128 = arith.constant 0 : i32
      %dma_start3A_129 = arith.constant 0 : i32
      %dma_start3A_130 = tpu.memref_slice %arg8[%dma_start3A_128, %dma_start3A_129] : memref<50x128xf32, #tpu.memory_space<hbm>> -> memref<50x128xf32, #tpu.memory_space<hbm>>
      tpu.enqueue_indirect_dma source(%dma_start3A_130 : memref<50x128xf32, #tpu.memory_space<hbm>>) target(%arg20 : memref<8x128xf32, #tpu.memory_space<vmem>>) offsets(%arg19 : memref<8xi32, #tpu.memory_space<vmem>>) semaphore(%arg21 : memref<!tpu.dma_semaphore, #tpu.memory_space<semaphore_mem>>)
      %dma_wait3A_131 = arith.constant 0 : i32
      %dma_wait3A_132 = arith.constant 0 : i32
      %dma_wait3A_133 = tpu.memref_slice %arg8[%dma_wait3A_131, %dma_wait3A_132] : memref<50x128xf32, #tpu.memory_space<hbm>> -> memref<50x128xf32, #tpu.memory_space<hbm>>
      tpu.wait_indirect_dma semaphore(%arg21 : memref<!tpu.dma_semaphore, #tpu.memory_space<semaphore_mem>>) src(%dma_wait3A_133 : memref<50x128xf32, #tpu.memory_space<hbm>>) dst(%arg20 : memref<8x128xf32, #tpu.memory_space<vmem>>)
      "tpu.region"() ({
        %run_scoped3A = tpu.sem_alloc : memref<!tpu.dma_semaphore, #tpu.memory_space<semaphore_mem>>
        tpu.enqueue_dma source(%arg20 : memref<8x128xf32, #tpu.memory_space<vmem>>) target(%arg14 : memref<8x128xf32, #tpu.memory_space<hbm>>) target_semaphore(%run_scoped3A : memref<!tpu.dma_semaphore, #tpu.memory_space<semaphore_mem>>)
        tpu.wait_dma2 semaphore(%run_scoped3A : memref<!tpu.dma_semaphore, #tpu.memory_space<semaphore_mem>>) src(%arg20 : memref<8x128xf32, #tpu.memory_space<vmem>>) dst(%arg14 : memref<8x128xf32, #tpu.memory_space<hbm>>)
        tpu.yield
      }) : () -> ()
    } else {
    }
    return
  }
}

module attributes {stable_mosaic.version = 14 : i64} {
  func.func @_tc_body(%arg0: i32, %arg1: memref<2x512x128xf32, #tpu.memory_space<vmem>>, %arg2: memref<2x1x512xf32, #tpu.memory_space<vmem>>, %arg3: memref<2x1x512xf32, #tpu.memory_space<vmem>>, %arg4: memref<2x1x512xi32, #tpu.memory_space<vmem>>, %arg5: memref<2x1x512xi32, #tpu.memory_space<vmem>>, %arg6: memref<2x1x128xf32, #tpu.memory_space<vmem>>, %arg7: memref<2x1x128xf32, #tpu.memory_space<vmem>>, %arg8: memref<160x128xf32, #tpu.memory_space<vmem>>, %arg9: memref<160x128xf32, #tpu.memory_space<vmem>>, %arg10: memref<160x128xf32, #tpu.memory_space<vmem>>, %arg11: memref<160x128xf32, #tpu.memory_space<vmem>>, %arg12: memref<160x128xf32, #tpu.memory_space<vmem>>, %arg13: memref<160x128xf32, #tpu.memory_space<vmem>>, %arg14: memref<160x128xf32, #tpu.memory_space<vmem>>, %arg15: memref<160x128xf32, #tpu.memory_space<vmem>>, %arg16: memref<160x128xf32, #tpu.memory_space<vmem>>, %arg17: memref<160x128xf32, #tpu.memory_space<vmem>>, %arg18: memref<160x128xf32, #tpu.memory_space<vmem>>, %arg19: memref<160x128xf32, #tpu.memory_space<vmem>>, %arg20: memref<512x64xf32, #tpu.memory_space<vmem>>, %arg21: memref<1x64xf32, #tpu.memory_space<vmem>>, %arg22: memref<64x64xf32, #tpu.memory_space<vmem>>, %arg23: memref<64x64xf32, #tpu.memory_space<vmem>>, %arg24: memref<64x64xf32, #tpu.memory_space<vmem>>, %arg25: memref<64x64xf32, #tpu.memory_space<vmem>>, %arg26: memref<1x64xf32, #tpu.memory_space<vmem>>, %arg27: memref<1x64xf32, #tpu.memory_space<vmem>>, %arg28: memref<1x64xf32, #tpu.memory_space<vmem>>, %arg29: memref<1x64xf32, #tpu.memory_space<vmem>>, %arg30: memref<64x64xf32, #tpu.memory_space<vmem>>, %arg31: memref<1x64xf32, #tpu.memory_space<vmem>>, %arg32: memref<64x64xf32, #tpu.memory_space<vmem>>, %arg33: memref<1x64xf32, #tpu.memory_space<vmem>>, %arg34: memref<1x64xf32, #tpu.memory_space<vmem>>, %arg35: memref<1x64xf32, #tpu.memory_space<vmem>>, %arg36: memref<1x64xf32, #tpu.memory_space<vmem>>, %arg37: memref<1x64xf32, #tpu.memory_space<vmem>>, %arg38: memref<576x512xf32, #tpu.memory_space<vmem>>, %arg39: memref<1x512xf32, #tpu.memory_space<vmem>>, %arg40: memref<512x2000xf32, #tpu.memory_space<vmem>>, %arg41: memref<1x2000xf32, #tpu.memory_space<vmem>>, %arg42: memref<8x511x2000xf32, #tpu.memory_space<hbm>>, %arg43: memref<128x2000xf32, #tpu.memory_space<vmem>>, %arg44: memref<128x2000xf32, #tpu.memory_space<vmem>>, %arg45: memref<128x2000xf32, #tpu.memory_space<vmem>>, %arg46: memref<127x2000xf32, #tpu.memory_space<vmem>>, %arg47: memref<128x2000xf32, #tpu.memory_space<vmem>>, %arg48: memref<128x2000xf32, #tpu.memory_space<vmem>>, %arg49: memref<128x2000xf32, #tpu.memory_space<vmem>>, %arg50: memref<127x2000xf32, #tpu.memory_space<vmem>>, %arg51: memref<8x!tpu.dma_semaphore, #tpu.memory_space<semaphore_mem>>) attributes {dimension_semantics = [#tpu.dimension_semantics<arbitrary>], iteration_bounds = array<i64: 4>, scalar_prefetch = 0 : i64, scratch_operands = 9 : i64, tpu.core_type = #tpu.core_type<tc>, window_params = [{transform_indices = @transform_0, window_bounds = array<i64: 2, 512, 128>}, {transform_indices = @transform_1, window_bounds = array<i64: 2, 1, 512>}, {transform_indices = @transform_2, window_bounds = array<i64: 2, 1, 512>}, {transform_indices = @transform_3, window_bounds = array<i64: 2, 1, 512>}, {transform_indices = @transform_4, window_bounds = array<i64: 2, 1, 512>}, {transform_indices = @transform_5, window_bounds = array<i64: 2, 1, 128>}, {transform_indices = @transform_6, window_bounds = array<i64: 2, 1, 128>}, {pipeline_mode = #tpu.pipeline_mode<synchronous>, transform_indices = @transform_7, window_bounds = array<i64: 160, 128>}, {pipeline_mode = #tpu.pipeline_mode<synchronous>, transform_indices = @transform_8, window_bounds = array<i64: 160, 128>}, {pipeline_mode = #tpu.pipeline_mode<synchronous>, transform_indices = @transform_9, window_bounds = array<i64: 160, 128>}, {pipeline_mode = #tpu.pipeline_mode<synchronous>, transform_indices = @transform_10, window_bounds = array<i64: 160, 128>}, {pipeline_mode = #tpu.pipeline_mode<synchronous>, transform_indices = @transform_11, window_bounds = array<i64: 160, 128>}, {pipeline_mode = #tpu.pipeline_mode<synchronous>, transform_indices = @transform_12, window_bounds = array<i64: 160, 128>}, {pipeline_mode = #tpu.pipeline_mode<synchronous>, transform_indices = @transform_13, window_bounds = array<i64: 160, 128>}, {pipeline_mode = #tpu.pipeline_mode<synchronous>, transform_indices = @transform_14, window_bounds = array<i64: 160, 128>}, {pipeline_mode = #tpu.pipeline_mode<synchronous>, transform_indices = @transform_15, window_bounds = array<i64: 160, 128>}, {pipeline_mode = #tpu.pipeline_mode<synchronous>, transform_indices = @transform_16, window_bounds = array<i64: 160, 128>}, {pipeline_mode = #tpu.pipeline_mode<synchronous>, transform_indices = @transform_17, window_bounds = array<i64: 160, 128>}, {pipeline_mode = #tpu.pipeline_mode<synchronous>, transform_indices = @transform_18, window_bounds = array<i64: 160, 128>}, {pipeline_mode = #tpu.pipeline_mode<synchronous>, transform_indices = @transform_19, window_bounds = array<i64: 512, 64>}, {pipeline_mode = #tpu.pipeline_mode<synchronous>, transform_indices = @transform_20, window_bounds = array<i64: 1, 64>}, {pipeline_mode = #tpu.pipeline_mode<synchronous>, transform_indices = @transform_21, window_bounds = array<i64: 64, 64>}, {pipeline_mode = #tpu.pipeline_mode<synchronous>, transform_indices = @transform_22, window_bounds = array<i64: 64, 64>}, {pipeline_mode = #tpu.pipeline_mode<synchronous>, transform_indices = @transform_23, window_bounds = array<i64: 64, 64>}, {pipeline_mode = #tpu.pipeline_mode<synchronous>, transform_indices = @transform_24, window_bounds = array<i64: 64, 64>}, {pipeline_mode = #tpu.pipeline_mode<synchronous>, transform_indices = @transform_25, window_bounds = array<i64: 1, 64>}, {pipeline_mode = #tpu.pipeline_mode<synchronous>, transform_indices = @transform_26, window_bounds = array<i64: 1, 64>}, {pipeline_mode = #tpu.pipeline_mode<synchronous>, transform_indices = @transform_27, window_bounds = array<i64: 1, 64>}, {pipeline_mode = #tpu.pipeline_mode<synchronous>, transform_indices = @transform_28, window_bounds = array<i64: 1, 64>}, {pipeline_mode = #tpu.pipeline_mode<synchronous>, transform_indices = @transform_29, window_bounds = array<i64: 64, 64>}, {pipeline_mode = #tpu.pipeline_mode<synchronous>, transform_indices = @transform_30, window_bounds = array<i64: 1, 64>}, {pipeline_mode = #tpu.pipeline_mode<synchronous>, transform_indices = @transform_31, window_bounds = array<i64: 64, 64>}, {pipeline_mode = #tpu.pipeline_mode<synchronous>, transform_indices = @transform_32, window_bounds = array<i64: 1, 64>}, {pipeline_mode = #tpu.pipeline_mode<synchronous>, transform_indices = @transform_33, window_bounds = array<i64: 1, 64>}, {pipeline_mode = #tpu.pipeline_mode<synchronous>, transform_indices = @transform_34, window_bounds = array<i64: 1, 64>}, {pipeline_mode = #tpu.pipeline_mode<synchronous>, transform_indices = @transform_35, window_bounds = array<i64: 1, 64>}, {pipeline_mode = #tpu.pipeline_mode<synchronous>, transform_indices = @transform_36, window_bounds = array<i64: 1, 64>}, {pipeline_mode = #tpu.pipeline_mode<synchronous>, transform_indices = @transform_37, window_bounds = array<i64: 576, 512>}, {pipeline_mode = #tpu.pipeline_mode<synchronous>, transform_indices = @transform_38, window_bounds = array<i64: 1, 512>}, {pipeline_mode = #tpu.pipeline_mode<synchronous>, transform_indices = @transform_39, window_bounds = array<i64: 512, 2000>}, {pipeline_mode = #tpu.pipeline_mode<synchronous>, transform_indices = @transform_40, window_bounds = array<i64: 1, 2000>}, {}]} {
    %iota3A = tpu.iota {dimensions = array<i32: 1>} : vector<3x96xi32>
    %iota3A_0 = tpu.iota {dimensions = array<i32: 0>} : vector<3x96xi32>
    %and3A = arith.constant 31 : i32
    %and3A_1 = vector.broadcast %and3A : i32 to vector<3x96xi32>
    %and3A_2 = arith.andi %iota3A, %and3A_1 : vector<3x96xi32>
    %lt3A = arith.constant 16 : i32
    %lt3A_3 = vector.broadcast %lt3A : i32 to vector<3x96xi32>
    %lt3A_4 = arith.cmpi slt, %and3A_2, %lt3A_3 : vector<3x96xi32>
    %sub3A = arith.constant 16 : i32
    %sub3A_5 = vector.broadcast %sub3A : i32 to vector<3x96xi32>
    %sub3A_6 = arith.subi %and3A_2, %sub3A_5 : vector<3x96xi32>
    %select_n3A = arith.select %lt3A_4, %and3A_2, %sub3A_6 : vector<3x96xi1>, vector<3x96xi32>
    %convert_element_type3A = arith.sitofp %select_n3A : vector<3x96xi32> to vector<3x96xf32>
    %neg3A = arith.constant 0.000000e+00 : f32
    %neg3A_7 = vector.broadcast %neg3A : f32 to vector<3x96xf32>
    %neg3A_8 = arith.subf %neg3A_7, %convert_element_type3A : vector<3x96xf32>
    %mul3A = arith.constant 0.614022672 : f32
    %mul3A_9 = vector.broadcast %mul3A : f32 to vector<3x96xf32>
    %mul3A_10 = arith.mulf %neg3A_8, %mul3A_9 : vector<3x96xf32>
    %exp3A = math.exp %mul3A_10 : vector<3x96xf32>
    %shift_right_logical3A = arith.constant 5 : i32
    %shift_right_logical3A_11 = vector.broadcast %shift_right_logical3A : i32 to vector<3x96xi32>
    %shift_right_logical3A_12 = arith.shrui %iota3A, %shift_right_logical3A_11 : vector<3x96xi32>
    %eq3A = arith.cmpi eq, %shift_right_logical3A_12, %iota3A_0 : vector<3x96xi32>
    %jit3A = arith.constant 0.000000e+00 : f32
    %broadcast_in_dim3A = vector.broadcast %jit3A : f32 to vector<3x96xf32>
    %select_n3A_13 = arith.select %eq3A, %exp3A, %broadcast_in_dim3A : vector<3x96xi1>, vector<3x96xf32>
    %lt3A_14 = arith.constant 16 : i32
    %lt3A_15 = vector.broadcast %lt3A_14 : i32 to vector<3x96xi32>
    %lt3A_16 = arith.cmpi slt, %and3A_2, %lt3A_15 : vector<3x96xi32>
    %jit3A_17 = arith.constant 1.57079637 : f32
    %jit3A_18 = arith.constant 0.000000e+00 : f32
    %broadcast_in_dim3A_19 = vector.broadcast %jit3A_17 : f32 to vector<3x96xf32>
    %broadcast_in_dim3A_20 = vector.broadcast %jit3A_18 : f32 to vector<3x96xf32>
    %select_n3A_21 = arith.select %lt3A_16, %broadcast_in_dim3A_19, %broadcast_in_dim3A_20 : vector<3x96xi1>, vector<3x96xf32>
    %slice3A = vector.extract_strided_slice %select_n3A_21 {offsets = [0, 0], sizes = [1, 96], strides = [1, 1]} : vector<3x96xf32> to vector<1x96xf32>
    %iota3A_22 = tpu.iota {dimensions = array<i32: 0>} : vector<511x511xi32>
    %iota3A_23 = tpu.iota {dimensions = array<i32: 1>} : vector<511x511xi32>
    %le3A = arith.cmpi sle, %iota3A_23, %iota3A_22 : vector<511x511xi32>
    %iota3A_24 = tpu.iota {dimensions = array<i32: 0>} : vector<100x511xi32>
    %gt3A = arith.constant 0 : i32
    %gt3A_25 = arith.cmpi sgt, %arg0, %gt3A : i32
    %convert_element_type3A_26 = arith.extui %gt3A_25 : i1 to i32
    %cond3A = arith.constant 0 : i32
    %cond3A_27 = arith.cmpi ne, %convert_element_type3A_26, %cond3A : i32
    scf.if %cond3A_27 {
      %sub3A_1342 = arith.constant 1 : i32
      %sub3A_1343 = arith.subi %arg0, %sub3A_1342 : i32
      %mul3A_1344 = arith.constant 2 : i32
      %mul3A_1345 = arith.muli %mul3A_1344, %sub3A_1343 : i32
      %add3A_1346 = arith.constant 0 : i32
      %add3A_1347 = arith.addi %mul3A_1345, %add3A_1346 : i32
      %dma_wait3A = arith.constant 0 : i32
      %dma_wait3A_1348 = tpu.memref_slice %arg51[%dma_wait3A] : memref<8x!tpu.dma_semaphore, #tpu.memory_space<semaphore_mem>> -> memref<1x!tpu.dma_semaphore, #tpu.memory_space<semaphore_mem>>
      %dma_wait3A_1349 = tpu.memref_squeeze %dma_wait3A_1348 : memref<1x!tpu.dma_semaphore, #tpu.memory_space<semaphore_mem>> -> memref<!tpu.dma_semaphore, #tpu.memory_space<semaphore_mem>>
      %dma_wait3A_1350 = arith.constant 0 : i32
      %dma_wait3A_1351 = arith.constant 0 : i32
      %dma_wait3A_1352 = tpu.memref_slice %arg42[%add3A_1347, %dma_wait3A_1350, %dma_wait3A_1351] : memref<8x511x2000xf32, #tpu.memory_space<hbm>> -> memref<1x128x2000xf32, #tpu.memory_space<hbm>>
      %dma_wait3A_1353 = tpu.memref_squeeze %dma_wait3A_1352 : memref<1x128x2000xf32, #tpu.memory_space<hbm>> -> memref<128x2000xf32, #tpu.memory_space<hbm>>
      tpu.wait_dma2 semaphore(%dma_wait3A_1349 : memref<!tpu.dma_semaphore, #tpu.memory_space<semaphore_mem>>) src(%arg43 : memref<128x2000xf32, #tpu.memory_space<vmem>>) dst(%dma_wait3A_1353 : memref<128x2000xf32, #tpu.memory_space<hbm>>)
      %sub3A_1354 = arith.constant 1 : i32
      %sub3A_1355 = arith.subi %arg0, %sub3A_1354 : i32
      %mul3A_1356 = arith.constant 2 : i32
      %mul3A_1357 = arith.muli %mul3A_1356, %sub3A_1355 : i32
      %add3A_1358 = arith.constant 0 : i32
      %add3A_1359 = arith.addi %mul3A_1357, %add3A_1358 : i32
      %dma_wait3A_1360 = arith.constant 1 : i32
      %dma_wait3A_1361 = tpu.memref_slice %arg51[%dma_wait3A_1360] : memref<8x!tpu.dma_semaphore, #tpu.memory_space<semaphore_mem>> -> memref<1x!tpu.dma_semaphore, #tpu.memory_space<semaphore_mem>>
      %dma_wait3A_1362 = tpu.memref_squeeze %dma_wait3A_1361 : memref<1x!tpu.dma_semaphore, #tpu.memory_space<semaphore_mem>> -> memref<!tpu.dma_semaphore, #tpu.memory_space<semaphore_mem>>
      %dma_wait3A_1363 = arith.constant 128 : i32
      %dma_wait3A_1364 = arith.constant 0 : i32
      %dma_wait3A_1365 = tpu.memref_slice %arg42[%add3A_1359, %dma_wait3A_1363, %dma_wait3A_1364] : memref<8x511x2000xf32, #tpu.memory_space<hbm>> -> memref<1x128x2000xf32, #tpu.memory_space<hbm>>
      %dma_wait3A_1366 = tpu.memref_squeeze %dma_wait3A_1365 : memref<1x128x2000xf32, #tpu.memory_space<hbm>> -> memref<128x2000xf32, #tpu.memory_space<hbm>>
      tpu.wait_dma2 semaphore(%dma_wait3A_1362 : memref<!tpu.dma_semaphore, #tpu.memory_space<semaphore_mem>>) src(%arg44 : memref<128x2000xf32, #tpu.memory_space<vmem>>) dst(%dma_wait3A_1366 : memref<128x2000xf32, #tpu.memory_space<hbm>>)
      %sub3A_1367 = arith.constant 1 : i32
      %sub3A_1368 = arith.subi %arg0, %sub3A_1367 : i32
      %mul3A_1369 = arith.constant 2 : i32
      %mul3A_1370 = arith.muli %mul3A_1369, %sub3A_1368 : i32
      %add3A_1371 = arith.constant 0 : i32
      %add3A_1372 = arith.addi %mul3A_1370, %add3A_1371 : i32
      %dma_wait3A_1373 = arith.constant 2 : i32
      %dma_wait3A_1374 = tpu.memref_slice %arg51[%dma_wait3A_1373] : memref<8x!tpu.dma_semaphore, #tpu.memory_space<semaphore_mem>> -> memref<1x!tpu.dma_semaphore, #tpu.memory_space<semaphore_mem>>
      %dma_wait3A_1375 = tpu.memref_squeeze %dma_wait3A_1374 : memref<1x!tpu.dma_semaphore, #tpu.memory_space<semaphore_mem>> -> memref<!tpu.dma_semaphore, #tpu.memory_space<semaphore_mem>>
      %dma_wait3A_1376 = arith.constant 256 : i32
      %dma_wait3A_1377 = arith.constant 0 : i32
      %dma_wait3A_1378 = tpu.memref_slice %arg42[%add3A_1372, %dma_wait3A_1376, %dma_wait3A_1377] : memref<8x511x2000xf32, #tpu.memory_space<hbm>> -> memref<1x128x2000xf32, #tpu.memory_space<hbm>>
      %dma_wait3A_1379 = tpu.memref_squeeze %dma_wait3A_1378 : memref<1x128x2000xf32, #tpu.memory_space<hbm>> -> memref<128x2000xf32, #tpu.memory_space<hbm>>
      tpu.wait_dma2 semaphore(%dma_wait3A_1375 : memref<!tpu.dma_semaphore, #tpu.memory_space<semaphore_mem>>) src(%arg45 : memref<128x2000xf32, #tpu.memory_space<vmem>>) dst(%dma_wait3A_1379 : memref<128x2000xf32, #tpu.memory_space<hbm>>)
      %sub3A_1380 = arith.constant 1 : i32
      %sub3A_1381 = arith.subi %arg0, %sub3A_1380 : i32
      %mul3A_1382 = arith.constant 2 : i32
      %mul3A_1383 = arith.muli %mul3A_1382, %sub3A_1381 : i32
      %add3A_1384 = arith.constant 0 : i32
      %add3A_1385 = arith.addi %mul3A_1383, %add3A_1384 : i32
      %dma_wait3A_1386 = arith.constant 3 : i32
      %dma_wait3A_1387 = tpu.memref_slice %arg51[%dma_wait3A_1386] : memref<8x!tpu.dma_semaphore, #tpu.memory_space<semaphore_mem>> -> memref<1x!tpu.dma_semaphore, #tpu.memory_space<semaphore_mem>>
      %dma_wait3A_1388 = tpu.memref_squeeze %dma_wait3A_1387 : memref<1x!tpu.dma_semaphore, #tpu.memory_space<semaphore_mem>> -> memref<!tpu.dma_semaphore, #tpu.memory_space<semaphore_mem>>
      %dma_wait3A_1389 = arith.constant 384 : i32
      %dma_wait3A_1390 = arith.constant 0 : i32
      %dma_wait3A_1391 = tpu.memref_slice %arg42[%add3A_1385, %dma_wait3A_1389, %dma_wait3A_1390] : memref<8x511x2000xf32, #tpu.memory_space<hbm>> -> memref<1x127x2000xf32, #tpu.memory_space<hbm>>
      %dma_wait3A_1392 = tpu.memref_squeeze %dma_wait3A_1391 : memref<1x127x2000xf32, #tpu.memory_space<hbm>> -> memref<127x2000xf32, #tpu.memory_space<hbm>>
      tpu.wait_dma2 semaphore(%dma_wait3A_1388 : memref<!tpu.dma_semaphore, #tpu.memory_space<semaphore_mem>>) src(%arg46 : memref<127x2000xf32, #tpu.memory_space<vmem>>) dst(%dma_wait3A_1392 : memref<127x2000xf32, #tpu.memory_space<hbm>>)
      %sub3A_1393 = arith.constant 1 : i32
      %sub3A_1394 = arith.subi %arg0, %sub3A_1393 : i32
      %mul3A_1395 = arith.constant 2 : i32
      %mul3A_1396 = arith.muli %mul3A_1395, %sub3A_1394 : i32
      %add3A_1397 = arith.constant 1 : i32
      %add3A_1398 = arith.addi %mul3A_1396, %add3A_1397 : i32
      %dma_wait3A_1399 = arith.constant 4 : i32
      %dma_wait3A_1400 = tpu.memref_slice %arg51[%dma_wait3A_1399] : memref<8x!tpu.dma_semaphore, #tpu.memory_space<semaphore_mem>> -> memref<1x!tpu.dma_semaphore, #tpu.memory_space<semaphore_mem>>
      %dma_wait3A_1401 = tpu.memref_squeeze %dma_wait3A_1400 : memref<1x!tpu.dma_semaphore, #tpu.memory_space<semaphore_mem>> -> memref<!tpu.dma_semaphore, #tpu.memory_space<semaphore_mem>>
      %dma_wait3A_1402 = arith.constant 0 : i32
      %dma_wait3A_1403 = arith.constant 0 : i32
      %dma_wait3A_1404 = tpu.memref_slice %arg42[%add3A_1398, %dma_wait3A_1402, %dma_wait3A_1403] : memref<8x511x2000xf32, #tpu.memory_space<hbm>> -> memref<1x128x2000xf32, #tpu.memory_space<hbm>>
      %dma_wait3A_1405 = tpu.memref_squeeze %dma_wait3A_1404 : memref<1x128x2000xf32, #tpu.memory_space<hbm>> -> memref<128x2000xf32, #tpu.memory_space<hbm>>
      tpu.wait_dma2 semaphore(%dma_wait3A_1401 : memref<!tpu.dma_semaphore, #tpu.memory_space<semaphore_mem>>) src(%arg47 : memref<128x2000xf32, #tpu.memory_space<vmem>>) dst(%dma_wait3A_1405 : memref<128x2000xf32, #tpu.memory_space<hbm>>)
      %sub3A_1406 = arith.constant 1 : i32
      %sub3A_1407 = arith.subi %arg0, %sub3A_1406 : i32
      %mul3A_1408 = arith.constant 2 : i32
      %mul3A_1409 = arith.muli %mul3A_1408, %sub3A_1407 : i32
      %add3A_1410 = arith.constant 1 : i32
      %add3A_1411 = arith.addi %mul3A_1409, %add3A_1410 : i32
      %dma_wait3A_1412 = arith.constant 5 : i32
      %dma_wait3A_1413 = tpu.memref_slice %arg51[%dma_wait3A_1412] : memref<8x!tpu.dma_semaphore, #tpu.memory_space<semaphore_mem>> -> memref<1x!tpu.dma_semaphore, #tpu.memory_space<semaphore_mem>>
      %dma_wait3A_1414 = tpu.memref_squeeze %dma_wait3A_1413 : memref<1x!tpu.dma_semaphore, #tpu.memory_space<semaphore_mem>> -> memref<!tpu.dma_semaphore, #tpu.memory_space<semaphore_mem>>
      %dma_wait3A_1415 = arith.constant 128 : i32
      %dma_wait3A_1416 = arith.constant 0 : i32
      %dma_wait3A_1417 = tpu.memref_slice %arg42[%add3A_1411, %dma_wait3A_1415, %dma_wait3A_1416] : memref<8x511x2000xf32, #tpu.memory_space<hbm>> -> memref<1x128x2000xf32, #tpu.memory_space<hbm>>
      %dma_wait3A_1418 = tpu.memref_squeeze %dma_wait3A_1417 : memref<1x128x2000xf32, #tpu.memory_space<hbm>> -> memref<128x2000xf32, #tpu.memory_space<hbm>>
      tpu.wait_dma2 semaphore(%dma_wait3A_1414 : memref<!tpu.dma_semaphore, #tpu.memory_space<semaphore_mem>>) src(%arg48 : memref<128x2000xf32, #tpu.memory_space<vmem>>) dst(%dma_wait3A_1418 : memref<128x2000xf32, #tpu.memory_space<hbm>>)
      %sub3A_1419 = arith.constant 1 : i32
      %sub3A_1420 = arith.subi %arg0, %sub3A_1419 : i32
      %mul3A_1421 = arith.constant 2 : i32
      %mul3A_1422 = arith.muli %mul3A_1421, %sub3A_1420 : i32
      %add3A_1423 = arith.constant 1 : i32
      %add3A_1424 = arith.addi %mul3A_1422, %add3A_1423 : i32
      %dma_wait3A_1425 = arith.constant 6 : i32
      %dma_wait3A_1426 = tpu.memref_slice %arg51[%dma_wait3A_1425] : memref<8x!tpu.dma_semaphore, #tpu.memory_space<semaphore_mem>> -> memref<1x!tpu.dma_semaphore, #tpu.memory_space<semaphore_mem>>
      %dma_wait3A_1427 = tpu.memref_squeeze %dma_wait3A_1426 : memref<1x!tpu.dma_semaphore, #tpu.memory_space<semaphore_mem>> -> memref<!tpu.dma_semaphore, #tpu.memory_space<semaphore_mem>>
      %dma_wait3A_1428 = arith.constant 256 : i32
      %dma_wait3A_1429 = arith.constant 0 : i32
      %dma_wait3A_1430 = tpu.memref_slice %arg42[%add3A_1424, %dma_wait3A_1428, %dma_wait3A_1429] : memref<8x511x2000xf32, #tpu.memory_space<hbm>> -> memref<1x128x2000xf32, #tpu.memory_space<hbm>>
      %dma_wait3A_1431 = tpu.memref_squeeze %dma_wait3A_1430 : memref<1x128x2000xf32, #tpu.memory_space<hbm>> -> memref<128x2000xf32, #tpu.memory_space<hbm>>
      tpu.wait_dma2 semaphore(%dma_wait3A_1427 : memref<!tpu.dma_semaphore, #tpu.memory_space<semaphore_mem>>) src(%arg49 : memref<128x2000xf32, #tpu.memory_space<vmem>>) dst(%dma_wait3A_1431 : memref<128x2000xf32, #tpu.memory_space<hbm>>)
      %sub3A_1432 = arith.constant 1 : i32
      %sub3A_1433 = arith.subi %arg0, %sub3A_1432 : i32
      %mul3A_1434 = arith.constant 2 : i32
      %mul3A_1435 = arith.muli %mul3A_1434, %sub3A_1433 : i32
      %add3A_1436 = arith.constant 1 : i32
      %add3A_1437 = arith.addi %mul3A_1435, %add3A_1436 : i32
      %dma_wait3A_1438 = arith.constant 7 : i32
      %dma_wait3A_1439 = tpu.memref_slice %arg51[%dma_wait3A_1438] : memref<8x!tpu.dma_semaphore, #tpu.memory_space<semaphore_mem>> -> memref<1x!tpu.dma_semaphore, #tpu.memory_space<semaphore_mem>>
      %dma_wait3A_1440 = tpu.memref_squeeze %dma_wait3A_1439 : memref<1x!tpu.dma_semaphore, #tpu.memory_space<semaphore_mem>> -> memref<!tpu.dma_semaphore, #tpu.memory_space<semaphore_mem>>
      %dma_wait3A_1441 = arith.constant 384 : i32
      %dma_wait3A_1442 = arith.constant 0 : i32
      %dma_wait3A_1443 = tpu.memref_slice %arg42[%add3A_1437, %dma_wait3A_1441, %dma_wait3A_1442] : memref<8x511x2000xf32, #tpu.memory_space<hbm>> -> memref<1x127x2000xf32, #tpu.memory_space<hbm>>
      %dma_wait3A_1444 = tpu.memref_squeeze %dma_wait3A_1443 : memref<1x127x2000xf32, #tpu.memory_space<hbm>> -> memref<127x2000xf32, #tpu.memory_space<hbm>>
      tpu.wait_dma2 semaphore(%dma_wait3A_1440 : memref<!tpu.dma_semaphore, #tpu.memory_space<semaphore_mem>>) src(%arg50 : memref<127x2000xf32, #tpu.memory_space<vmem>>) dst(%dma_wait3A_1444 : memref<127x2000xf32, #tpu.memory_space<hbm>>)
    } else {
    }
    %get3A = arith.constant 0 : index
    %get3A_28 = arith.constant 0 : index
    %get3A_29 = vector.load %arg40[%get3A, %get3A_28] : memref<512x2000xf32, #tpu.memory_space<vmem>>, vector<512x2000xf32>
    %convert_element_type3A_30 = arith.truncf %get3A_29 : vector<512x2000xf32> to vector<512x2000xbf16>
    %get3A_31 = arith.constant 0 : index
    %get3A_32 = arith.constant 0 : index
    %get3A_33 = vector.load %arg41[%get3A_31, %get3A_32] : memref<1x2000xf32, #tpu.memory_space<vmem>>, vector<1x2000xf32>
    %get3A_34 = arith.constant 0 : index
    %get3A_35 = arith.constant 0 : index
    %get3A_36 = arith.constant 0 : index
    %get3A_37 = vector.load %arg1[%get3A_34, %get3A_35, %get3A_36] : memref<2x512x128xf32, #tpu.memory_space<vmem>>, vector<1x511x128xf32>
    %get3A_38 = vector.shape_cast %get3A_37 : vector<1x511x128xf32> to vector<511x128xf32>
    %convert_element_type3A_39 = arith.truncf %get3A_38 : vector<511x128xf32> to vector<511x128xbf16>
    %get3A_40 = arith.constant 0 : index
    %get3A_41 = arith.constant 0 : index
    %get3A_42 = arith.constant 0 : index
    %get3A_43 = vector.load %arg2[%get3A_40, %get3A_41, %get3A_42] : memref<2x1x512xf32, #tpu.memory_space<vmem>>, vector<1x1x511xf32>
    %get3A_44 = vector.shape_cast %get3A_43 : vector<1x1x511xf32> to vector<1x511xf32>
    %get3A_45 = arith.constant 0 : index
    %get3A_46 = arith.constant 0 : index
    %get3A_47 = arith.constant 1 : index
    %get3A_48 = vector.load %arg2[%get3A_45, %get3A_46, %get3A_47] : memref<2x1x512xf32, #tpu.memory_space<vmem>>, vector<1x1x511xf32>
    %get3A_49 = vector.shape_cast %get3A_48 : vector<1x1x511xf32> to vector<1x511xf32>
    %get3A_50 = arith.constant 0 : index
    %get3A_51 = arith.constant 0 : index
    %get3A_52 = arith.constant 0 : index
    %get3A_53 = vector.load %arg3[%get3A_50, %get3A_51, %get3A_52] : memref<2x1x512xf32, #tpu.memory_space<vmem>>, vector<1x1x511xf32>
    %get3A_54 = vector.shape_cast %get3A_53 : vector<1x1x511xf32> to vector<1x511xf32>
    %concatenate3A = tpu.concatenate %get3A_44, %get3A_49, %get3A_54 in 0 : vector<1x511xf32>, vector<1x511xf32>, vector<1x511xf32> -> vector<3x511xf32>
    %dot_general3A = arith.constant dense<0.000000e+00> : vector<511x96xf32>
    %dot_general3A_55 = tpu.matmul %concatenate3A, %select_n3A_13, %dot_general3A {dimension_numbers = #tpu.dot_dimension_numbers<[0], [0], [1], [1], [0, 1, 1, 1], [], []>, transpose_lhs_hint = false} : vector<3x511xf32>, vector<3x96xf32>, vector<511x96xf32> -> vector<511x96xf32>
    %sub3A_56 = vector.broadcast %slice3A : vector<1x96xf32> to vector<511x96xf32>
    %sub3A_57 = arith.subf %dot_general3A_55, %sub3A_56 : vector<511x96xf32>
    %cos3A = math.cos %sub3A_57 : vector<511x96xf32>
    %slice3A_58 = vector.extract_strided_slice %cos3A {offsets = [0, 0], sizes = [511, 32], strides = [1, 1]} : vector<511x96xf32> to vector<511x32xf32>
    %slice3A_59 = vector.extract_strided_slice %cos3A {offsets = [0, 64], sizes = [511, 32], strides = [1, 1]} : vector<511x96xf32> to vector<511x32xf32>
    %add3A = arith.addf %slice3A_58, %slice3A_59 : vector<511x32xf32>
    %slice3A_60 = vector.extract_strided_slice %cos3A {offsets = [0, 32], sizes = [511, 32], strides = [1, 1]} : vector<511x96xf32> to vector<511x32xf32>
    %convert_element_type3A_61 = arith.truncf %add3A : vector<511x32xf32> to vector<511x32xbf16>
    %convert_element_type3A_62 = arith.truncf %slice3A_60 : vector<511x32xf32> to vector<511x32xbf16>
    %get3A_63 = arith.constant 0 : index
    %get3A_64 = arith.constant 0 : index
    %get3A_65 = vector.load %arg8[%get3A_63, %get3A_64] : memref<160x128xf32, #tpu.memory_space<vmem>>, vector<160x128xf32>
    %convert_element_type3A_66 = arith.truncf %get3A_65 : vector<160x128xf32> to vector<160x128xbf16>
    %get3A_67 = arith.constant 0 : index
    %get3A_68 = arith.constant 0 : index
    %get3A_69 = vector.load %arg9[%get3A_67, %get3A_68] : memref<160x128xf32, #tpu.memory_space<vmem>>, vector<160x128xf32>
    %convert_element_type3A_70 = arith.truncf %get3A_69 : vector<160x128xf32> to vector<160x128xbf16>
    %get3A_71 = arith.constant 0 : index
    %get3A_72 = arith.constant 0 : index
    %get3A_73 = vector.load %arg10[%get3A_71, %get3A_72] : memref<160x128xf32, #tpu.memory_space<vmem>>, vector<160x128xf32>
    %convert_element_type3A_74 = arith.truncf %get3A_73 : vector<160x128xf32> to vector<160x128xbf16>
    %slice3A_75 = vector.extract_strided_slice %convert_element_type3A_66 {offsets = [128, 0], sizes = [32, 128], strides = [1, 1]} : vector<160x128xbf16> to vector<32x128xbf16>
    %dot_general3A_76 = arith.constant dense<0.000000e+00> : vector<511x128xf32>
    %dot_general3A_77 = tpu.matmul %convert_element_type3A_62, %slice3A_75, %dot_general3A_76 {dimension_numbers = #tpu.dot_dimension_numbers<[1], [0], [0], [1], [0, 0, 1, 1], [], []>, transpose_lhs_hint = false} : vector<511x32xbf16>, vector<32x128xbf16>, vector<511x128xf32> -> vector<511x128xf32>
    %slice3A_78 = vector.extract_strided_slice %convert_element_type3A_70 {offsets = [0, 0], sizes = [128, 128], strides = [1, 1]} : vector<160x128xbf16> to vector<128x128xbf16>
    %dot_general3A_79 = arith.constant dense<0.000000e+00> : vector<511x128xf32>
    %dot_general3A_80 = tpu.matmul %convert_element_type3A_39, %slice3A_78, %dot_general3A_79 {dimension_numbers = #tpu.dot_dimension_numbers<[1], [0], [0], [1], [0, 0, 1, 1], [], []>, transpose_lhs_hint = false} : vector<511x128xbf16>, vector<128x128xbf16>, vector<511x128xf32> -> vector<511x128xf32>
    %slice3A_81 = vector.extract_strided_slice %convert_element_type3A_70 {offsets = [128, 0], sizes = [32, 128], strides = [1, 1]} : vector<160x128xbf16> to vector<32x128xbf16>
    %dot_general3A_82 = arith.constant dense<0.000000e+00> : vector<511x128xf32>
    %dot_general3A_83 = tpu.matmul %convert_element_type3A_61, %slice3A_81, %dot_general3A_82 {dimension_numbers = #tpu.dot_dimension_numbers<[1], [0], [0], [1], [0, 0, 1, 1], [], []>, transpose_lhs_hint = false} : vector<511x32xbf16>, vector<32x128xbf16>, vector<511x128xf32> -> vector<511x128xf32>
    %add3A_84 = arith.addf %dot_general3A_80, %dot_general3A_83 : vector<511x128xf32>
    %slice3A_85 = vector.extract_strided_slice %convert_element_type3A_74 {offsets = [0, 0], sizes = [128, 128], strides = [1, 1]} : vector<160x128xbf16> to vector<128x128xbf16>
    %dot_general3A_86 = arith.constant dense<0.000000e+00> : vector<511x128xf32>
    %dot_general3A_87 = tpu.matmul %convert_element_type3A_39, %slice3A_85, %dot_general3A_86 {dimension_numbers = #tpu.dot_dimension_numbers<[1], [0], [0], [1], [0, 0, 1, 1], [], []>, transpose_lhs_hint = false} : vector<511x128xbf16>, vector<128x128xbf16>, vector<511x128xf32> -> vector<511x128xf32>
    %slice3A_88 = vector.extract_strided_slice %convert_element_type3A_74 {offsets = [128, 0], sizes = [32, 128], strides = [1, 1]} : vector<160x128xbf16> to vector<32x128xbf16>
    %dot_general3A_89 = arith.constant dense<0.000000e+00> : vector<511x128xf32>
    %dot_general3A_90 = tpu.matmul %convert_element_type3A_61, %slice3A_88, %dot_general3A_89 {dimension_numbers = #tpu.dot_dimension_numbers<[1], [0], [0], [1], [0, 0, 1, 1], [], []>, transpose_lhs_hint = false} : vector<511x32xbf16>, vector<32x128xbf16>, vector<511x128xf32> -> vector<511x128xf32>
    %add3A_91 = arith.addf %dot_general3A_87, %dot_general3A_90 : vector<511x128xf32>
    %convert_element_type3A_92 = arith.truncf %dot_general3A_77 : vector<511x128xf32> to vector<511x128xbf16>
    %convert_element_type3A_93 = arith.truncf %add3A_84 : vector<511x128xf32> to vector<511x128xbf16>
    %dot_general3A_94 = arith.constant dense<0.000000e+00> : vector<511x511xf32>
    %dot_general3A_95 = tpu.matmul %convert_element_type3A_92, %convert_element_type3A_93, %dot_general3A_94 {dimension_numbers = #tpu.dot_dimension_numbers<[1], [1], [0], [0], [0, 0, 1, 0], [], []>, transpose_lhs_hint = false} : vector<511x128xbf16>, vector<511x128xbf16>, vector<511x511xf32> -> vector<511x511xf32>
    %mul3A_96 = arith.constant 0.0883883461 : f32
    %mul3A_97 = vector.broadcast %mul3A_96 : f32 to vector<511x511xf32>
    %mul3A_98 = arith.mulf %dot_general3A_95, %mul3A_97 : vector<511x511xf32>
    %jit3A_99 = arith.constant -1.000000e+09 : f32
    %broadcast_in_dim3A_100 = vector.broadcast %jit3A_99 : f32 to vector<511x511xf32>
    %select_n3A_101 = arith.select %le3A, %mul3A_98, %broadcast_in_dim3A_100 : vector<511x511xi1>, vector<511x511xf32>
    %reduce_max3A = arith.constant dense<0xFF800000> : vector<511xf32>
    %reduce_max3A_102 = vector.multi_reduction <maximumf>, %select_n3A_101, %reduce_max3A [1] : vector<511x511xf32> to vector<511xf32>
    %broadcast_in_dim3A_103 = vector.shape_cast %reduce_max3A_102 : vector<511xf32> to vector<511x1xf32>
    %sub3A_104 = vector.broadcast %broadcast_in_dim3A_103 : vector<511x1xf32> to vector<511x511xf32>
    %sub3A_105 = arith.subf %select_n3A_101, %sub3A_104 : vector<511x511xf32>
    %exp3A_106 = math.exp %sub3A_105 : vector<511x511xf32>
    %reduce_sum3A = arith.constant dense<0.000000e+00> : vector<511xf32>
    %reduce_sum3A_107 = vector.multi_reduction <add>, %exp3A_106, %reduce_sum3A [1] : vector<511x511xf32> to vector<511xf32>
    %broadcast_in_dim3A_108 = vector.shape_cast %reduce_sum3A_107 : vector<511xf32> to vector<511x1xf32>
    %div3A = vector.broadcast %broadcast_in_dim3A_108 : vector<511x1xf32> to vector<511x511xf32>
    %div3A_109 = arith.divf %exp3A_106, %div3A : vector<511x511xf32>
    %convert_element_type3A_110 = arith.truncf %div3A_109 : vector<511x511xf32> to vector<511x511xbf16>
    %convert_element_type3A_111 = arith.truncf %add3A_91 : vector<511x128xf32> to vector<511x128xbf16>
    %dot_general3A_112 = arith.constant dense<0.000000e+00> : vector<511x128xf32>
    %dot_general3A_113 = tpu.matmul %convert_element_type3A_110, %convert_element_type3A_111, %dot_general3A_112 {dimension_numbers = #tpu.dot_dimension_numbers<[1], [0], [0], [1], [0, 0, 1, 1], [], []>, transpose_lhs_hint = false} : vector<511x511xbf16>, vector<511x128xbf16>, vector<511x128xf32> -> vector<511x128xf32>
    %tanh3A = math.tanh %dot_general3A_113 : vector<511x128xf32>
    %get3A_114 = arith.constant 0 : index
    %get3A_115 = arith.constant 0 : index
    %get3A_116 = vector.load %arg11[%get3A_114, %get3A_115] : memref<160x128xf32, #tpu.memory_space<vmem>>, vector<160x128xf32>
    %convert_element_type3A_117 = arith.truncf %get3A_116 : vector<160x128xf32> to vector<160x128xbf16>
    %get3A_118 = arith.constant 0 : index
    %get3A_119 = arith.constant 0 : index
    %get3A_120 = vector.load %arg12[%get3A_118, %get3A_119] : memref<160x128xf32, #tpu.memory_space<vmem>>, vector<160x128xf32>
    %convert_element_type3A_121 = arith.truncf %get3A_120 : vector<160x128xf32> to vector<160x128xbf16>
    %get3A_122 = arith.constant 0 : index
    %get3A_123 = arith.constant 0 : index
    %get3A_124 = vector.load %arg13[%get3A_122, %get3A_123] : memref<160x128xf32, #tpu.memory_space<vmem>>, vector<160x128xf32>
    %convert_element_type3A_125 = arith.truncf %get3A_124 : vector<160x128xf32> to vector<160x128xbf16>
    %slice3A_126 = vector.extract_strided_slice %convert_element_type3A_117 {offsets = [128, 0], sizes = [32, 128], strides = [1, 1]} : vector<160x128xbf16> to vector<32x128xbf16>
    %dot_general3A_127 = arith.constant dense<0.000000e+00> : vector<511x128xf32>
    %dot_general3A_128 = tpu.matmul %convert_element_type3A_62, %slice3A_126, %dot_general3A_127 {dimension_numbers = #tpu.dot_dimension_numbers<[1], [0], [0], [1], [0, 0, 1, 1], [], []>, transpose_lhs_hint = false} : vector<511x32xbf16>, vector<32x128xbf16>, vector<511x128xf32> -> vector<511x128xf32>
    %convert_element_type3A_129 = arith.truncf %tanh3A : vector<511x128xf32> to vector<511x128xbf16>
    %slice3A_130 = vector.extract_strided_slice %convert_element_type3A_117 {offsets = [0, 0], sizes = [128, 128], strides = [1, 1]} : vector<160x128xbf16> to vector<128x128xbf16>
    %dot_general3A_131 = arith.constant dense<0.000000e+00> : vector<511x128xf32>
    %dot_general3A_132 = tpu.matmul %convert_element_type3A_129, %slice3A_130, %dot_general3A_131 {dimension_numbers = #tpu.dot_dimension_numbers<[1], [0], [0], [1], [0, 0, 1, 1], [], []>, transpose_lhs_hint = false} : vector<511x128xbf16>, vector<128x128xbf16>, vector<511x128xf32> -> vector<511x128xf32>
    %add3A_133 = arith.addf %dot_general3A_128, %dot_general3A_132 : vector<511x128xf32>
    %slice3A_134 = vector.extract_strided_slice %convert_element_type3A_121 {offsets = [0, 0], sizes = [128, 128], strides = [1, 1]} : vector<160x128xbf16> to vector<128x128xbf16>
    %dot_general3A_135 = arith.constant dense<0.000000e+00> : vector<511x128xf32>
    %dot_general3A_136 = tpu.matmul %convert_element_type3A_39, %slice3A_134, %dot_general3A_135 {dimension_numbers = #tpu.dot_dimension_numbers<[1], [0], [0], [1], [0, 0, 1, 1], [], []>, transpose_lhs_hint = false} : vector<511x128xbf16>, vector<128x128xbf16>, vector<511x128xf32> -> vector<511x128xf32>
    %slice3A_137 = vector.extract_strided_slice %convert_element_type3A_121 {offsets = [128, 0], sizes = [32, 128], strides = [1, 1]} : vector<160x128xbf16> to vector<32x128xbf16>
    %dot_general3A_138 = arith.constant dense<0.000000e+00> : vector<511x128xf32>
    %dot_general3A_139 = tpu.matmul %convert_element_type3A_61, %slice3A_137, %dot_general3A_138 {dimension_numbers = #tpu.dot_dimension_numbers<[1], [0], [0], [1], [0, 0, 1, 1], [], []>, transpose_lhs_hint = false} : vector<511x32xbf16>, vector<32x128xbf16>, vector<511x128xf32> -> vector<511x128xf32>
    %add3A_140 = arith.addf %dot_general3A_136, %dot_general3A_139 : vector<511x128xf32>
    %slice3A_141 = vector.extract_strided_slice %convert_element_type3A_125 {offsets = [0, 0], sizes = [128, 128], strides = [1, 1]} : vector<160x128xbf16> to vector<128x128xbf16>
    %dot_general3A_142 = arith.constant dense<0.000000e+00> : vector<511x128xf32>
    %dot_general3A_143 = tpu.matmul %convert_element_type3A_39, %slice3A_141, %dot_general3A_142 {dimension_numbers = #tpu.dot_dimension_numbers<[1], [0], [0], [1], [0, 0, 1, 1], [], []>, transpose_lhs_hint = false} : vector<511x128xbf16>, vector<128x128xbf16>, vector<511x128xf32> -> vector<511x128xf32>
    %slice3A_144 = vector.extract_strided_slice %convert_element_type3A_125 {offsets = [128, 0], sizes = [32, 128], strides = [1, 1]} : vector<160x128xbf16> to vector<32x128xbf16>
    %dot_general3A_145 = arith.constant dense<0.000000e+00> : vector<511x128xf32>
    %dot_general3A_146 = tpu.matmul %convert_element_type3A_61, %slice3A_144, %dot_general3A_145 {dimension_numbers = #tpu.dot_dimension_numbers<[1], [0], [0], [1], [0, 0, 1, 1], [], []>, transpose_lhs_hint = false} : vector<511x32xbf16>, vector<32x128xbf16>, vector<511x128xf32> -> vector<511x128xf32>
    %add3A_147 = arith.addf %dot_general3A_143, %dot_general3A_146 : vector<511x128xf32>
    %convert_element_type3A_148 = arith.truncf %add3A_133 : vector<511x128xf32> to vector<511x128xbf16>
    %convert_element_type3A_149 = arith.truncf %add3A_140 : vector<511x128xf32> to vector<511x128xbf16>
    %dot_general3A_150 = arith.constant dense<0.000000e+00> : vector<511x511xf32>
    %dot_general3A_151 = tpu.matmul %convert_element_type3A_148, %convert_element_type3A_149, %dot_general3A_150 {dimension_numbers = #tpu.dot_dimension_numbers<[1], [1], [0], [0], [0, 0, 1, 0], [], []>, transpose_lhs_hint = false} : vector<511x128xbf16>, vector<511x128xbf16>, vector<511x511xf32> -> vector<511x511xf32>
    %mul3A_152 = arith.constant 0.0883883461 : f32
    %mul3A_153 = vector.broadcast %mul3A_152 : f32 to vector<511x511xf32>
    %mul3A_154 = arith.mulf %dot_general3A_151, %mul3A_153 : vector<511x511xf32>
    %jit3A_155 = arith.constant -1.000000e+09 : f32
    %broadcast_in_dim3A_156 = vector.broadcast %jit3A_155 : f32 to vector<511x511xf32>
    %select_n3A_157 = arith.select %le3A, %mul3A_154, %broadcast_in_dim3A_156 : vector<511x511xi1>, vector<511x511xf32>
    %reduce_max3A_158 = arith.constant dense<0xFF800000> : vector<511xf32>
    %reduce_max3A_159 = vector.multi_reduction <maximumf>, %select_n3A_157, %reduce_max3A_158 [1] : vector<511x511xf32> to vector<511xf32>
    %broadcast_in_dim3A_160 = vector.shape_cast %reduce_max3A_159 : vector<511xf32> to vector<511x1xf32>
    %sub3A_161 = vector.broadcast %broadcast_in_dim3A_160 : vector<511x1xf32> to vector<511x511xf32>
    %sub3A_162 = arith.subf %select_n3A_157, %sub3A_161 : vector<511x511xf32>
    %exp3A_163 = math.exp %sub3A_162 : vector<511x511xf32>
    %reduce_sum3A_164 = arith.constant dense<0.000000e+00> : vector<511xf32>
    %reduce_sum3A_165 = vector.multi_reduction <add>, %exp3A_163, %reduce_sum3A_164 [1] : vector<511x511xf32> to vector<511xf32>
    %broadcast_in_dim3A_166 = vector.shape_cast %reduce_sum3A_165 : vector<511xf32> to vector<511x1xf32>
    %div3A_167 = vector.broadcast %broadcast_in_dim3A_166 : vector<511x1xf32> to vector<511x511xf32>
    %div3A_168 = arith.divf %exp3A_163, %div3A_167 : vector<511x511xf32>
    %convert_element_type3A_169 = arith.truncf %div3A_168 : vector<511x511xf32> to vector<511x511xbf16>
    %convert_element_type3A_170 = arith.truncf %add3A_147 : vector<511x128xf32> to vector<511x128xbf16>
    %dot_general3A_171 = arith.constant dense<0.000000e+00> : vector<511x128xf32>
    %dot_general3A_172 = tpu.matmul %convert_element_type3A_169, %convert_element_type3A_170, %dot_general3A_171 {dimension_numbers = #tpu.dot_dimension_numbers<[1], [0], [0], [1], [0, 0, 1, 1], [], []>, transpose_lhs_hint = false} : vector<511x511xbf16>, vector<511x128xbf16>, vector<511x128xf32> -> vector<511x128xf32>
    %tanh3A_173 = math.tanh %dot_general3A_172 : vector<511x128xf32>
    %add3A_174 = arith.addf %tanh3A_173, %tanh3A : vector<511x128xf32>
    %get3A_175 = arith.constant 0 : index
    %get3A_176 = arith.constant 0 : index
    %get3A_177 = vector.load %arg14[%get3A_175, %get3A_176] : memref<160x128xf32, #tpu.memory_space<vmem>>, vector<160x128xf32>
    %convert_element_type3A_178 = arith.truncf %get3A_177 : vector<160x128xf32> to vector<160x128xbf16>
    %get3A_179 = arith.constant 0 : index
    %get3A_180 = arith.constant 0 : index
    %get3A_181 = vector.load %arg15[%get3A_179, %get3A_180] : memref<160x128xf32, #tpu.memory_space<vmem>>, vector<160x128xf32>
    %convert_element_type3A_182 = arith.truncf %get3A_181 : vector<160x128xf32> to vector<160x128xbf16>
    %get3A_183 = arith.constant 0 : index
    %get3A_184 = arith.constant 0 : index
    %get3A_185 = vector.load %arg16[%get3A_183, %get3A_184] : memref<160x128xf32, #tpu.memory_space<vmem>>, vector<160x128xf32>
    %convert_element_type3A_186 = arith.truncf %get3A_185 : vector<160x128xf32> to vector<160x128xbf16>
    %slice3A_187 = vector.extract_strided_slice %convert_element_type3A_178 {offsets = [128, 0], sizes = [32, 128], strides = [1, 1]} : vector<160x128xbf16> to vector<32x128xbf16>
    %dot_general3A_188 = arith.constant dense<0.000000e+00> : vector<511x128xf32>
    %dot_general3A_189 = tpu.matmul %convert_element_type3A_62, %slice3A_187, %dot_general3A_188 {dimension_numbers = #tpu.dot_dimension_numbers<[1], [0], [0], [1], [0, 0, 1, 1], [], []>, transpose_lhs_hint = false} : vector<511x32xbf16>, vector<32x128xbf16>, vector<511x128xf32> -> vector<511x128xf32>
    %slice3A_190 = vector.extract_strided_slice %convert_element_type3A_182 {offsets = [0, 0], sizes = [128, 128], strides = [1, 1]} : vector<160x128xbf16> to vector<128x128xbf16>
    %dot_general3A_191 = arith.constant dense<0.000000e+00> : vector<511x128xf32>
    %dot_general3A_192 = tpu.matmul %convert_element_type3A_39, %slice3A_190, %dot_general3A_191 {dimension_numbers = #tpu.dot_dimension_numbers<[1], [0], [0], [1], [0, 0, 1, 1], [], []>, transpose_lhs_hint = false} : vector<511x128xbf16>, vector<128x128xbf16>, vector<511x128xf32> -> vector<511x128xf32>
    %slice3A_193 = vector.extract_strided_slice %convert_element_type3A_182 {offsets = [128, 0], sizes = [32, 128], strides = [1, 1]} : vector<160x128xbf16> to vector<32x128xbf16>
    %dot_general3A_194 = arith.constant dense<0.000000e+00> : vector<511x128xf32>
    %dot_general3A_195 = tpu.matmul %convert_element_type3A_61, %slice3A_193, %dot_general3A_194 {dimension_numbers = #tpu.dot_dimension_numbers<[1], [0], [0], [1], [0, 0, 1, 1], [], []>, transpose_lhs_hint = false} : vector<511x32xbf16>, vector<32x128xbf16>, vector<511x128xf32> -> vector<511x128xf32>
    %add3A_196 = arith.addf %dot_general3A_192, %dot_general3A_195 : vector<511x128xf32>
    %slice3A_197 = vector.extract_strided_slice %convert_element_type3A_186 {offsets = [0, 0], sizes = [128, 128], strides = [1, 1]} : vector<160x128xbf16> to vector<128x128xbf16>
    %dot_general3A_198 = arith.constant dense<0.000000e+00> : vector<511x128xf32>
    %dot_general3A_199 = tpu.matmul %convert_element_type3A_39, %slice3A_197, %dot_general3A_198 {dimension_numbers = #tpu.dot_dimension_numbers<[1], [0], [0], [1], [0, 0, 1, 1], [], []>, transpose_lhs_hint = false} : vector<511x128xbf16>, vector<128x128xbf16>, vector<511x128xf32> -> vector<511x128xf32>
    %slice3A_200 = vector.extract_strided_slice %convert_element_type3A_186 {offsets = [128, 0], sizes = [32, 128], strides = [1, 1]} : vector<160x128xbf16> to vector<32x128xbf16>
    %dot_general3A_201 = arith.constant dense<0.000000e+00> : vector<511x128xf32>
    %dot_general3A_202 = tpu.matmul %convert_element_type3A_61, %slice3A_200, %dot_general3A_201 {dimension_numbers = #tpu.dot_dimension_numbers<[1], [0], [0], [1], [0, 0, 1, 1], [], []>, transpose_lhs_hint = false} : vector<511x32xbf16>, vector<32x128xbf16>, vector<511x128xf32> -> vector<511x128xf32>
    %add3A_203 = arith.addf %dot_general3A_199, %dot_general3A_202 : vector<511x128xf32>
    %convert_element_type3A_204 = arith.truncf %dot_general3A_189 : vector<511x128xf32> to vector<511x128xbf16>
    %convert_element_type3A_205 = arith.truncf %add3A_196 : vector<511x128xf32> to vector<511x128xbf16>
    %dot_general3A_206 = arith.constant dense<0.000000e+00> : vector<511x511xf32>
    %dot_general3A_207 = tpu.matmul %convert_element_type3A_204, %convert_element_type3A_205, %dot_general3A_206 {dimension_numbers = #tpu.dot_dimension_numbers<[1], [1], [0], [0], [0, 0, 1, 0], [], []>, transpose_lhs_hint = false} : vector<511x128xbf16>, vector<511x128xbf16>, vector<511x511xf32> -> vector<511x511xf32>
    %mul3A_208 = arith.constant 0.0883883461 : f32
    %mul3A_209 = vector.broadcast %mul3A_208 : f32 to vector<511x511xf32>
    %mul3A_210 = arith.mulf %dot_general3A_207, %mul3A_209 : vector<511x511xf32>
    %jit3A_211 = arith.constant -1.000000e+09 : f32
    %broadcast_in_dim3A_212 = vector.broadcast %jit3A_211 : f32 to vector<511x511xf32>
    %select_n3A_213 = arith.select %le3A, %mul3A_210, %broadcast_in_dim3A_212 : vector<511x511xi1>, vector<511x511xf32>
    %reduce_max3A_214 = arith.constant dense<0xFF800000> : vector<511xf32>
    %reduce_max3A_215 = vector.multi_reduction <maximumf>, %select_n3A_213, %reduce_max3A_214 [1] : vector<511x511xf32> to vector<511xf32>
    %broadcast_in_dim3A_216 = vector.shape_cast %reduce_max3A_215 : vector<511xf32> to vector<511x1xf32>
    %sub3A_217 = vector.broadcast %broadcast_in_dim3A_216 : vector<511x1xf32> to vector<511x511xf32>
    %sub3A_218 = arith.subf %select_n3A_213, %sub3A_217 : vector<511x511xf32>
    %exp3A_219 = math.exp %sub3A_218 : vector<511x511xf32>
    %reduce_sum3A_220 = arith.constant dense<0.000000e+00> : vector<511xf32>
    %reduce_sum3A_221 = vector.multi_reduction <add>, %exp3A_219, %reduce_sum3A_220 [1] : vector<511x511xf32> to vector<511xf32>
    %broadcast_in_dim3A_222 = vector.shape_cast %reduce_sum3A_221 : vector<511xf32> to vector<511x1xf32>
    %div3A_223 = vector.broadcast %broadcast_in_dim3A_222 : vector<511x1xf32> to vector<511x511xf32>
    %div3A_224 = arith.divf %exp3A_219, %div3A_223 : vector<511x511xf32>
    %convert_element_type3A_225 = arith.truncf %div3A_224 : vector<511x511xf32> to vector<511x511xbf16>
    %convert_element_type3A_226 = arith.truncf %add3A_203 : vector<511x128xf32> to vector<511x128xbf16>
    %dot_general3A_227 = arith.constant dense<0.000000e+00> : vector<511x128xf32>
    %dot_general3A_228 = tpu.matmul %convert_element_type3A_225, %convert_element_type3A_226, %dot_general3A_227 {dimension_numbers = #tpu.dot_dimension_numbers<[1], [0], [0], [1], [0, 0, 1, 1], [], []>, transpose_lhs_hint = false} : vector<511x511xbf16>, vector<511x128xbf16>, vector<511x128xf32> -> vector<511x128xf32>
    %tanh3A_229 = math.tanh %dot_general3A_228 : vector<511x128xf32>
    %get3A_230 = arith.constant 0 : index
    %get3A_231 = arith.constant 0 : index
    %get3A_232 = vector.load %arg17[%get3A_230, %get3A_231] : memref<160x128xf32, #tpu.memory_space<vmem>>, vector<160x128xf32>
    %convert_element_type3A_233 = arith.truncf %get3A_232 : vector<160x128xf32> to vector<160x128xbf16>
    %get3A_234 = arith.constant 0 : index
    %get3A_235 = arith.constant 0 : index
    %get3A_236 = vector.load %arg18[%get3A_234, %get3A_235] : memref<160x128xf32, #tpu.memory_space<vmem>>, vector<160x128xf32>
    %convert_element_type3A_237 = arith.truncf %get3A_236 : vector<160x128xf32> to vector<160x128xbf16>
    %get3A_238 = arith.constant 0 : index
    %get3A_239 = arith.constant 0 : index
    %get3A_240 = vector.load %arg19[%get3A_238, %get3A_239] : memref<160x128xf32, #tpu.memory_space<vmem>>, vector<160x128xf32>
    %convert_element_type3A_241 = arith.truncf %get3A_240 : vector<160x128xf32> to vector<160x128xbf16>
    %slice3A_242 = vector.extract_strided_slice %convert_element_type3A_233 {offsets = [128, 0], sizes = [32, 128], strides = [1, 1]} : vector<160x128xbf16> to vector<32x128xbf16>
    %dot_general3A_243 = arith.constant dense<0.000000e+00> : vector<511x128xf32>
    %dot_general3A_244 = tpu.matmul %convert_element_type3A_62, %slice3A_242, %dot_general3A_243 {dimension_numbers = #tpu.dot_dimension_numbers<[1], [0], [0], [1], [0, 0, 1, 1], [], []>, transpose_lhs_hint = false} : vector<511x32xbf16>, vector<32x128xbf16>, vector<511x128xf32> -> vector<511x128xf32>
    %convert_element_type3A_245 = arith.truncf %tanh3A_229 : vector<511x128xf32> to vector<511x128xbf16>
    %slice3A_246 = vector.extract_strided_slice %convert_element_type3A_233 {offsets = [0, 0], sizes = [128, 128], strides = [1, 1]} : vector<160x128xbf16> to vector<128x128xbf16>
    %dot_general3A_247 = arith.constant dense<0.000000e+00> : vector<511x128xf32>
    %dot_general3A_248 = tpu.matmul %convert_element_type3A_245, %slice3A_246, %dot_general3A_247 {dimension_numbers = #tpu.dot_dimension_numbers<[1], [0], [0], [1], [0, 0, 1, 1], [], []>, transpose_lhs_hint = false} : vector<511x128xbf16>, vector<128x128xbf16>, vector<511x128xf32> -> vector<511x128xf32>
    %add3A_249 = arith.addf %dot_general3A_244, %dot_general3A_248 : vector<511x128xf32>
    %slice3A_250 = vector.extract_strided_slice %convert_element_type3A_237 {offsets = [0, 0], sizes = [128, 128], strides = [1, 1]} : vector<160x128xbf16> to vector<128x128xbf16>
    %dot_general3A_251 = arith.constant dense<0.000000e+00> : vector<511x128xf32>
    %dot_general3A_252 = tpu.matmul %convert_element_type3A_39, %slice3A_250, %dot_general3A_251 {dimension_numbers = #tpu.dot_dimension_numbers<[1], [0], [0], [1], [0, 0, 1, 1], [], []>, transpose_lhs_hint = false} : vector<511x128xbf16>, vector<128x128xbf16>, vector<511x128xf32> -> vector<511x128xf32>
    %slice3A_253 = vector.extract_strided_slice %convert_element_type3A_237 {offsets = [128, 0], sizes = [32, 128], strides = [1, 1]} : vector<160x128xbf16> to vector<32x128xbf16>
    %dot_general3A_254 = arith.constant dense<0.000000e+00> : vector<511x128xf32>
    %dot_general3A_255 = tpu.matmul %convert_element_type3A_61, %slice3A_253, %dot_general3A_254 {dimension_numbers = #tpu.dot_dimension_numbers<[1], [0], [0], [1], [0, 0, 1, 1], [], []>, transpose_lhs_hint = false} : vector<511x32xbf16>, vector<32x128xbf16>, vector<511x128xf32> -> vector<511x128xf32>
    %add3A_256 = arith.addf %dot_general3A_252, %dot_general3A_255 : vector<511x128xf32>
    %slice3A_257 = vector.extract_strided_slice %convert_element_type3A_241 {offsets = [0, 0], sizes = [128, 128], strides = [1, 1]} : vector<160x128xbf16> to vector<128x128xbf16>
    %dot_general3A_258 = arith.constant dense<0.000000e+00> : vector<511x128xf32>
    %dot_general3A_259 = tpu.matmul %convert_element_type3A_39, %slice3A_257, %dot_general3A_258 {dimension_numbers = #tpu.dot_dimension_numbers<[1], [0], [0], [1], [0, 0, 1, 1], [], []>, transpose_lhs_hint = false} : vector<511x128xbf16>, vector<128x128xbf16>, vector<511x128xf32> -> vector<511x128xf32>
    %slice3A_260 = vector.extract_strided_slice %convert_element_type3A_241 {offsets = [128, 0], sizes = [32, 128], strides = [1, 1]} : vector<160x128xbf16> to vector<32x128xbf16>
    %dot_general3A_261 = arith.constant dense<0.000000e+00> : vector<511x128xf32>
    %dot_general3A_262 = tpu.matmul %convert_element_type3A_61, %slice3A_260, %dot_general3A_261 {dimension_numbers = #tpu.dot_dimension_numbers<[1], [0], [0], [1], [0, 0, 1, 1], [], []>, transpose_lhs_hint = false} : vector<511x32xbf16>, vector<32x128xbf16>, vector<511x128xf32> -> vector<511x128xf32>
    %add3A_263 = arith.addf %dot_general3A_259, %dot_general3A_262 : vector<511x128xf32>
    %convert_element_type3A_264 = arith.truncf %add3A_249 : vector<511x128xf32> to vector<511x128xbf16>
    %convert_element_type3A_265 = arith.truncf %add3A_256 : vector<511x128xf32> to vector<511x128xbf16>
    %dot_general3A_266 = arith.constant dense<0.000000e+00> : vector<511x511xf32>
    %dot_general3A_267 = tpu.matmul %convert_element_type3A_264, %convert_element_type3A_265, %dot_general3A_266 {dimension_numbers = #tpu.dot_dimension_numbers<[1], [1], [0], [0], [0, 0, 1, 0], [], []>, transpose_lhs_hint = false} : vector<511x128xbf16>, vector<511x128xbf16>, vector<511x511xf32> -> vector<511x511xf32>
    %mul3A_268 = arith.constant 0.0883883461 : f32
    %mul3A_269 = vector.broadcast %mul3A_268 : f32 to vector<511x511xf32>
    %mul3A_270 = arith.mulf %dot_general3A_267, %mul3A_269 : vector<511x511xf32>
    %jit3A_271 = arith.constant -1.000000e+09 : f32
    %broadcast_in_dim3A_272 = vector.broadcast %jit3A_271 : f32 to vector<511x511xf32>
    %select_n3A_273 = arith.select %le3A, %mul3A_270, %broadcast_in_dim3A_272 : vector<511x511xi1>, vector<511x511xf32>
    %reduce_max3A_274 = arith.constant dense<0xFF800000> : vector<511xf32>
    %reduce_max3A_275 = vector.multi_reduction <maximumf>, %select_n3A_273, %reduce_max3A_274 [1] : vector<511x511xf32> to vector<511xf32>
    %broadcast_in_dim3A_276 = vector.shape_cast %reduce_max3A_275 : vector<511xf32> to vector<511x1xf32>
    %sub3A_277 = vector.broadcast %broadcast_in_dim3A_276 : vector<511x1xf32> to vector<511x511xf32>
    %sub3A_278 = arith.subf %select_n3A_273, %sub3A_277 : vector<511x511xf32>
    %exp3A_279 = math.exp %sub3A_278 : vector<511x511xf32>
    %reduce_sum3A_280 = arith.constant dense<0.000000e+00> : vector<511xf32>
    %reduce_sum3A_281 = vector.multi_reduction <add>, %exp3A_279, %reduce_sum3A_280 [1] : vector<511x511xf32> to vector<511xf32>
    %broadcast_in_dim3A_282 = vector.shape_cast %reduce_sum3A_281 : vector<511xf32> to vector<511x1xf32>
    %div3A_283 = vector.broadcast %broadcast_in_dim3A_282 : vector<511x1xf32> to vector<511x511xf32>
    %div3A_284 = arith.divf %exp3A_279, %div3A_283 : vector<511x511xf32>
    %convert_element_type3A_285 = arith.truncf %div3A_284 : vector<511x511xf32> to vector<511x511xbf16>
    %convert_element_type3A_286 = arith.truncf %add3A_263 : vector<511x128xf32> to vector<511x128xbf16>
    %dot_general3A_287 = arith.constant dense<0.000000e+00> : vector<511x128xf32>
    %dot_general3A_288 = tpu.matmul %convert_element_type3A_285, %convert_element_type3A_286, %dot_general3A_287 {dimension_numbers = #tpu.dot_dimension_numbers<[1], [0], [0], [1], [0, 0, 1, 1], [], []>, transpose_lhs_hint = false} : vector<511x511xbf16>, vector<511x128xbf16>, vector<511x128xf32> -> vector<511x128xf32>
    %tanh3A_289 = math.tanh %dot_general3A_288 : vector<511x128xf32>
    %add3A_290 = arith.addf %tanh3A_289, %tanh3A_229 : vector<511x128xf32>
    %concatenate3A_291 = tpu.concatenate %add3A_174, %add3A_290 in 1 : vector<511x128xf32>, vector<511x128xf32> -> vector<511x256xf32>
    %get3A_292 = arith.constant 0 : index
    %get3A_293 = arith.constant 0 : index
    %get3A_294 = arith.constant 0 : index
    %get3A_295 = vector.load %arg4[%get3A_292, %get3A_293, %get3A_294] : memref<2x1x512xi32, #tpu.memory_space<vmem>>, vector<1x1x512xi32>
    %get3A_296 = vector.shape_cast %get3A_295 : vector<1x1x512xi32> to vector<1x512xi32>
    %slice3A_297 = vector.extract_strided_slice %get3A_296 {offsets = [0, 0], sizes = [1, 511], strides = [1, 1]} : vector<1x512xi32> to vector<1x511xi32>
    %get3A_298 = arith.constant 0 : index
    %get3A_299 = arith.constant 0 : index
    %get3A_300 = arith.constant 0 : index
    %get3A_301 = vector.load %arg5[%get3A_298, %get3A_299, %get3A_300] : memref<2x1x512xi32, #tpu.memory_space<vmem>>, vector<1x1x512xi32>
    %get3A_302 = vector.shape_cast %get3A_301 : vector<1x1x512xi32> to vector<1x512xi32>
    %get3A_303 = arith.constant dense<0> : vector<1x512xi32>
    %get3A_304 = arith.cmpi ne, %get3A_302, %get3A_303 : vector<1x512xi32>
    %slice3A_305 = vector.extract_strided_slice %get3A_304 {offsets = [0, 0], sizes = [1, 511], strides = [1, 1]} : vector<1x512xi1> to vector<1x511xi1>
    %eq3A_306 = vector.broadcast %slice3A_297 : vector<1x511xi32> to vector<100x511xi32>
    %eq3A_307 = arith.cmpi eq, %iota3A_24, %eq3A_306 : vector<100x511xi32>
    %and3A_308 = vector.broadcast %slice3A_305 : vector<1x511xi1> to vector<100x511xi1>
    %and3A_309 = arith.andi %eq3A_307, %and3A_308 : vector<100x511xi1>
    %jit3A_310 = arith.constant 1.000000e+00 : f32
    %jit3A_311 = arith.constant 0.000000e+00 : f32
    %broadcast_in_dim3A_312 = vector.broadcast %jit3A_310 : f32 to vector<100x511xf32>
    %broadcast_in_dim3A_313 = vector.broadcast %jit3A_311 : f32 to vector<100x511xf32>
    %select_n3A_314 = arith.select %and3A_309, %broadcast_in_dim3A_312, %broadcast_in_dim3A_313 : vector<100x511xi1>, vector<100x511xf32>
    %dot_general3A_315 = arith.constant dense<0.000000e+00> : vector<100x256xf32>
    %dot_general3A_316 = tpu.matmul %select_n3A_314, %concatenate3A_291, %dot_general3A_315 {dimension_numbers = #tpu.dot_dimension_numbers<[1], [0], [0], [1], [0, 0, 1, 1], [], []>, transpose_lhs_hint = false} : vector<100x511xf32>, vector<511x256xf32>, vector<100x256xf32> -> vector<100x256xf32>
    %reduce_sum3A_317 = arith.constant dense<0.000000e+00> : vector<100xf32>
    %reduce_sum3A_318 = vector.multi_reduction <add>, %select_n3A_314, %reduce_sum3A_317 [1] : vector<100x511xf32> to vector<100xf32>
    %broadcast_in_dim3A_319 = vector.shape_cast %reduce_sum3A_318 : vector<100xf32> to vector<100x1xf32>
    %max3A = arith.constant 1.000000e+00 : f32
    %max3A_320 = vector.broadcast %max3A : f32 to vector<100x1xf32>
    %max3A_321 = arith.maximumf %broadcast_in_dim3A_319, %max3A_320 : vector<100x1xf32>
    %div3A_322 = arith.constant 1.000000e+00 : f32
    %div3A_323 = vector.broadcast %div3A_322 : f32 to vector<100x1xf32>
    %div3A_324 = arith.divf %div3A_323, %max3A_321 : vector<100x1xf32>
    %gt3A_325 = arith.constant 5.000000e-01 : f32
    %gt3A_326 = vector.broadcast %gt3A_325 : f32 to vector<100x1xf32>
    %gt3A_327 = arith.cmpf ogt, %broadcast_in_dim3A_319, %gt3A_326 : vector<100x1xf32>
    %jit3A_328 = arith.constant 1.000000e+00 : f32
    %jit3A_329 = arith.constant 0.000000e+00 : f32
    %broadcast_in_dim3A_330 = vector.broadcast %jit3A_328 : f32 to vector<100x1xf32>
    %broadcast_in_dim3A_331 = vector.broadcast %jit3A_329 : f32 to vector<100x1xf32>
    %select_n3A_332 = arith.select %gt3A_327, %broadcast_in_dim3A_330, %broadcast_in_dim3A_331 : vector<100x1xi1>, vector<100x1xf32>
    %get3A_333 = arith.constant 0 : index
    %get3A_334 = arith.constant 0 : index
    %get3A_335 = arith.constant 0 : index
    %get3A_336 = vector.load %arg6[%get3A_333, %get3A_334, %get3A_335] : memref<2x1x128xf32, #tpu.memory_space<vmem>>, vector<1x1x128xf32>
    %get3A_337 = vector.shape_cast %get3A_336 : vector<1x1x128xf32> to vector<1x128xf32>
    %get3A_338 = arith.constant 0 : index
    %get3A_339 = arith.constant 0 : index
    %get3A_340 = arith.constant 0 : index
    %get3A_341 = vector.load %arg7[%get3A_338, %get3A_339, %get3A_340] : memref<2x1x128xf32, #tpu.memory_space<vmem>>, vector<1x1x128xf32>
    %get3A_342 = vector.shape_cast %get3A_341 : vector<1x1x128xf32> to vector<1x128xf32>
    %mul3A_343 = vector.broadcast %div3A_324 : vector<100x1xf32> to vector<100x256xf32>
    %mul3A_344 = arith.mulf %dot_general3A_316, %mul3A_343 : vector<100x256xf32>
    %mul3A_345 = vector.broadcast %select_n3A_332 : vector<100x1xf32> to vector<100x128xf32>
    %mul3A_346 = vector.broadcast %get3A_337 : vector<1x128xf32> to vector<100x128xf32>
    %mul3A_347 = arith.mulf %mul3A_345, %mul3A_346 : vector<100x128xf32>
    %mul3A_348 = vector.broadcast %select_n3A_332 : vector<100x1xf32> to vector<100x128xf32>
    %mul3A_349 = vector.broadcast %get3A_342 : vector<1x128xf32> to vector<100x128xf32>
    %mul3A_350 = arith.mulf %mul3A_348, %mul3A_349 : vector<100x128xf32>
    %concatenate3A_351 = tpu.concatenate %mul3A_344, %mul3A_347, %mul3A_350 in 1 : vector<100x256xf32>, vector<100x128xf32>, vector<100x128xf32> -> vector<100x512xf32>
    %get3A_352 = arith.constant 0 : index
    %get3A_353 = arith.constant 0 : index
    %get3A_354 = vector.load %arg20[%get3A_352, %get3A_353] : memref<512x64xf32, #tpu.memory_space<vmem>>, vector<512x64xf32>
    %dot_general3A_355 = arith.constant dense<0.000000e+00> : vector<100x64xf32>
    %dot_general3A_356 = tpu.matmul %concatenate3A_351, %get3A_354, %dot_general3A_355 {dimension_numbers = #tpu.dot_dimension_numbers<[1], [0], [0], [1], [0, 0, 1, 1], [], []>, transpose_lhs_hint = false} : vector<100x512xf32>, vector<512x64xf32>, vector<100x64xf32> -> vector<100x64xf32>
    %get3A_357 = arith.constant 0 : index
    %get3A_358 = arith.constant 0 : index
    %get3A_359 = vector.load %arg21[%get3A_357, %get3A_358] : memref<1x64xf32, #tpu.memory_space<vmem>>, vector<1x64xf32>
    %add3A_360 = vector.broadcast %get3A_359 : vector<1x64xf32> to vector<100x64xf32>
    %add3A_361 = arith.addf %dot_general3A_356, %add3A_360 : vector<100x64xf32>
    %get3A_362 = arith.constant 0 : index
    %get3A_363 = arith.constant 0 : index
    %get3A_364 = vector.load %arg22[%get3A_362, %get3A_363] : memref<64x64xf32, #tpu.memory_space<vmem>>, vector<64x64xf32>
    %dot_general3A_365 = arith.constant dense<0.000000e+00> : vector<100x64xf32>
    %dot_general3A_366 = tpu.matmul %add3A_361, %get3A_364, %dot_general3A_365 {dimension_numbers = #tpu.dot_dimension_numbers<[1], [0], [0], [1], [0, 0, 1, 1], [], []>, transpose_lhs_hint = false} : vector<100x64xf32>, vector<64x64xf32>, vector<100x64xf32> -> vector<100x64xf32>
    %get3A_367 = arith.constant 0 : index
    %get3A_368 = arith.constant 0 : index
    %get3A_369 = vector.load %arg26[%get3A_367, %get3A_368] : memref<1x64xf32, #tpu.memory_space<vmem>>, vector<1x64xf32>
    %add3A_370 = vector.broadcast %get3A_369 : vector<1x64xf32> to vector<100x64xf32>
    %add3A_371 = arith.addf %dot_general3A_366, %add3A_370 : vector<100x64xf32>
    %get3A_372 = arith.constant 0 : index
    %get3A_373 = arith.constant 0 : index
    %get3A_374 = vector.load %arg23[%get3A_372, %get3A_373] : memref<64x64xf32, #tpu.memory_space<vmem>>, vector<64x64xf32>
    %dot_general3A_375 = arith.constant dense<0.000000e+00> : vector<100x64xf32>
    %dot_general3A_376 = tpu.matmul %add3A_361, %get3A_374, %dot_general3A_375 {dimension_numbers = #tpu.dot_dimension_numbers<[1], [0], [0], [1], [0, 0, 1, 1], [], []>, transpose_lhs_hint = false} : vector<100x64xf32>, vector<64x64xf32>, vector<100x64xf32> -> vector<100x64xf32>
    %get3A_377 = arith.constant 0 : index
    %get3A_378 = arith.constant 0 : index
    %get3A_379 = vector.load %arg27[%get3A_377, %get3A_378] : memref<1x64xf32, #tpu.memory_space<vmem>>, vector<1x64xf32>
    %add3A_380 = vector.broadcast %get3A_379 : vector<1x64xf32> to vector<100x64xf32>
    %add3A_381 = arith.addf %dot_general3A_376, %add3A_380 : vector<100x64xf32>
    %get3A_382 = arith.constant 0 : index
    %get3A_383 = arith.constant 0 : index
    %get3A_384 = vector.load %arg24[%get3A_382, %get3A_383] : memref<64x64xf32, #tpu.memory_space<vmem>>, vector<64x64xf32>
    %dot_general3A_385 = arith.constant dense<0.000000e+00> : vector<100x64xf32>
    %dot_general3A_386 = tpu.matmul %add3A_361, %get3A_384, %dot_general3A_385 {dimension_numbers = #tpu.dot_dimension_numbers<[1], [0], [0], [1], [0, 0, 1, 1], [], []>, transpose_lhs_hint = false} : vector<100x64xf32>, vector<64x64xf32>, vector<100x64xf32> -> vector<100x64xf32>
    %get3A_387 = arith.constant 0 : index
    %get3A_388 = arith.constant 0 : index
    %get3A_389 = vector.load %arg28[%get3A_387, %get3A_388] : memref<1x64xf32, #tpu.memory_space<vmem>>, vector<1x64xf32>
    %add3A_390 = vector.broadcast %get3A_389 : vector<1x64xf32> to vector<100x64xf32>
    %add3A_391 = arith.addf %dot_general3A_386, %add3A_390 : vector<100x64xf32>
    %slice3A_392 = vector.extract_strided_slice %add3A_371 {offsets = [0, 0], sizes = [100, 32], strides = [1, 1]} : vector<100x64xf32> to vector<100x32xf32>
    %slice3A_393 = vector.extract_strided_slice %add3A_381 {offsets = [0, 0], sizes = [100, 32], strides = [1, 1]} : vector<100x64xf32> to vector<100x32xf32>
    %dot_general3A_394 = arith.constant dense<0.000000e+00> : vector<100x100xf32>
    %dot_general3A_395 = tpu.matmul %slice3A_392, %slice3A_393, %dot_general3A_394 {dimension_numbers = #tpu.dot_dimension_numbers<[1], [1], [0], [0], [0, 0, 1, 0], [], []>, transpose_lhs_hint = false} : vector<100x32xf32>, vector<100x32xf32>, vector<100x100xf32> -> vector<100x100xf32>
    %mul3A_396 = arith.constant 0.176776692 : f32
    %mul3A_397 = vector.broadcast %mul3A_396 : f32 to vector<100x100xf32>
    %mul3A_398 = arith.mulf %dot_general3A_395, %mul3A_397 : vector<100x100xf32>
    %reduce_max3A_399 = arith.constant dense<0xFF800000> : vector<100xf32>
    %reduce_max3A_400 = vector.multi_reduction <maximumf>, %mul3A_398, %reduce_max3A_399 [1] : vector<100x100xf32> to vector<100xf32>
    %broadcast_in_dim3A_401 = vector.shape_cast %reduce_max3A_400 : vector<100xf32> to vector<100x1xf32>
    %sub3A_402 = vector.broadcast %broadcast_in_dim3A_401 : vector<100x1xf32> to vector<100x100xf32>
    %sub3A_403 = arith.subf %mul3A_398, %sub3A_402 : vector<100x100xf32>
    %exp3A_404 = math.exp %sub3A_403 : vector<100x100xf32>
    %reduce_sum3A_405 = arith.constant dense<0.000000e+00> : vector<100xf32>
    %reduce_sum3A_406 = vector.multi_reduction <add>, %exp3A_404, %reduce_sum3A_405 [1] : vector<100x100xf32> to vector<100xf32>
    %broadcast_in_dim3A_407 = vector.shape_cast %reduce_sum3A_406 : vector<100xf32> to vector<100x1xf32>
    %div3A_408 = vector.broadcast %broadcast_in_dim3A_407 : vector<100x1xf32> to vector<100x100xf32>
    %div3A_409 = arith.divf %exp3A_404, %div3A_408 : vector<100x100xf32>
    %slice3A_410 = vector.extract_strided_slice %add3A_391 {offsets = [0, 0], sizes = [100, 32], strides = [1, 1]} : vector<100x64xf32> to vector<100x32xf32>
    %dot_general3A_411 = arith.constant dense<0.000000e+00> : vector<100x32xf32>
    %dot_general3A_412 = tpu.matmul %div3A_409, %slice3A_410, %dot_general3A_411 {dimension_numbers = #tpu.dot_dimension_numbers<[1], [0], [0], [1], [0, 0, 1, 1], [], []>, transpose_lhs_hint = false} : vector<100x100xf32>, vector<100x32xf32>, vector<100x32xf32> -> vector<100x32xf32>
    %slice3A_413 = vector.extract_strided_slice %add3A_371 {offsets = [0, 32], sizes = [100, 32], strides = [1, 1]} : vector<100x64xf32> to vector<100x32xf32>
    %slice3A_414 = vector.extract_strided_slice %add3A_381 {offsets = [0, 32], sizes = [100, 32], strides = [1, 1]} : vector<100x64xf32> to vector<100x32xf32>
    %dot_general3A_415 = arith.constant dense<0.000000e+00> : vector<100x100xf32>
    %dot_general3A_416 = tpu.matmul %slice3A_413, %slice3A_414, %dot_general3A_415 {dimension_numbers = #tpu.dot_dimension_numbers<[1], [1], [0], [0], [0, 0, 1, 0], [], []>, transpose_lhs_hint = false} : vector<100x32xf32>, vector<100x32xf32>, vector<100x100xf32> -> vector<100x100xf32>
    %mul3A_417 = arith.constant 0.176776692 : f32
    %mul3A_418 = vector.broadcast %mul3A_417 : f32 to vector<100x100xf32>
    %mul3A_419 = arith.mulf %dot_general3A_416, %mul3A_418 : vector<100x100xf32>
    %reduce_max3A_420 = arith.constant dense<0xFF800000> : vector<100xf32>
    %reduce_max3A_421 = vector.multi_reduction <maximumf>, %mul3A_419, %reduce_max3A_420 [1] : vector<100x100xf32> to vector<100xf32>
    %broadcast_in_dim3A_422 = vector.shape_cast %reduce_max3A_421 : vector<100xf32> to vector<100x1xf32>
    %sub3A_423 = vector.broadcast %broadcast_in_dim3A_422 : vector<100x1xf32> to vector<100x100xf32>
    %sub3A_424 = arith.subf %mul3A_419, %sub3A_423 : vector<100x100xf32>
    %exp3A_425 = math.exp %sub3A_424 : vector<100x100xf32>
    %reduce_sum3A_426 = arith.constant dense<0.000000e+00> : vector<100xf32>
    %reduce_sum3A_427 = vector.multi_reduction <add>, %exp3A_425, %reduce_sum3A_426 [1] : vector<100x100xf32> to vector<100xf32>
    %broadcast_in_dim3A_428 = vector.shape_cast %reduce_sum3A_427 : vector<100xf32> to vector<100x1xf32>
    %div3A_429 = vector.broadcast %broadcast_in_dim3A_428 : vector<100x1xf32> to vector<100x100xf32>
    %div3A_430 = arith.divf %exp3A_425, %div3A_429 : vector<100x100xf32>
    %slice3A_431 = vector.extract_strided_slice %add3A_391 {offsets = [0, 32], sizes = [100, 32], strides = [1, 1]} : vector<100x64xf32> to vector<100x32xf32>
    %dot_general3A_432 = arith.constant dense<0.000000e+00> : vector<100x32xf32>
    %dot_general3A_433 = tpu.matmul %div3A_430, %slice3A_431, %dot_general3A_432 {dimension_numbers = #tpu.dot_dimension_numbers<[1], [0], [0], [1], [0, 0, 1, 1], [], []>, transpose_lhs_hint = false} : vector<100x100xf32>, vector<100x32xf32>, vector<100x32xf32> -> vector<100x32xf32>
    %concatenate3A_434 = tpu.concatenate %dot_general3A_412, %dot_general3A_433 in 1 : vector<100x32xf32>, vector<100x32xf32> -> vector<100x64xf32>
    %get3A_435 = arith.constant 0 : index
    %get3A_436 = arith.constant 0 : index
    %get3A_437 = vector.load %arg25[%get3A_435, %get3A_436] : memref<64x64xf32, #tpu.memory_space<vmem>>, vector<64x64xf32>
    %dot_general3A_438 = arith.constant dense<0.000000e+00> : vector<100x64xf32>
    %dot_general3A_439 = tpu.matmul %concatenate3A_434, %get3A_437, %dot_general3A_438 {dimension_numbers = #tpu.dot_dimension_numbers<[1], [0], [0], [1], [0, 0, 1, 1], [], []>, transpose_lhs_hint = false} : vector<100x64xf32>, vector<64x64xf32>, vector<100x64xf32> -> vector<100x64xf32>
    %get3A_440 = arith.constant 0 : index
    %get3A_441 = arith.constant 0 : index
    %get3A_442 = vector.load %arg29[%get3A_440, %get3A_441] : memref<1x64xf32, #tpu.memory_space<vmem>>, vector<1x64xf32>
    %add3A_443 = vector.broadcast %get3A_442 : vector<1x64xf32> to vector<100x64xf32>
    %add3A_444 = arith.addf %dot_general3A_439, %add3A_443 : vector<100x64xf32>
    %add3A_445 = arith.addf %add3A_361, %add3A_444 : vector<100x64xf32>
    %get3A_446 = arith.constant 0 : index
    %get3A_447 = arith.constant 0 : index
    %get3A_448 = vector.load %arg34[%get3A_446, %get3A_447] : memref<1x64xf32, #tpu.memory_space<vmem>>, vector<1x64xf32>
    %get3A_449 = arith.constant 0 : index
    %get3A_450 = arith.constant 0 : index
    %get3A_451 = vector.load %arg35[%get3A_449, %get3A_450] : memref<1x64xf32, #tpu.memory_space<vmem>>, vector<1x64xf32>
    %reduce_sum3A_452 = arith.constant dense<0.000000e+00> : vector<100xf32>
    %reduce_sum3A_453 = vector.multi_reduction <add>, %add3A_445, %reduce_sum3A_452 [1] : vector<100x64xf32> to vector<100xf32>
    %broadcast_in_dim3A_454 = vector.shape_cast %reduce_sum3A_453 : vector<100xf32> to vector<100x1xf32>
    %div3A_455 = arith.constant 6.400000e+01 : f32
    %div3A_456 = vector.broadcast %div3A_455 : f32 to vector<100x1xf32>
    %div3A_457 = arith.divf %broadcast_in_dim3A_454, %div3A_456 : vector<100x1xf32>
    %sub3A_458 = vector.broadcast %div3A_457 : vector<100x1xf32> to vector<100x64xf32>
    %sub3A_459 = arith.subf %add3A_445, %sub3A_458 : vector<100x64xf32>
    %integer_pow3A = arith.mulf %sub3A_459, %sub3A_459 : vector<100x64xf32>
    %reduce_sum3A_460 = arith.constant dense<0.000000e+00> : vector<100xf32>
    %reduce_sum3A_461 = vector.multi_reduction <add>, %integer_pow3A, %reduce_sum3A_460 [1] : vector<100x64xf32> to vector<100xf32>
    %broadcast_in_dim3A_462 = vector.shape_cast %reduce_sum3A_461 : vector<100xf32> to vector<100x1xf32>
    %div3A_463 = arith.constant 6.400000e+01 : f32
    %div3A_464 = vector.broadcast %div3A_463 : f32 to vector<100x1xf32>
    %div3A_465 = arith.divf %broadcast_in_dim3A_462, %div3A_464 : vector<100x1xf32>
    %sub3A_466 = vector.broadcast %div3A_457 : vector<100x1xf32> to vector<100x64xf32>
    %sub3A_467 = arith.subf %add3A_445, %sub3A_466 : vector<100x64xf32>
    %add3A_468 = arith.constant 9.99999974E-6 : f32
    %add3A_469 = vector.broadcast %add3A_468 : f32 to vector<100x1xf32>
    %add3A_470 = arith.addf %div3A_465, %add3A_469 : vector<100x1xf32>
    %sqrt3A = math.sqrt %add3A_470 : vector<100x1xf32>
    %div3A_471 = vector.broadcast %sqrt3A : vector<100x1xf32> to vector<100x64xf32>
    %div3A_472 = arith.divf %sub3A_467, %div3A_471 : vector<100x64xf32>
    %mul3A_473 = vector.broadcast %get3A_448 : vector<1x64xf32> to vector<100x64xf32>
    %mul3A_474 = arith.mulf %div3A_472, %mul3A_473 : vector<100x64xf32>
    %add3A_475 = vector.broadcast %get3A_451 : vector<1x64xf32> to vector<100x64xf32>
    %add3A_476 = arith.addf %mul3A_474, %add3A_475 : vector<100x64xf32>
    %get3A_477 = arith.constant 0 : index
    %get3A_478 = arith.constant 0 : index
    %get3A_479 = vector.load %arg30[%get3A_477, %get3A_478] : memref<64x64xf32, #tpu.memory_space<vmem>>, vector<64x64xf32>
    %dot_general3A_480 = arith.constant dense<0.000000e+00> : vector<100x64xf32>
    %dot_general3A_481 = tpu.matmul %add3A_476, %get3A_479, %dot_general3A_480 {dimension_numbers = #tpu.dot_dimension_numbers<[1], [0], [0], [1], [0, 0, 1, 1], [], []>, transpose_lhs_hint = false} : vector<100x64xf32>, vector<64x64xf32>, vector<100x64xf32> -> vector<100x64xf32>
    %get3A_482 = arith.constant 0 : index
    %get3A_483 = arith.constant 0 : index
    %get3A_484 = vector.load %arg31[%get3A_482, %get3A_483] : memref<1x64xf32, #tpu.memory_space<vmem>>, vector<1x64xf32>
    %add3A_485 = vector.broadcast %get3A_484 : vector<1x64xf32> to vector<100x64xf32>
    %add3A_486 = arith.addf %dot_general3A_481, %add3A_485 : vector<100x64xf32>
    %max3A_487 = arith.constant 0.000000e+00 : f32
    %max3A_488 = vector.broadcast %max3A_487 : f32 to vector<100x64xf32>
    %max3A_489 = arith.maximumf %add3A_486, %max3A_488 : vector<100x64xf32>
    %get3A_490 = arith.constant 0 : index
    %get3A_491 = arith.constant 0 : index
    %get3A_492 = vector.load %arg32[%get3A_490, %get3A_491] : memref<64x64xf32, #tpu.memory_space<vmem>>, vector<64x64xf32>
    %dot_general3A_493 = arith.constant dense<0.000000e+00> : vector<100x64xf32>
    %dot_general3A_494 = tpu.matmul %max3A_489, %get3A_492, %dot_general3A_493 {dimension_numbers = #tpu.dot_dimension_numbers<[1], [0], [0], [1], [0, 0, 1, 1], [], []>, transpose_lhs_hint = false} : vector<100x64xf32>, vector<64x64xf32>, vector<100x64xf32> -> vector<100x64xf32>
    %get3A_495 = arith.constant 0 : index
    %get3A_496 = arith.constant 0 : index
    %get3A_497 = vector.load %arg33[%get3A_495, %get3A_496] : memref<1x64xf32, #tpu.memory_space<vmem>>, vector<1x64xf32>
    %add3A_498 = vector.broadcast %get3A_497 : vector<1x64xf32> to vector<100x64xf32>
    %add3A_499 = arith.addf %dot_general3A_494, %add3A_498 : vector<100x64xf32>
    %add3A_500 = arith.addf %add3A_476, %add3A_499 : vector<100x64xf32>
    %get3A_501 = arith.constant 0 : index
    %get3A_502 = arith.constant 0 : index
    %get3A_503 = vector.load %arg36[%get3A_501, %get3A_502] : memref<1x64xf32, #tpu.memory_space<vmem>>, vector<1x64xf32>
    %get3A_504 = arith.constant 0 : index
    %get3A_505 = arith.constant 0 : index
    %get3A_506 = vector.load %arg37[%get3A_504, %get3A_505] : memref<1x64xf32, #tpu.memory_space<vmem>>, vector<1x64xf32>
    %reduce_sum3A_507 = arith.constant dense<0.000000e+00> : vector<100xf32>
    %reduce_sum3A_508 = vector.multi_reduction <add>, %add3A_500, %reduce_sum3A_507 [1] : vector<100x64xf32> to vector<100xf32>
    %broadcast_in_dim3A_509 = vector.shape_cast %reduce_sum3A_508 : vector<100xf32> to vector<100x1xf32>
    %div3A_510 = arith.constant 6.400000e+01 : f32
    %div3A_511 = vector.broadcast %div3A_510 : f32 to vector<100x1xf32>
    %div3A_512 = arith.divf %broadcast_in_dim3A_509, %div3A_511 : vector<100x1xf32>
    %sub3A_513 = vector.broadcast %div3A_512 : vector<100x1xf32> to vector<100x64xf32>
    %sub3A_514 = arith.subf %add3A_500, %sub3A_513 : vector<100x64xf32>
    %integer_pow3A_515 = arith.mulf %sub3A_514, %sub3A_514 : vector<100x64xf32>
    %reduce_sum3A_516 = arith.constant dense<0.000000e+00> : vector<100xf32>
    %reduce_sum3A_517 = vector.multi_reduction <add>, %integer_pow3A_515, %reduce_sum3A_516 [1] : vector<100x64xf32> to vector<100xf32>
    %broadcast_in_dim3A_518 = vector.shape_cast %reduce_sum3A_517 : vector<100xf32> to vector<100x1xf32>
    %div3A_519 = arith.constant 6.400000e+01 : f32
    %div3A_520 = vector.broadcast %div3A_519 : f32 to vector<100x1xf32>
    %div3A_521 = arith.divf %broadcast_in_dim3A_518, %div3A_520 : vector<100x1xf32>
    %sub3A_522 = vector.broadcast %div3A_512 : vector<100x1xf32> to vector<100x64xf32>
    %sub3A_523 = arith.subf %add3A_500, %sub3A_522 : vector<100x64xf32>
    %add3A_524 = arith.constant 9.99999974E-6 : f32
    %add3A_525 = vector.broadcast %add3A_524 : f32 to vector<100x1xf32>
    %add3A_526 = arith.addf %div3A_521, %add3A_525 : vector<100x1xf32>
    %sqrt3A_527 = math.sqrt %add3A_526 : vector<100x1xf32>
    %div3A_528 = vector.broadcast %sqrt3A_527 : vector<100x1xf32> to vector<100x64xf32>
    %div3A_529 = arith.divf %sub3A_523, %div3A_528 : vector<100x64xf32>
    %mul3A_530 = vector.broadcast %get3A_503 : vector<1x64xf32> to vector<100x64xf32>
    %mul3A_531 = arith.mulf %div3A_529, %mul3A_530 : vector<100x64xf32>
    %add3A_532 = vector.broadcast %get3A_506 : vector<1x64xf32> to vector<100x64xf32>
    %add3A_533 = arith.addf %mul3A_531, %add3A_532 : vector<100x64xf32>
    %dot_general3A_534 = arith.constant dense<0.000000e+00> : vector<511x64xf32>
    %dot_general3A_535 = tpu.matmul %select_n3A_314, %add3A_533, %dot_general3A_534 {dimension_numbers = #tpu.dot_dimension_numbers<[0], [0], [1], [1], [0, 1, 1, 1], [], []>, transpose_lhs_hint = false} : vector<100x511xf32>, vector<100x64xf32>, vector<511x64xf32> -> vector<511x64xf32>
    %broadcast_in_dim3A_536 = vector.shape_cast %get3A_337 : vector<1x128xf32> to vector<1x128xf32>
    %broadcast_in_dim3A_537 = vector.broadcast %broadcast_in_dim3A_536 : vector<1x128xf32> to vector<511x128xf32>
    %broadcast_in_dim3A_538 = vector.shape_cast %get3A_342 : vector<1x128xf32> to vector<1x128xf32>
    %broadcast_in_dim3A_539 = vector.broadcast %broadcast_in_dim3A_538 : vector<1x128xf32> to vector<511x128xf32>
    %concatenate3A_540 = tpu.concatenate %concatenate3A_291, %broadcast_in_dim3A_537, %broadcast_in_dim3A_539, %dot_general3A_535 in 1 : vector<511x256xf32>, vector<511x128xf32>, vector<511x128xf32>, vector<511x64xf32> -> vector<511x576xf32>
    %get3A_541 = arith.constant 0 : index
    %get3A_542 = arith.constant 0 : index
    %get3A_543 = vector.load %arg38[%get3A_541, %get3A_542] : memref<576x512xf32, #tpu.memory_space<vmem>>, vector<576x512xf32>
    %convert_element_type3A_544 = arith.truncf %concatenate3A_540 : vector<511x576xf32> to vector<511x576xbf16>
    %convert_element_type3A_545 = arith.truncf %get3A_543 : vector<576x512xf32> to vector<576x512xbf16>
    %dot_general3A_546 = arith.constant dense<0.000000e+00> : vector<511x512xf32>
    %dot_general3A_547 = tpu.matmul %convert_element_type3A_544, %convert_element_type3A_545, %dot_general3A_546 {dimension_numbers = #tpu.dot_dimension_numbers<[1], [0], [0], [1], [0, 0, 1, 1], [], []>, transpose_lhs_hint = false} : vector<511x576xbf16>, vector<576x512xbf16>, vector<511x512xf32> -> vector<511x512xf32>
    %get3A_548 = arith.constant 0 : index
    %get3A_549 = arith.constant 0 : index
    %get3A_550 = vector.load %arg39[%get3A_548, %get3A_549] : memref<1x512xf32, #tpu.memory_space<vmem>>, vector<1x512xf32>
    %add3A_551 = vector.broadcast %get3A_550 : vector<1x512xf32> to vector<511x512xf32>
    %add3A_552 = arith.addf %dot_general3A_547, %add3A_551 : vector<511x512xf32>
    %convert_element_type3A_553 = arith.truncf %add3A_552 : vector<511x512xf32> to vector<511x512xbf16>
    %slice3A_554 = vector.extract_strided_slice %convert_element_type3A_553 {offsets = [0, 0], sizes = [128, 512], strides = [1, 1]} : vector<511x512xbf16> to vector<128x512xbf16>
    %dot_general3A_555 = arith.constant dense<0.000000e+00> : vector<128x2000xf32>
    %dot_general3A_556 = tpu.matmul %slice3A_554, %convert_element_type3A_30, %dot_general3A_555 {dimension_numbers = #tpu.dot_dimension_numbers<[1], [0], [0], [1], [0, 0, 1, 1], [], []>, transpose_lhs_hint = false} : vector<128x512xbf16>, vector<512x2000xbf16>, vector<128x2000xf32> -> vector<128x2000xf32>
    %add3A_557 = vector.broadcast %get3A_33 : vector<1x2000xf32> to vector<128x2000xf32>
    %add3A_558 = arith.addf %dot_general3A_556, %add3A_557 : vector<128x2000xf32>
    %max3A_559 = arith.constant 0.000000e+00 : f32
    %max3A_560 = vector.broadcast %max3A_559 : f32 to vector<128x2000xf32>
    %max3A_561 = arith.maximumf %add3A_558, %max3A_560 : vector<128x2000xf32>
    %abs3A = math.absf %add3A_558 : vector<128x2000xf32>
    %neg3A_562 = arith.constant 0.000000e+00 : f32
    %neg3A_563 = vector.broadcast %neg3A_562 : f32 to vector<128x2000xf32>
    %neg3A_564 = arith.subf %neg3A_563, %abs3A : vector<128x2000xf32>
    %exp3A_565 = math.exp %neg3A_564 : vector<128x2000xf32>
    %add3A_566 = arith.constant 1.000000e+00 : f32
    %add3A_567 = vector.broadcast %add3A_566 : f32 to vector<128x2000xf32>
    %add3A_568 = arith.addf %add3A_567, %exp3A_565 : vector<128x2000xf32>
    %log3A = math.log %add3A_568 : vector<128x2000xf32>
    %add3A_569 = arith.addf %max3A_561, %log3A : vector<128x2000xf32>
    %swap3A = arith.constant 0 : index
    %swap3A_570 = arith.constant 0 : index
    %swap3A_571 = vector.load %arg43[%swap3A, %swap3A_570] : memref<128x2000xf32, #tpu.memory_space<vmem>>, vector<128x2000xf32>
    tpu.vector_store %arg43[%swap3A, %swap3A_570], %add3A_569 {strides = array<i32>} : memref<128x2000xf32, #tpu.memory_space<vmem>>, vector<128x2000xf32>,
    %mul3A_572 = arith.constant 2 : i32
    %mul3A_573 = arith.muli %mul3A_572, %arg0 : i32
    %add3A_574 = arith.constant 0 : i32
    %add3A_575 = arith.addi %mul3A_573, %add3A_574 : i32
    %dma_start3A = arith.constant 0 : i32
    %dma_start3A_576 = tpu.memref_slice %arg51[%dma_start3A] : memref<8x!tpu.dma_semaphore, #tpu.memory_space<semaphore_mem>> -> memref<1x!tpu.dma_semaphore, #tpu.memory_space<semaphore_mem>>
    %dma_start3A_577 = tpu.memref_squeeze %dma_start3A_576 : memref<1x!tpu.dma_semaphore, #tpu.memory_space<semaphore_mem>> -> memref<!tpu.dma_semaphore, #tpu.memory_space<semaphore_mem>>
    %dma_start3A_578 = arith.constant 0 : i32
    %dma_start3A_579 = arith.constant 0 : i32
    %dma_start3A_580 = tpu.memref_slice %arg42[%add3A_575, %dma_start3A_578, %dma_start3A_579] : memref<8x511x2000xf32, #tpu.memory_space<hbm>> -> memref<1x128x2000xf32, #tpu.memory_space<hbm>>
    %dma_start3A_581 = tpu.memref_squeeze %dma_start3A_580 : memref<1x128x2000xf32, #tpu.memory_space<hbm>> -> memref<128x2000xf32, #tpu.memory_space<hbm>>
    tpu.enqueue_dma source(%arg43 : memref<128x2000xf32, #tpu.memory_space<vmem>>) target(%dma_start3A_581 : memref<128x2000xf32, #tpu.memory_space<hbm>>) target_semaphore(%dma_start3A_577 : memref<!tpu.dma_semaphore, #tpu.memory_space<semaphore_mem>>)
    %slice3A_582 = vector.extract_strided_slice %convert_element_type3A_553 {offsets = [128, 0], sizes = [128, 512], strides = [1, 1]} : vector<511x512xbf16> to vector<128x512xbf16>
    %dot_general3A_583 = arith.constant dense<0.000000e+00> : vector<128x2000xf32>
    %dot_general3A_584 = tpu.matmul %slice3A_582, %convert_element_type3A_30, %dot_general3A_583 {dimension_numbers = #tpu.dot_dimension_numbers<[1], [0], [0], [1], [0, 0, 1, 1], [], []>, transpose_lhs_hint = false} : vector<128x512xbf16>, vector<512x2000xbf16>, vector<128x2000xf32> -> vector<128x2000xf32>
    %add3A_585 = vector.broadcast %get3A_33 : vector<1x2000xf32> to vector<128x2000xf32>
    %add3A_586 = arith.addf %dot_general3A_584, %add3A_585 : vector<128x2000xf32>
    %max3A_587 = arith.constant 0.000000e+00 : f32
    %max3A_588 = vector.broadcast %max3A_587 : f32 to vector<128x2000xf32>
    %max3A_589 = arith.maximumf %add3A_586, %max3A_588 : vector<128x2000xf32>
    %abs3A_590 = math.absf %add3A_586 : vector<128x2000xf32>
    %neg3A_591 = arith.constant 0.000000e+00 : f32
    %neg3A_592 = vector.broadcast %neg3A_591 : f32 to vector<128x2000xf32>
    %neg3A_593 = arith.subf %neg3A_592, %abs3A_590 : vector<128x2000xf32>
    %exp3A_594 = math.exp %neg3A_593 : vector<128x2000xf32>
    %add3A_595 = arith.constant 1.000000e+00 : f32
    %add3A_596 = vector.broadcast %add3A_595 : f32 to vector<128x2000xf32>
    %add3A_597 = arith.addf %add3A_596, %exp3A_594 : vector<128x2000xf32>
    %log3A_598 = math.log %add3A_597 : vector<128x2000xf32>
    %add3A_599 = arith.addf %max3A_589, %log3A_598 : vector<128x2000xf32>
    %swap3A_600 = arith.constant 0 : index
    %swap3A_601 = arith.constant 0 : index
    %swap3A_602 = vector.load %arg44[%swap3A_600, %swap3A_601] : memref<128x2000xf32, #tpu.memory_space<vmem>>, vector<128x2000xf32>
    tpu.vector_store %arg44[%swap3A_600, %swap3A_601], %add3A_599 {strides = array<i32>} : memref<128x2000xf32, #tpu.memory_space<vmem>>, vector<128x2000xf32>,
    %mul3A_603 = arith.constant 2 : i32
    %mul3A_604 = arith.muli %mul3A_603, %arg0 : i32
    %add3A_605 = arith.constant 0 : i32
    %add3A_606 = arith.addi %mul3A_604, %add3A_605 : i32
    %dma_start3A_607 = arith.constant 1 : i32
    %dma_start3A_608 = tpu.memref_slice %arg51[%dma_start3A_607] : memref<8x!tpu.dma_semaphore, #tpu.memory_space<semaphore_mem>> -> memref<1x!tpu.dma_semaphore, #tpu.memory_space<semaphore_mem>>
    %dma_start3A_609 = tpu.memref_squeeze %dma_start3A_608 : memref<1x!tpu.dma_semaphore, #tpu.memory_space<semaphore_mem>> -> memref<!tpu.dma_semaphore, #tpu.memory_space<semaphore_mem>>
    %dma_start3A_610 = arith.constant 128 : i32
    %dma_start3A_611 = arith.constant 0 : i32
    %dma_start3A_612 = tpu.memref_slice %arg42[%add3A_606, %dma_start3A_610, %dma_start3A_611] : memref<8x511x2000xf32, #tpu.memory_space<hbm>> -> memref<1x128x2000xf32, #tpu.memory_space<hbm>>
    %dma_start3A_613 = tpu.memref_squeeze %dma_start3A_612 : memref<1x128x2000xf32, #tpu.memory_space<hbm>> -> memref<128x2000xf32, #tpu.memory_space<hbm>>
    tpu.enqueue_dma source(%arg44 : memref<128x2000xf32, #tpu.memory_space<vmem>>) target(%dma_start3A_613 : memref<128x2000xf32, #tpu.memory_space<hbm>>) target_semaphore(%dma_start3A_609 : memref<!tpu.dma_semaphore, #tpu.memory_space<semaphore_mem>>)
    %slice3A_614 = vector.extract_strided_slice %convert_element_type3A_553 {offsets = [256, 0], sizes = [128, 512], strides = [1, 1]} : vector<511x512xbf16> to vector<128x512xbf16>
    %dot_general3A_615 = arith.constant dense<0.000000e+00> : vector<128x2000xf32>
    %dot_general3A_616 = tpu.matmul %slice3A_614, %convert_element_type3A_30, %dot_general3A_615 {dimension_numbers = #tpu.dot_dimension_numbers<[1], [0], [0], [1], [0, 0, 1, 1], [], []>, transpose_lhs_hint = false} : vector<128x512xbf16>, vector<512x2000xbf16>, vector<128x2000xf32> -> vector<128x2000xf32>
    %add3A_617 = vector.broadcast %get3A_33 : vector<1x2000xf32> to vector<128x2000xf32>
    %add3A_618 = arith.addf %dot_general3A_616, %add3A_617 : vector<128x2000xf32>
    %max3A_619 = arith.constant 0.000000e+00 : f32
    %max3A_620 = vector.broadcast %max3A_619 : f32 to vector<128x2000xf32>
    %max3A_621 = arith.maximumf %add3A_618, %max3A_620 : vector<128x2000xf32>
    %abs3A_622 = math.absf %add3A_618 : vector<128x2000xf32>
    %neg3A_623 = arith.constant 0.000000e+00 : f32
    %neg3A_624 = vector.broadcast %neg3A_623 : f32 to vector<128x2000xf32>
    %neg3A_625 = arith.subf %neg3A_624, %abs3A_622 : vector<128x2000xf32>
    %exp3A_626 = math.exp %neg3A_625 : vector<128x2000xf32>
    %add3A_627 = arith.constant 1.000000e+00 : f32
    %add3A_628 = vector.broadcast %add3A_627 : f32 to vector<128x2000xf32>
    %add3A_629 = arith.addf %add3A_628, %exp3A_626 : vector<128x2000xf32>
    %log3A_630 = math.log %add3A_629 : vector<128x2000xf32>
    %add3A_631 = arith.addf %max3A_621, %log3A_630 : vector<128x2000xf32>
    %swap3A_632 = arith.constant 0 : index
    %swap3A_633 = arith.constant 0 : index
    %swap3A_634 = vector.load %arg45[%swap3A_632, %swap3A_633] : memref<128x2000xf32, #tpu.memory_space<vmem>>, vector<128x2000xf32>
    tpu.vector_store %arg45[%swap3A_632, %swap3A_633], %add3A_631 {strides = array<i32>} : memref<128x2000xf32, #tpu.memory_space<vmem>>, vector<128x2000xf32>,
    %mul3A_635 = arith.constant 2 : i32
    %mul3A_636 = arith.muli %mul3A_635, %arg0 : i32
    %add3A_637 = arith.constant 0 : i32
    %add3A_638 = arith.addi %mul3A_636, %add3A_637 : i32
    %dma_start3A_639 = arith.constant 2 : i32
    %dma_start3A_640 = tpu.memref_slice %arg51[%dma_start3A_639] : memref<8x!tpu.dma_semaphore, #tpu.memory_space<semaphore_mem>> -> memref<1x!tpu.dma_semaphore, #tpu.memory_space<semaphore_mem>>
    %dma_start3A_641 = tpu.memref_squeeze %dma_start3A_640 : memref<1x!tpu.dma_semaphore, #tpu.memory_space<semaphore_mem>> -> memref<!tpu.dma_semaphore, #tpu.memory_space<semaphore_mem>>
    %dma_start3A_642 = arith.constant 256 : i32
    %dma_start3A_643 = arith.constant 0 : i32
    %dma_start3A_644 = tpu.memref_slice %arg42[%add3A_638, %dma_start3A_642, %dma_start3A_643] : memref<8x511x2000xf32, #tpu.memory_space<hbm>> -> memref<1x128x2000xf32, #tpu.memory_space<hbm>>
    %dma_start3A_645 = tpu.memref_squeeze %dma_start3A_644 : memref<1x128x2000xf32, #tpu.memory_space<hbm>> -> memref<128x2000xf32, #tpu.memory_space<hbm>>
    tpu.enqueue_dma source(%arg45 : memref<128x2000xf32, #tpu.memory_space<vmem>>) target(%dma_start3A_645 : memref<128x2000xf32, #tpu.memory_space<hbm>>) target_semaphore(%dma_start3A_641 : memref<!tpu.dma_semaphore, #tpu.memory_space<semaphore_mem>>)
    %slice3A_646 = vector.extract_strided_slice %convert_element_type3A_553 {offsets = [384, 0], sizes = [127, 512], strides = [1, 1]} : vector<511x512xbf16> to vector<127x512xbf16>
    %dot_general3A_647 = arith.constant dense<0.000000e+00> : vector<127x2000xf32>
    %dot_general3A_648 = tpu.matmul %slice3A_646, %convert_element_type3A_30, %dot_general3A_647 {dimension_numbers = #tpu.dot_dimension_numbers<[1], [0], [0], [1], [0, 0, 1, 1], [], []>, transpose_lhs_hint = false} : vector<127x512xbf16>, vector<512x2000xbf16>, vector<127x2000xf32> -> vector<127x2000xf32>
    %add3A_649 = vector.broadcast %get3A_33 : vector<1x2000xf32> to vector<127x2000xf32>
    %add3A_650 = arith.addf %dot_general3A_648, %add3A_649 : vector<127x2000xf32>
    %max3A_651 = arith.constant 0.000000e+00 : f32
    %max3A_652 = vector.broadcast %max3A_651 : f32 to vector<127x2000xf32>
    %max3A_653 = arith.maximumf %add3A_650, %max3A_652 : vector<127x2000xf32>
    %abs3A_654 = math.absf %add3A_650 : vector<127x2000xf32>
    %neg3A_655 = arith.constant 0.000000e+00 : f32
    %neg3A_656 = vector.broadcast %neg3A_655 : f32 to vector<127x2000xf32>
    %neg3A_657 = arith.subf %neg3A_656, %abs3A_654 : vector<127x2000xf32>
    %exp3A_658 = math.exp %neg3A_657 : vector<127x2000xf32>
    %add3A_659 = arith.constant 1.000000e+00 : f32
    %add3A_660 = vector.broadcast %add3A_659 : f32 to vector<127x2000xf32>
    %add3A_661 = arith.addf %add3A_660, %exp3A_658 : vector<127x2000xf32>
    %log3A_662 = math.log %add3A_661 : vector<127x2000xf32>
    %add3A_663 = arith.addf %max3A_653, %log3A_662 : vector<127x2000xf32>
    %swap3A_664 = arith.constant 0 : index
    %swap3A_665 = arith.constant 0 : index
    %swap3A_666 = vector.load %arg46[%swap3A_664, %swap3A_665] : memref<127x2000xf32, #tpu.memory_space<vmem>>, vector<127x2000xf32>
    tpu.vector_store %arg46[%swap3A_664, %swap3A_665], %add3A_663 {strides = array<i32>} : memref<127x2000xf32, #tpu.memory_space<vmem>>, vector<127x2000xf32>,
    %mul3A_667 = arith.constant 2 : i32
    %mul3A_668 = arith.muli %mul3A_667, %arg0 : i32
    %add3A_669 = arith.constant 0 : i32
    %add3A_670 = arith.addi %mul3A_668, %add3A_669 : i32
    %dma_start3A_671 = arith.constant 3 : i32
    %dma_start3A_672 = tpu.memref_slice %arg51[%dma_start3A_671] : memref<8x!tpu.dma_semaphore, #tpu.memory_space<semaphore_mem>> -> memref<1x!tpu.dma_semaphore, #tpu.memory_space<semaphore_mem>>
    %dma_start3A_673 = tpu.memref_squeeze %dma_start3A_672 : memref<1x!tpu.dma_semaphore, #tpu.memory_space<semaphore_mem>> -> memref<!tpu.dma_semaphore, #tpu.memory_space<semaphore_mem>>
    %dma_start3A_674 = arith.constant 384 : i32
    %dma_start3A_675 = arith.constant 0 : i32
    %dma_start3A_676 = tpu.memref_slice %arg42[%add3A_670, %dma_start3A_674, %dma_start3A_675] : memref<8x511x2000xf32, #tpu.memory_space<hbm>> -> memref<1x127x2000xf32, #tpu.memory_space<hbm>>
    %dma_start3A_677 = tpu.memref_squeeze %dma_start3A_676 : memref<1x127x2000xf32, #tpu.memory_space<hbm>> -> memref<127x2000xf32, #tpu.memory_space<hbm>>
    tpu.enqueue_dma source(%arg46 : memref<127x2000xf32, #tpu.memory_space<vmem>>) target(%dma_start3A_677 : memref<127x2000xf32, #tpu.memory_space<hbm>>) target_semaphore(%dma_start3A_673 : memref<!tpu.dma_semaphore, #tpu.memory_space<semaphore_mem>>)
    %get3A_678 = arith.constant 1 : index
    %get3A_679 = arith.constant 0 : index
    %get3A_680 = arith.constant 0 : index
    %get3A_681 = vector.load %arg1[%get3A_678, %get3A_679, %get3A_680] : memref<2x512x128xf32, #tpu.memory_space<vmem>>, vector<1x511x128xf32>
    %get3A_682 = vector.shape_cast %get3A_681 : vector<1x511x128xf32> to vector<511x128xf32>
    %convert_element_type3A_683 = arith.truncf %get3A_682 : vector<511x128xf32> to vector<511x128xbf16>
    %get3A_684 = arith.constant 1 : index
    %get3A_685 = arith.constant 0 : index
    %get3A_686 = arith.constant 0 : index
    %get3A_687 = vector.load %arg2[%get3A_684, %get3A_685, %get3A_686] : memref<2x1x512xf32, #tpu.memory_space<vmem>>, vector<1x1x511xf32>
    %get3A_688 = vector.shape_cast %get3A_687 : vector<1x1x511xf32> to vector<1x511xf32>
    %get3A_689 = arith.constant 1 : index
    %get3A_690 = arith.constant 0 : index
    %get3A_691 = arith.constant 1 : index
    %get3A_692 = vector.load %arg2[%get3A_689, %get3A_690, %get3A_691] : memref<2x1x512xf32, #tpu.memory_space<vmem>>, vector<1x1x511xf32>
    %get3A_693 = vector.shape_cast %get3A_692 : vector<1x1x511xf32> to vector<1x511xf32>
    %get3A_694 = arith.constant 1 : index
    %get3A_695 = arith.constant 0 : index
    %get3A_696 = arith.constant 0 : index
    %get3A_697 = vector.load %arg3[%get3A_694, %get3A_695, %get3A_696] : memref<2x1x512xf32, #tpu.memory_space<vmem>>, vector<1x1x511xf32>
    %get3A_698 = vector.shape_cast %get3A_697 : vector<1x1x511xf32> to vector<1x511xf32>
    %concatenate3A_699 = tpu.concatenate %get3A_688, %get3A_693, %get3A_698 in 0 : vector<1x511xf32>, vector<1x511xf32>, vector<1x511xf32> -> vector<3x511xf32>
    %dot_general3A_700 = arith.constant dense<0.000000e+00> : vector<511x96xf32>
    %dot_general3A_701 = tpu.matmul %concatenate3A_699, %select_n3A_13, %dot_general3A_700 {dimension_numbers = #tpu.dot_dimension_numbers<[0], [0], [1], [1], [0, 1, 1, 1], [], []>, transpose_lhs_hint = false} : vector<3x511xf32>, vector<3x96xf32>, vector<511x96xf32> -> vector<511x96xf32>
    %sub3A_702 = vector.broadcast %slice3A : vector<1x96xf32> to vector<511x96xf32>
    %sub3A_703 = arith.subf %dot_general3A_701, %sub3A_702 : vector<511x96xf32>
    %cos3A_704 = math.cos %sub3A_703 : vector<511x96xf32>
    %slice3A_705 = vector.extract_strided_slice %cos3A_704 {offsets = [0, 0], sizes = [511, 32], strides = [1, 1]} : vector<511x96xf32> to vector<511x32xf32>
    %slice3A_706 = vector.extract_strided_slice %cos3A_704 {offsets = [0, 64], sizes = [511, 32], strides = [1, 1]} : vector<511x96xf32> to vector<511x32xf32>
    %add3A_707 = arith.addf %slice3A_705, %slice3A_706 : vector<511x32xf32>
    %slice3A_708 = vector.extract_strided_slice %cos3A_704 {offsets = [0, 32], sizes = [511, 32], strides = [1, 1]} : vector<511x96xf32> to vector<511x32xf32>
    %convert_element_type3A_709 = arith.truncf %add3A_707 : vector<511x32xf32> to vector<511x32xbf16>
    %convert_element_type3A_710 = arith.truncf %slice3A_708 : vector<511x32xf32> to vector<511x32xbf16>
    %get3A_711 = arith.constant 0 : index
    %get3A_712 = arith.constant 0 : index
    %get3A_713 = vector.load %arg8[%get3A_711, %get3A_712] : memref<160x128xf32, #tpu.memory_space<vmem>>, vector<160x128xf32>
    %convert_element_type3A_714 = arith.truncf %get3A_713 : vector<160x128xf32> to vector<160x128xbf16>
    %get3A_715 = arith.constant 0 : index
    %get3A_716 = arith.constant 0 : index
    %get3A_717 = vector.load %arg9[%get3A_715, %get3A_716] : memref<160x128xf32, #tpu.memory_space<vmem>>, vector<160x128xf32>
    %convert_element_type3A_718 = arith.truncf %get3A_717 : vector<160x128xf32> to vector<160x128xbf16>
    %get3A_719 = arith.constant 0 : index
    %get3A_720 = arith.constant 0 : index
    %get3A_721 = vector.load %arg10[%get3A_719, %get3A_720] : memref<160x128xf32, #tpu.memory_space<vmem>>, vector<160x128xf32>
    %convert_element_type3A_722 = arith.truncf %get3A_721 : vector<160x128xf32> to vector<160x128xbf16>
    %slice3A_723 = vector.extract_strided_slice %convert_element_type3A_714 {offsets = [128, 0], sizes = [32, 128], strides = [1, 1]} : vector<160x128xbf16> to vector<32x128xbf16>
    %dot_general3A_724 = arith.constant dense<0.000000e+00> : vector<511x128xf32>
    %dot_general3A_725 = tpu.matmul %convert_element_type3A_710, %slice3A_723, %dot_general3A_724 {dimension_numbers = #tpu.dot_dimension_numbers<[1], [0], [0], [1], [0, 0, 1, 1], [], []>, transpose_lhs_hint = false} : vector<511x32xbf16>, vector<32x128xbf16>, vector<511x128xf32> -> vector<511x128xf32>
    %slice3A_726 = vector.extract_strided_slice %convert_element_type3A_718 {offsets = [0, 0], sizes = [128, 128], strides = [1, 1]} : vector<160x128xbf16> to vector<128x128xbf16>
    %dot_general3A_727 = arith.constant dense<0.000000e+00> : vector<511x128xf32>
    %dot_general3A_728 = tpu.matmul %convert_element_type3A_683, %slice3A_726, %dot_general3A_727 {dimension_numbers = #tpu.dot_dimension_numbers<[1], [0], [0], [1], [0, 0, 1, 1], [], []>, transpose_lhs_hint = false} : vector<511x128xbf16>, vector<128x128xbf16>, vector<511x128xf32> -> vector<511x128xf32>
    %slice3A_729 = vector.extract_strided_slice %convert_element_type3A_718 {offsets = [128, 0], sizes = [32, 128], strides = [1, 1]} : vector<160x128xbf16> to vector<32x128xbf16>
    %dot_general3A_730 = arith.constant dense<0.000000e+00> : vector<511x128xf32>
    %dot_general3A_731 = tpu.matmul %convert_element_type3A_709, %slice3A_729, %dot_general3A_730 {dimension_numbers = #tpu.dot_dimension_numbers<[1], [0], [0], [1], [0, 0, 1, 1], [], []>, transpose_lhs_hint = false} : vector<511x32xbf16>, vector<32x128xbf16>, vector<511x128xf32> -> vector<511x128xf32>
    %add3A_732 = arith.addf %dot_general3A_728, %dot_general3A_731 : vector<511x128xf32>
    %slice3A_733 = vector.extract_strided_slice %convert_element_type3A_722 {offsets = [0, 0], sizes = [128, 128], strides = [1, 1]} : vector<160x128xbf16> to vector<128x128xbf16>
    %dot_general3A_734 = arith.constant dense<0.000000e+00> : vector<511x128xf32>
    %dot_general3A_735 = tpu.matmul %convert_element_type3A_683, %slice3A_733, %dot_general3A_734 {dimension_numbers = #tpu.dot_dimension_numbers<[1], [0], [0], [1], [0, 0, 1, 1], [], []>, transpose_lhs_hint = false} : vector<511x128xbf16>, vector<128x128xbf16>, vector<511x128xf32> -> vector<511x128xf32>
    %slice3A_736 = vector.extract_strided_slice %convert_element_type3A_722 {offsets = [128, 0], sizes = [32, 128], strides = [1, 1]} : vector<160x128xbf16> to vector<32x128xbf16>
    %dot_general3A_737 = arith.constant dense<0.000000e+00> : vector<511x128xf32>
    %dot_general3A_738 = tpu.matmul %convert_element_type3A_709, %slice3A_736, %dot_general3A_737 {dimension_numbers = #tpu.dot_dimension_numbers<[1], [0], [0], [1], [0, 0, 1, 1], [], []>, transpose_lhs_hint = false} : vector<511x32xbf16>, vector<32x128xbf16>, vector<511x128xf32> -> vector<511x128xf32>
    %add3A_739 = arith.addf %dot_general3A_735, %dot_general3A_738 : vector<511x128xf32>
    %convert_element_type3A_740 = arith.truncf %dot_general3A_725 : vector<511x128xf32> to vector<511x128xbf16>
    %convert_element_type3A_741 = arith.truncf %add3A_732 : vector<511x128xf32> to vector<511x128xbf16>
    %dot_general3A_742 = arith.constant dense<0.000000e+00> : vector<511x511xf32>
    %dot_general3A_743 = tpu.matmul %convert_element_type3A_740, %convert_element_type3A_741, %dot_general3A_742 {dimension_numbers = #tpu.dot_dimension_numbers<[1], [1], [0], [0], [0, 0, 1, 0], [], []>, transpose_lhs_hint = false} : vector<511x128xbf16>, vector<511x128xbf16>, vector<511x511xf32> -> vector<511x511xf32>
    %mul3A_744 = arith.constant 0.0883883461 : f32
    %mul3A_745 = vector.broadcast %mul3A_744 : f32 to vector<511x511xf32>
    %mul3A_746 = arith.mulf %dot_general3A_743, %mul3A_745 : vector<511x511xf32>
    %jit3A_747 = arith.constant -1.000000e+09 : f32
    %broadcast_in_dim3A_748 = vector.broadcast %jit3A_747 : f32 to vector<511x511xf32>
    %select_n3A_749 = arith.select %le3A, %mul3A_746, %broadcast_in_dim3A_748 : vector<511x511xi1>, vector<511x511xf32>
    %reduce_max3A_750 = arith.constant dense<0xFF800000> : vector<511xf32>
    %reduce_max3A_751 = vector.multi_reduction <maximumf>, %select_n3A_749, %reduce_max3A_750 [1] : vector<511x511xf32> to vector<511xf32>
    %broadcast_in_dim3A_752 = vector.shape_cast %reduce_max3A_751 : vector<511xf32> to vector<511x1xf32>
    %sub3A_753 = vector.broadcast %broadcast_in_dim3A_752 : vector<511x1xf32> to vector<511x511xf32>
    %sub3A_754 = arith.subf %select_n3A_749, %sub3A_753 : vector<511x511xf32>
    %exp3A_755 = math.exp %sub3A_754 : vector<511x511xf32>
    %reduce_sum3A_756 = arith.constant dense<0.000000e+00> : vector<511xf32>
    %reduce_sum3A_757 = vector.multi_reduction <add>, %exp3A_755, %reduce_sum3A_756 [1] : vector<511x511xf32> to vector<511xf32>
    %broadcast_in_dim3A_758 = vector.shape_cast %reduce_sum3A_757 : vector<511xf32> to vector<511x1xf32>
    %div3A_759 = vector.broadcast %broadcast_in_dim3A_758 : vector<511x1xf32> to vector<511x511xf32>
    %div3A_760 = arith.divf %exp3A_755, %div3A_759 : vector<511x511xf32>
    %convert_element_type3A_761 = arith.truncf %div3A_760 : vector<511x511xf32> to vector<511x511xbf16>
    %convert_element_type3A_762 = arith.truncf %add3A_739 : vector<511x128xf32> to vector<511x128xbf16>
    %dot_general3A_763 = arith.constant dense<0.000000e+00> : vector<511x128xf32>
    %dot_general3A_764 = tpu.matmul %convert_element_type3A_761, %convert_element_type3A_762, %dot_general3A_763 {dimension_numbers = #tpu.dot_dimension_numbers<[1], [0], [0], [1], [0, 0, 1, 1], [], []>, transpose_lhs_hint = false} : vector<511x511xbf16>, vector<511x128xbf16>, vector<511x128xf32> -> vector<511x128xf32>
    %tanh3A_765 = math.tanh %dot_general3A_764 : vector<511x128xf32>
    %get3A_766 = arith.constant 0 : index
    %get3A_767 = arith.constant 0 : index
    %get3A_768 = vector.load %arg11[%get3A_766, %get3A_767] : memref<160x128xf32, #tpu.memory_space<vmem>>, vector<160x128xf32>
    %convert_element_type3A_769 = arith.truncf %get3A_768 : vector<160x128xf32> to vector<160x128xbf16>
    %get3A_770 = arith.constant 0 : index
    %get3A_771 = arith.constant 0 : index
    %get3A_772 = vector.load %arg12[%get3A_770, %get3A_771] : memref<160x128xf32, #tpu.memory_space<vmem>>, vector<160x128xf32>
    %convert_element_type3A_773 = arith.truncf %get3A_772 : vector<160x128xf32> to vector<160x128xbf16>
    %get3A_774 = arith.constant 0 : index
    %get3A_775 = arith.constant 0 : index
    %get3A_776 = vector.load %arg13[%get3A_774, %get3A_775] : memref<160x128xf32, #tpu.memory_space<vmem>>, vector<160x128xf32>
    %convert_element_type3A_777 = arith.truncf %get3A_776 : vector<160x128xf32> to vector<160x128xbf16>
    %slice3A_778 = vector.extract_strided_slice %convert_element_type3A_769 {offsets = [128, 0], sizes = [32, 128], strides = [1, 1]} : vector<160x128xbf16> to vector<32x128xbf16>
    %dot_general3A_779 = arith.constant dense<0.000000e+00> : vector<511x128xf32>
    %dot_general3A_780 = tpu.matmul %convert_element_type3A_710, %slice3A_778, %dot_general3A_779 {dimension_numbers = #tpu.dot_dimension_numbers<[1], [0], [0], [1], [0, 0, 1, 1], [], []>, transpose_lhs_hint = false} : vector<511x32xbf16>, vector<32x128xbf16>, vector<511x128xf32> -> vector<511x128xf32>
    %convert_element_type3A_781 = arith.truncf %tanh3A_765 : vector<511x128xf32> to vector<511x128xbf16>
    %slice3A_782 = vector.extract_strided_slice %convert_element_type3A_769 {offsets = [0, 0], sizes = [128, 128], strides = [1, 1]} : vector<160x128xbf16> to vector<128x128xbf16>
    %dot_general3A_783 = arith.constant dense<0.000000e+00> : vector<511x128xf32>
    %dot_general3A_784 = tpu.matmul %convert_element_type3A_781, %slice3A_782, %dot_general3A_783 {dimension_numbers = #tpu.dot_dimension_numbers<[1], [0], [0], [1], [0, 0, 1, 1], [], []>, transpose_lhs_hint = false} : vector<511x128xbf16>, vector<128x128xbf16>, vector<511x128xf32> -> vector<511x128xf32>
    %add3A_785 = arith.addf %dot_general3A_780, %dot_general3A_784 : vector<511x128xf32>
    %slice3A_786 = vector.extract_strided_slice %convert_element_type3A_773 {offsets = [0, 0], sizes = [128, 128], strides = [1, 1]} : vector<160x128xbf16> to vector<128x128xbf16>
    %dot_general3A_787 = arith.constant dense<0.000000e+00> : vector<511x128xf32>
    %dot_general3A_788 = tpu.matmul %convert_element_type3A_683, %slice3A_786, %dot_general3A_787 {dimension_numbers = #tpu.dot_dimension_numbers<[1], [0], [0], [1], [0, 0, 1, 1], [], []>, transpose_lhs_hint = false} : vector<511x128xbf16>, vector<128x128xbf16>, vector<511x128xf32> -> vector<511x128xf32>
    %slice3A_789 = vector.extract_strided_slice %convert_element_type3A_773 {offsets = [128, 0], sizes = [32, 128], strides = [1, 1]} : vector<160x128xbf16> to vector<32x128xbf16>
    %dot_general3A_790 = arith.constant dense<0.000000e+00> : vector<511x128xf32>
    %dot_general3A_791 = tpu.matmul %convert_element_type3A_709, %slice3A_789, %dot_general3A_790 {dimension_numbers = #tpu.dot_dimension_numbers<[1], [0], [0], [1], [0, 0, 1, 1], [], []>, transpose_lhs_hint = false} : vector<511x32xbf16>, vector<32x128xbf16>, vector<511x128xf32> -> vector<511x128xf32>
    %add3A_792 = arith.addf %dot_general3A_788, %dot_general3A_791 : vector<511x128xf32>
    %slice3A_793 = vector.extract_strided_slice %convert_element_type3A_777 {offsets = [0, 0], sizes = [128, 128], strides = [1, 1]} : vector<160x128xbf16> to vector<128x128xbf16>
    %dot_general3A_794 = arith.constant dense<0.000000e+00> : vector<511x128xf32>
    %dot_general3A_795 = tpu.matmul %convert_element_type3A_683, %slice3A_793, %dot_general3A_794 {dimension_numbers = #tpu.dot_dimension_numbers<[1], [0], [0], [1], [0, 0, 1, 1], [], []>, transpose_lhs_hint = false} : vector<511x128xbf16>, vector<128x128xbf16>, vector<511x128xf32> -> vector<511x128xf32>
    %slice3A_796 = vector.extract_strided_slice %convert_element_type3A_777 {offsets = [128, 0], sizes = [32, 128], strides = [1, 1]} : vector<160x128xbf16> to vector<32x128xbf16>
    %dot_general3A_797 = arith.constant dense<0.000000e+00> : vector<511x128xf32>
    %dot_general3A_798 = tpu.matmul %convert_element_type3A_709, %slice3A_796, %dot_general3A_797 {dimension_numbers = #tpu.dot_dimension_numbers<[1], [0], [0], [1], [0, 0, 1, 1], [], []>, transpose_lhs_hint = false} : vector<511x32xbf16>, vector<32x128xbf16>, vector<511x128xf32> -> vector<511x128xf32>
    %add3A_799 = arith.addf %dot_general3A_795, %dot_general3A_798 : vector<511x128xf32>
    %convert_element_type3A_800 = arith.truncf %add3A_785 : vector<511x128xf32> to vector<511x128xbf16>
    %convert_element_type3A_801 = arith.truncf %add3A_792 : vector<511x128xf32> to vector<511x128xbf16>
    %dot_general3A_802 = arith.constant dense<0.000000e+00> : vector<511x511xf32>
    %dot_general3A_803 = tpu.matmul %convert_element_type3A_800, %convert_element_type3A_801, %dot_general3A_802 {dimension_numbers = #tpu.dot_dimension_numbers<[1], [1], [0], [0], [0, 0, 1, 0], [], []>, transpose_lhs_hint = false} : vector<511x128xbf16>, vector<511x128xbf16>, vector<511x511xf32> -> vector<511x511xf32>
    %mul3A_804 = arith.constant 0.0883883461 : f32
    %mul3A_805 = vector.broadcast %mul3A_804 : f32 to vector<511x511xf32>
    %mul3A_806 = arith.mulf %dot_general3A_803, %mul3A_805 : vector<511x511xf32>
    %jit3A_807 = arith.constant -1.000000e+09 : f32
    %broadcast_in_dim3A_808 = vector.broadcast %jit3A_807 : f32 to vector<511x511xf32>
    %select_n3A_809 = arith.select %le3A, %mul3A_806, %broadcast_in_dim3A_808 : vector<511x511xi1>, vector<511x511xf32>
    %reduce_max3A_810 = arith.constant dense<0xFF800000> : vector<511xf32>
    %reduce_max3A_811 = vector.multi_reduction <maximumf>, %select_n3A_809, %reduce_max3A_810 [1] : vector<511x511xf32> to vector<511xf32>
    %broadcast_in_dim3A_812 = vector.shape_cast %reduce_max3A_811 : vector<511xf32> to vector<511x1xf32>
    %sub3A_813 = vector.broadcast %broadcast_in_dim3A_812 : vector<511x1xf32> to vector<511x511xf32>
    %sub3A_814 = arith.subf %select_n3A_809, %sub3A_813 : vector<511x511xf32>
    %exp3A_815 = math.exp %sub3A_814 : vector<511x511xf32>
    %reduce_sum3A_816 = arith.constant dense<0.000000e+00> : vector<511xf32>
    %reduce_sum3A_817 = vector.multi_reduction <add>, %exp3A_815, %reduce_sum3A_816 [1] : vector<511x511xf32> to vector<511xf32>
    %broadcast_in_dim3A_818 = vector.shape_cast %reduce_sum3A_817 : vector<511xf32> to vector<511x1xf32>
    %div3A_819 = vector.broadcast %broadcast_in_dim3A_818 : vector<511x1xf32> to vector<511x511xf32>
    %div3A_820 = arith.divf %exp3A_815, %div3A_819 : vector<511x511xf32>
    %convert_element_type3A_821 = arith.truncf %div3A_820 : vector<511x511xf32> to vector<511x511xbf16>
    %convert_element_type3A_822 = arith.truncf %add3A_799 : vector<511x128xf32> to vector<511x128xbf16>
    %dot_general3A_823 = arith.constant dense<0.000000e+00> : vector<511x128xf32>
    %dot_general3A_824 = tpu.matmul %convert_element_type3A_821, %convert_element_type3A_822, %dot_general3A_823 {dimension_numbers = #tpu.dot_dimension_numbers<[1], [0], [0], [1], [0, 0, 1, 1], [], []>, transpose_lhs_hint = false} : vector<511x511xbf16>, vector<511x128xbf16>, vector<511x128xf32> -> vector<511x128xf32>
    %tanh3A_825 = math.tanh %dot_general3A_824 : vector<511x128xf32>
    %add3A_826 = arith.addf %tanh3A_825, %tanh3A_765 : vector<511x128xf32>
    %get3A_827 = arith.constant 0 : index
    %get3A_828 = arith.constant 0 : index
    %get3A_829 = vector.load %arg14[%get3A_827, %get3A_828] : memref<160x128xf32, #tpu.memory_space<vmem>>, vector<160x128xf32>
    %convert_element_type3A_830 = arith.truncf %get3A_829 : vector<160x128xf32> to vector<160x128xbf16>
    %get3A_831 = arith.constant 0 : index
    %get3A_832 = arith.constant 0 : index
    %get3A_833 = vector.load %arg15[%get3A_831, %get3A_832] : memref<160x128xf32, #tpu.memory_space<vmem>>, vector<160x128xf32>
    %convert_element_type3A_834 = arith.truncf %get3A_833 : vector<160x128xf32> to vector<160x128xbf16>
    %get3A_835 = arith.constant 0 : index
    %get3A_836 = arith.constant 0 : index
    %get3A_837 = vector.load %arg16[%get3A_835, %get3A_836] : memref<160x128xf32, #tpu.memory_space<vmem>>, vector<160x128xf32>
    %convert_element_type3A_838 = arith.truncf %get3A_837 : vector<160x128xf32> to vector<160x128xbf16>
    %slice3A_839 = vector.extract_strided_slice %convert_element_type3A_830 {offsets = [128, 0], sizes = [32, 128], strides = [1, 1]} : vector<160x128xbf16> to vector<32x128xbf16>
    %dot_general3A_840 = arith.constant dense<0.000000e+00> : vector<511x128xf32>
    %dot_general3A_841 = tpu.matmul %convert_element_type3A_710, %slice3A_839, %dot_general3A_840 {dimension_numbers = #tpu.dot_dimension_numbers<[1], [0], [0], [1], [0, 0, 1, 1], [], []>, transpose_lhs_hint = false} : vector<511x32xbf16>, vector<32x128xbf16>, vector<511x128xf32> -> vector<511x128xf32>
    %slice3A_842 = vector.extract_strided_slice %convert_element_type3A_834 {offsets = [0, 0], sizes = [128, 128], strides = [1, 1]} : vector<160x128xbf16> to vector<128x128xbf16>
    %dot_general3A_843 = arith.constant dense<0.000000e+00> : vector<511x128xf32>
    %dot_general3A_844 = tpu.matmul %convert_element_type3A_683, %slice3A_842, %dot_general3A_843 {dimension_numbers = #tpu.dot_dimension_numbers<[1], [0], [0], [1], [0, 0, 1, 1], [], []>, transpose_lhs_hint = false} : vector<511x128xbf16>, vector<128x128xbf16>, vector<511x128xf32> -> vector<511x128xf32>
    %slice3A_845 = vector.extract_strided_slice %convert_element_type3A_834 {offsets = [128, 0], sizes = [32, 128], strides = [1, 1]} : vector<160x128xbf16> to vector<32x128xbf16>
    %dot_general3A_846 = arith.constant dense<0.000000e+00> : vector<511x128xf32>
    %dot_general3A_847 = tpu.matmul %convert_element_type3A_709, %slice3A_845, %dot_general3A_846 {dimension_numbers = #tpu.dot_dimension_numbers<[1], [0], [0], [1], [0, 0, 1, 1], [], []>, transpose_lhs_hint = false} : vector<511x32xbf16>, vector<32x128xbf16>, vector<511x128xf32> -> vector<511x128xf32>
    %add3A_848 = arith.addf %dot_general3A_844, %dot_general3A_847 : vector<511x128xf32>
    %slice3A_849 = vector.extract_strided_slice %convert_element_type3A_838 {offsets = [0, 0], sizes = [128, 128], strides = [1, 1]} : vector<160x128xbf16> to vector<128x128xbf16>
    %dot_general3A_850 = arith.constant dense<0.000000e+00> : vector<511x128xf32>
    %dot_general3A_851 = tpu.matmul %convert_element_type3A_683, %slice3A_849, %dot_general3A_850 {dimension_numbers = #tpu.dot_dimension_numbers<[1], [0], [0], [1], [0, 0, 1, 1], [], []>, transpose_lhs_hint = false} : vector<511x128xbf16>, vector<128x128xbf16>, vector<511x128xf32> -> vector<511x128xf32>
    %slice3A_852 = vector.extract_strided_slice %convert_element_type3A_838 {offsets = [128, 0], sizes = [32, 128], strides = [1, 1]} : vector<160x128xbf16> to vector<32x128xbf16>
    %dot_general3A_853 = arith.constant dense<0.000000e+00> : vector<511x128xf32>
    %dot_general3A_854 = tpu.matmul %convert_element_type3A_709, %slice3A_852, %dot_general3A_853 {dimension_numbers = #tpu.dot_dimension_numbers<[1], [0], [0], [1], [0, 0, 1, 1], [], []>, transpose_lhs_hint = false} : vector<511x32xbf16>, vector<32x128xbf16>, vector<511x128xf32> -> vector<511x128xf32>
    %add3A_855 = arith.addf %dot_general3A_851, %dot_general3A_854 : vector<511x128xf32>
    %convert_element_type3A_856 = arith.truncf %dot_general3A_841 : vector<511x128xf32> to vector<511x128xbf16>
    %convert_element_type3A_857 = arith.truncf %add3A_848 : vector<511x128xf32> to vector<511x128xbf16>
    %dot_general3A_858 = arith.constant dense<0.000000e+00> : vector<511x511xf32>
    %dot_general3A_859 = tpu.matmul %convert_element_type3A_856, %convert_element_type3A_857, %dot_general3A_858 {dimension_numbers = #tpu.dot_dimension_numbers<[1], [1], [0], [0], [0, 0, 1, 0], [], []>, transpose_lhs_hint = false} : vector<511x128xbf16>, vector<511x128xbf16>, vector<511x511xf32> -> vector<511x511xf32>
    %mul3A_860 = arith.constant 0.0883883461 : f32
    %mul3A_861 = vector.broadcast %mul3A_860 : f32 to vector<511x511xf32>
    %mul3A_862 = arith.mulf %dot_general3A_859, %mul3A_861 : vector<511x511xf32>
    %jit3A_863 = arith.constant -1.000000e+09 : f32
    %broadcast_in_dim3A_864 = vector.broadcast %jit3A_863 : f32 to vector<511x511xf32>
    %select_n3A_865 = arith.select %le3A, %mul3A_862, %broadcast_in_dim3A_864 : vector<511x511xi1>, vector<511x511xf32>
    %reduce_max3A_866 = arith.constant dense<0xFF800000> : vector<511xf32>
    %reduce_max3A_867 = vector.multi_reduction <maximumf>, %select_n3A_865, %reduce_max3A_866 [1] : vector<511x511xf32> to vector<511xf32>
    %broadcast_in_dim3A_868 = vector.shape_cast %reduce_max3A_867 : vector<511xf32> to vector<511x1xf32>
    %sub3A_869 = vector.broadcast %broadcast_in_dim3A_868 : vector<511x1xf32> to vector<511x511xf32>
    %sub3A_870 = arith.subf %select_n3A_865, %sub3A_869 : vector<511x511xf32>
    %exp3A_871 = math.exp %sub3A_870 : vector<511x511xf32>
    %reduce_sum3A_872 = arith.constant dense<0.000000e+00> : vector<511xf32>
    %reduce_sum3A_873 = vector.multi_reduction <add>, %exp3A_871, %reduce_sum3A_872 [1] : vector<511x511xf32> to vector<511xf32>
    %broadcast_in_dim3A_874 = vector.shape_cast %reduce_sum3A_873 : vector<511xf32> to vector<511x1xf32>
    %div3A_875 = vector.broadcast %broadcast_in_dim3A_874 : vector<511x1xf32> to vector<511x511xf32>
    %div3A_876 = arith.divf %exp3A_871, %div3A_875 : vector<511x511xf32>
    %convert_element_type3A_877 = arith.truncf %div3A_876 : vector<511x511xf32> to vector<511x511xbf16>
    %convert_element_type3A_878 = arith.truncf %add3A_855 : vector<511x128xf32> to vector<511x128xbf16>
    %dot_general3A_879 = arith.constant dense<0.000000e+00> : vector<511x128xf32>
    %dot_general3A_880 = tpu.matmul %convert_element_type3A_877, %convert_element_type3A_878, %dot_general3A_879 {dimension_numbers = #tpu.dot_dimension_numbers<[1], [0], [0], [1], [0, 0, 1, 1], [], []>, transpose_lhs_hint = false} : vector<511x511xbf16>, vector<511x128xbf16>, vector<511x128xf32> -> vector<511x128xf32>
    %tanh3A_881 = math.tanh %dot_general3A_880 : vector<511x128xf32>
    %get3A_882 = arith.constant 0 : index
    %get3A_883 = arith.constant 0 : index
    %get3A_884 = vector.load %arg17[%get3A_882, %get3A_883] : memref<160x128xf32, #tpu.memory_space<vmem>>, vector<160x128xf32>
    %convert_element_type3A_885 = arith.truncf %get3A_884 : vector<160x128xf32> to vector<160x128xbf16>
    %get3A_886 = arith.constant 0 : index
    %get3A_887 = arith.constant 0 : index
    %get3A_888 = vector.load %arg18[%get3A_886, %get3A_887] : memref<160x128xf32, #tpu.memory_space<vmem>>, vector<160x128xf32>
    %convert_element_type3A_889 = arith.truncf %get3A_888 : vector<160x128xf32> to vector<160x128xbf16>
    %get3A_890 = arith.constant 0 : index
    %get3A_891 = arith.constant 0 : index
    %get3A_892 = vector.load %arg19[%get3A_890, %get3A_891] : memref<160x128xf32, #tpu.memory_space<vmem>>, vector<160x128xf32>
    %convert_element_type3A_893 = arith.truncf %get3A_892 : vector<160x128xf32> to vector<160x128xbf16>
    %slice3A_894 = vector.extract_strided_slice %convert_element_type3A_885 {offsets = [128, 0], sizes = [32, 128], strides = [1, 1]} : vector<160x128xbf16> to vector<32x128xbf16>
    %dot_general3A_895 = arith.constant dense<0.000000e+00> : vector<511x128xf32>
    %dot_general3A_896 = tpu.matmul %convert_element_type3A_710, %slice3A_894, %dot_general3A_895 {dimension_numbers = #tpu.dot_dimension_numbers<[1], [0], [0], [1], [0, 0, 1, 1], [], []>, transpose_lhs_hint = false} : vector<511x32xbf16>, vector<32x128xbf16>, vector<511x128xf32> -> vector<511x128xf32>
    %convert_element_type3A_897 = arith.truncf %tanh3A_881 : vector<511x128xf32> to vector<511x128xbf16>
    %slice3A_898 = vector.extract_strided_slice %convert_element_type3A_885 {offsets = [0, 0], sizes = [128, 128], strides = [1, 1]} : vector<160x128xbf16> to vector<128x128xbf16>
    %dot_general3A_899 = arith.constant dense<0.000000e+00> : vector<511x128xf32>
    %dot_general3A_900 = tpu.matmul %convert_element_type3A_897, %slice3A_898, %dot_general3A_899 {dimension_numbers = #tpu.dot_dimension_numbers<[1], [0], [0], [1], [0, 0, 1, 1], [], []>, transpose_lhs_hint = false} : vector<511x128xbf16>, vector<128x128xbf16>, vector<511x128xf32> -> vector<511x128xf32>
    %add3A_901 = arith.addf %dot_general3A_896, %dot_general3A_900 : vector<511x128xf32>
    %slice3A_902 = vector.extract_strided_slice %convert_element_type3A_889 {offsets = [0, 0], sizes = [128, 128], strides = [1, 1]} : vector<160x128xbf16> to vector<128x128xbf16>
    %dot_general3A_903 = arith.constant dense<0.000000e+00> : vector<511x128xf32>
    %dot_general3A_904 = tpu.matmul %convert_element_type3A_683, %slice3A_902, %dot_general3A_903 {dimension_numbers = #tpu.dot_dimension_numbers<[1], [0], [0], [1], [0, 0, 1, 1], [], []>, transpose_lhs_hint = false} : vector<511x128xbf16>, vector<128x128xbf16>, vector<511x128xf32> -> vector<511x128xf32>
    %slice3A_905 = vector.extract_strided_slice %convert_element_type3A_889 {offsets = [128, 0], sizes = [32, 128], strides = [1, 1]} : vector<160x128xbf16> to vector<32x128xbf16>
    %dot_general3A_906 = arith.constant dense<0.000000e+00> : vector<511x128xf32>
    %dot_general3A_907 = tpu.matmul %convert_element_type3A_709, %slice3A_905, %dot_general3A_906 {dimension_numbers = #tpu.dot_dimension_numbers<[1], [0], [0], [1], [0, 0, 1, 1], [], []>, transpose_lhs_hint = false} : vector<511x32xbf16>, vector<32x128xbf16>, vector<511x128xf32> -> vector<511x128xf32>
    %add3A_908 = arith.addf %dot_general3A_904, %dot_general3A_907 : vector<511x128xf32>
    %slice3A_909 = vector.extract_strided_slice %convert_element_type3A_893 {offsets = [0, 0], sizes = [128, 128], strides = [1, 1]} : vector<160x128xbf16> to vector<128x128xbf16>
    %dot_general3A_910 = arith.constant dense<0.000000e+00> : vector<511x128xf32>
    %dot_general3A_911 = tpu.matmul %convert_element_type3A_683, %slice3A_909, %dot_general3A_910 {dimension_numbers = #tpu.dot_dimension_numbers<[1], [0], [0], [1], [0, 0, 1, 1], [], []>, transpose_lhs_hint = false} : vector<511x128xbf16>, vector<128x128xbf16>, vector<511x128xf32> -> vector<511x128xf32>
    %slice3A_912 = vector.extract_strided_slice %convert_element_type3A_893 {offsets = [128, 0], sizes = [32, 128], strides = [1, 1]} : vector<160x128xbf16> to vector<32x128xbf16>
    %dot_general3A_913 = arith.constant dense<0.000000e+00> : vector<511x128xf32>
    %dot_general3A_914 = tpu.matmul %convert_element_type3A_709, %slice3A_912, %dot_general3A_913 {dimension_numbers = #tpu.dot_dimension_numbers<[1], [0], [0], [1], [0, 0, 1, 1], [], []>, transpose_lhs_hint = false} : vector<511x32xbf16>, vector<32x128xbf16>, vector<511x128xf32> -> vector<511x128xf32>
    %add3A_915 = arith.addf %dot_general3A_911, %dot_general3A_914 : vector<511x128xf32>
    %convert_element_type3A_916 = arith.truncf %add3A_901 : vector<511x128xf32> to vector<511x128xbf16>
    %convert_element_type3A_917 = arith.truncf %add3A_908 : vector<511x128xf32> to vector<511x128xbf16>
    %dot_general3A_918 = arith.constant dense<0.000000e+00> : vector<511x511xf32>
    %dot_general3A_919 = tpu.matmul %convert_element_type3A_916, %convert_element_type3A_917, %dot_general3A_918 {dimension_numbers = #tpu.dot_dimension_numbers<[1], [1], [0], [0], [0, 0, 1, 0], [], []>, transpose_lhs_hint = false} : vector<511x128xbf16>, vector<511x128xbf16>, vector<511x511xf32> -> vector<511x511xf32>
    %mul3A_920 = arith.constant 0.0883883461 : f32
    %mul3A_921 = vector.broadcast %mul3A_920 : f32 to vector<511x511xf32>
    %mul3A_922 = arith.mulf %dot_general3A_919, %mul3A_921 : vector<511x511xf32>
    %jit3A_923 = arith.constant -1.000000e+09 : f32
    %broadcast_in_dim3A_924 = vector.broadcast %jit3A_923 : f32 to vector<511x511xf32>
    %select_n3A_925 = arith.select %le3A, %mul3A_922, %broadcast_in_dim3A_924 : vector<511x511xi1>, vector<511x511xf32>
    %reduce_max3A_926 = arith.constant dense<0xFF800000> : vector<511xf32>
    %reduce_max3A_927 = vector.multi_reduction <maximumf>, %select_n3A_925, %reduce_max3A_926 [1] : vector<511x511xf32> to vector<511xf32>
    %broadcast_in_dim3A_928 = vector.shape_cast %reduce_max3A_927 : vector<511xf32> to vector<511x1xf32>
    %sub3A_929 = vector.broadcast %broadcast_in_dim3A_928 : vector<511x1xf32> to vector<511x511xf32>
    %sub3A_930 = arith.subf %select_n3A_925, %sub3A_929 : vector<511x511xf32>
    %exp3A_931 = math.exp %sub3A_930 : vector<511x511xf32>
    %reduce_sum3A_932 = arith.constant dense<0.000000e+00> : vector<511xf32>
    %reduce_sum3A_933 = vector.multi_reduction <add>, %exp3A_931, %reduce_sum3A_932 [1] : vector<511x511xf32> to vector<511xf32>
    %broadcast_in_dim3A_934 = vector.shape_cast %reduce_sum3A_933 : vector<511xf32> to vector<511x1xf32>
    %div3A_935 = vector.broadcast %broadcast_in_dim3A_934 : vector<511x1xf32> to vector<511x511xf32>
    %div3A_936 = arith.divf %exp3A_931, %div3A_935 : vector<511x511xf32>
    %convert_element_type3A_937 = arith.truncf %div3A_936 : vector<511x511xf32> to vector<511x511xbf16>
    %convert_element_type3A_938 = arith.truncf %add3A_915 : vector<511x128xf32> to vector<511x128xbf16>
    %dot_general3A_939 = arith.constant dense<0.000000e+00> : vector<511x128xf32>
    %dot_general3A_940 = tpu.matmul %convert_element_type3A_937, %convert_element_type3A_938, %dot_general3A_939 {dimension_numbers = #tpu.dot_dimension_numbers<[1], [0], [0], [1], [0, 0, 1, 1], [], []>, transpose_lhs_hint = false} : vector<511x511xbf16>, vector<511x128xbf16>, vector<511x128xf32> -> vector<511x128xf32>
    %tanh3A_941 = math.tanh %dot_general3A_940 : vector<511x128xf32>
    %add3A_942 = arith.addf %tanh3A_941, %tanh3A_881 : vector<511x128xf32>
    %concatenate3A_943 = tpu.concatenate %add3A_826, %add3A_942 in 1 : vector<511x128xf32>, vector<511x128xf32> -> vector<511x256xf32>
    %get3A_944 = arith.constant 1 : index
    %get3A_945 = arith.constant 0 : index
    %get3A_946 = arith.constant 0 : index
    %get3A_947 = vector.load %arg4[%get3A_944, %get3A_945, %get3A_946] : memref<2x1x512xi32, #tpu.memory_space<vmem>>, vector<1x1x512xi32>
    %get3A_948 = vector.shape_cast %get3A_947 : vector<1x1x512xi32> to vector<1x512xi32>
    %slice3A_949 = vector.extract_strided_slice %get3A_948 {offsets = [0, 0], sizes = [1, 511], strides = [1, 1]} : vector<1x512xi32> to vector<1x511xi32>
    %get3A_950 = arith.constant 1 : index
    %get3A_951 = arith.constant 0 : index
    %get3A_952 = arith.constant 0 : index
    %get3A_953 = vector.load %arg5[%get3A_950, %get3A_951, %get3A_952] : memref<2x1x512xi32, #tpu.memory_space<vmem>>, vector<1x1x512xi32>
    %get3A_954 = vector.shape_cast %get3A_953 : vector<1x1x512xi32> to vector<1x512xi32>
    %get3A_955 = arith.constant dense<0> : vector<1x512xi32>
    %get3A_956 = arith.cmpi ne, %get3A_954, %get3A_955 : vector<1x512xi32>
    %slice3A_957 = vector.extract_strided_slice %get3A_956 {offsets = [0, 0], sizes = [1, 511], strides = [1, 1]} : vector<1x512xi1> to vector<1x511xi1>
    %eq3A_958 = vector.broadcast %slice3A_949 : vector<1x511xi32> to vector<100x511xi32>
    %eq3A_959 = arith.cmpi eq, %iota3A_24, %eq3A_958 : vector<100x511xi32>
    %and3A_960 = vector.broadcast %slice3A_957 : vector<1x511xi1> to vector<100x511xi1>
    %and3A_961 = arith.andi %eq3A_959, %and3A_960 : vector<100x511xi1>
    %jit3A_962 = arith.constant 1.000000e+00 : f32
    %jit3A_963 = arith.constant 0.000000e+00 : f32
    %broadcast_in_dim3A_964 = vector.broadcast %jit3A_962 : f32 to vector<100x511xf32>
    %broadcast_in_dim3A_965 = vector.broadcast %jit3A_963 : f32 to vector<100x511xf32>
    %select_n3A_966 = arith.select %and3A_961, %broadcast_in_dim3A_964, %broadcast_in_dim3A_965 : vector<100x511xi1>, vector<100x511xf32>
    %dot_general3A_967 = arith.constant dense<0.000000e+00> : vector<100x256xf32>
    %dot_general3A_968 = tpu.matmul %select_n3A_966, %concatenate3A_943, %dot_general3A_967 {dimension_numbers = #tpu.dot_dimension_numbers<[1], [0], [0], [1], [0, 0, 1, 1], [], []>, transpose_lhs_hint = false} : vector<100x511xf32>, vector<511x256xf32>, vector<100x256xf32> -> vector<100x256xf32>
    %reduce_sum3A_969 = arith.constant dense<0.000000e+00> : vector<100xf32>
    %reduce_sum3A_970 = vector.multi_reduction <add>, %select_n3A_966, %reduce_sum3A_969 [1] : vector<100x511xf32> to vector<100xf32>
    %broadcast_in_dim3A_971 = vector.shape_cast %reduce_sum3A_970 : vector<100xf32> to vector<100x1xf32>
    %max3A_972 = arith.constant 1.000000e+00 : f32
    %max3A_973 = vector.broadcast %max3A_972 : f32 to vector<100x1xf32>
    %max3A_974 = arith.maximumf %broadcast_in_dim3A_971, %max3A_973 : vector<100x1xf32>
    %div3A_975 = arith.constant 1.000000e+00 : f32
    %div3A_976 = vector.broadcast %div3A_975 : f32 to vector<100x1xf32>
    %div3A_977 = arith.divf %div3A_976, %max3A_974 : vector<100x1xf32>
    %gt3A_978 = arith.constant 5.000000e-01 : f32
    %gt3A_979 = vector.broadcast %gt3A_978 : f32 to vector<100x1xf32>
    %gt3A_980 = arith.cmpf ogt, %broadcast_in_dim3A_971, %gt3A_979 : vector<100x1xf32>
    %jit3A_981 = arith.constant 1.000000e+00 : f32
    %jit3A_982 = arith.constant 0.000000e+00 : f32
    %broadcast_in_dim3A_983 = vector.broadcast %jit3A_981 : f32 to vector<100x1xf32>
    %broadcast_in_dim3A_984 = vector.broadcast %jit3A_982 : f32 to vector<100x1xf32>
    %select_n3A_985 = arith.select %gt3A_980, %broadcast_in_dim3A_983, %broadcast_in_dim3A_984 : vector<100x1xi1>, vector<100x1xf32>
    %get3A_986 = arith.constant 1 : index
    %get3A_987 = arith.constant 0 : index
    %get3A_988 = arith.constant 0 : index
    %get3A_989 = vector.load %arg6[%get3A_986, %get3A_987, %get3A_988] : memref<2x1x128xf32, #tpu.memory_space<vmem>>, vector<1x1x128xf32>
    %get3A_990 = vector.shape_cast %get3A_989 : vector<1x1x128xf32> to vector<1x128xf32>
    %get3A_991 = arith.constant 1 : index
    %get3A_992 = arith.constant 0 : index
    %get3A_993 = arith.constant 0 : index
    %get3A_994 = vector.load %arg7[%get3A_991, %get3A_992, %get3A_993] : memref<2x1x128xf32, #tpu.memory_space<vmem>>, vector<1x1x128xf32>
    %get3A_995 = vector.shape_cast %get3A_994 : vector<1x1x128xf32> to vector<1x128xf32>
    %mul3A_996 = vector.broadcast %div3A_977 : vector<100x1xf32> to vector<100x256xf32>
    %mul3A_997 = arith.mulf %dot_general3A_968, %mul3A_996 : vector<100x256xf32>
    %mul3A_998 = vector.broadcast %select_n3A_985 : vector<100x1xf32> to vector<100x128xf32>
    %mul3A_999 = vector.broadcast %get3A_990 : vector<1x128xf32> to vector<100x128xf32>
    %mul3A_1000 = arith.mulf %mul3A_998, %mul3A_999 : vector<100x128xf32>
    %mul3A_1001 = vector.broadcast %select_n3A_985 : vector<100x1xf32> to vector<100x128xf32>
    %mul3A_1002 = vector.broadcast %get3A_995 : vector<1x128xf32> to vector<100x128xf32>
    %mul3A_1003 = arith.mulf %mul3A_1001, %mul3A_1002 : vector<100x128xf32>
    %concatenate3A_1004 = tpu.concatenate %mul3A_997, %mul3A_1000, %mul3A_1003 in 1 : vector<100x256xf32>, vector<100x128xf32>, vector<100x128xf32> -> vector<100x512xf32>
    %get3A_1005 = arith.constant 0 : index
    %get3A_1006 = arith.constant 0 : index
    %get3A_1007 = vector.load %arg20[%get3A_1005, %get3A_1006] : memref<512x64xf32, #tpu.memory_space<vmem>>, vector<512x64xf32>
    %dot_general3A_1008 = arith.constant dense<0.000000e+00> : vector<100x64xf32>
    %dot_general3A_1009 = tpu.matmul %concatenate3A_1004, %get3A_1007, %dot_general3A_1008 {dimension_numbers = #tpu.dot_dimension_numbers<[1], [0], [0], [1], [0, 0, 1, 1], [], []>, transpose_lhs_hint = false} : vector<100x512xf32>, vector<512x64xf32>, vector<100x64xf32> -> vector<100x64xf32>
    %get3A_1010 = arith.constant 0 : index
    %get3A_1011 = arith.constant 0 : index
    %get3A_1012 = vector.load %arg21[%get3A_1010, %get3A_1011] : memref<1x64xf32, #tpu.memory_space<vmem>>, vector<1x64xf32>
    %add3A_1013 = vector.broadcast %get3A_1012 : vector<1x64xf32> to vector<100x64xf32>
    %add3A_1014 = arith.addf %dot_general3A_1009, %add3A_1013 : vector<100x64xf32>
    %get3A_1015 = arith.constant 0 : index
    %get3A_1016 = arith.constant 0 : index
    %get3A_1017 = vector.load %arg22[%get3A_1015, %get3A_1016] : memref<64x64xf32, #tpu.memory_space<vmem>>, vector<64x64xf32>
    %dot_general3A_1018 = arith.constant dense<0.000000e+00> : vector<100x64xf32>
    %dot_general3A_1019 = tpu.matmul %add3A_1014, %get3A_1017, %dot_general3A_1018 {dimension_numbers = #tpu.dot_dimension_numbers<[1], [0], [0], [1], [0, 0, 1, 1], [], []>, transpose_lhs_hint = false} : vector<100x64xf32>, vector<64x64xf32>, vector<100x64xf32> -> vector<100x64xf32>
    %get3A_1020 = arith.constant 0 : index
    %get3A_1021 = arith.constant 0 : index
    %get3A_1022 = vector.load %arg26[%get3A_1020, %get3A_1021] : memref<1x64xf32, #tpu.memory_space<vmem>>, vector<1x64xf32>
    %add3A_1023 = vector.broadcast %get3A_1022 : vector<1x64xf32> to vector<100x64xf32>
    %add3A_1024 = arith.addf %dot_general3A_1019, %add3A_1023 : vector<100x64xf32>
    %get3A_1025 = arith.constant 0 : index
    %get3A_1026 = arith.constant 0 : index
    %get3A_1027 = vector.load %arg23[%get3A_1025, %get3A_1026] : memref<64x64xf32, #tpu.memory_space<vmem>>, vector<64x64xf32>
    %dot_general3A_1028 = arith.constant dense<0.000000e+00> : vector<100x64xf32>
    %dot_general3A_1029 = tpu.matmul %add3A_1014, %get3A_1027, %dot_general3A_1028 {dimension_numbers = #tpu.dot_dimension_numbers<[1], [0], [0], [1], [0, 0, 1, 1], [], []>, transpose_lhs_hint = false} : vector<100x64xf32>, vector<64x64xf32>, vector<100x64xf32> -> vector<100x64xf32>
    %get3A_1030 = arith.constant 0 : index
    %get3A_1031 = arith.constant 0 : index
    %get3A_1032 = vector.load %arg27[%get3A_1030, %get3A_1031] : memref<1x64xf32, #tpu.memory_space<vmem>>, vector<1x64xf32>
    %add3A_1033 = vector.broadcast %get3A_1032 : vector<1x64xf32> to vector<100x64xf32>
    %add3A_1034 = arith.addf %dot_general3A_1029, %add3A_1033 : vector<100x64xf32>
    %get3A_1035 = arith.constant 0 : index
    %get3A_1036 = arith.constant 0 : index
    %get3A_1037 = vector.load %arg24[%get3A_1035, %get3A_1036] : memref<64x64xf32, #tpu.memory_space<vmem>>, vector<64x64xf32>
    %dot_general3A_1038 = arith.constant dense<0.000000e+00> : vector<100x64xf32>
    %dot_general3A_1039 = tpu.matmul %add3A_1014, %get3A_1037, %dot_general3A_1038 {dimension_numbers = #tpu.dot_dimension_numbers<[1], [0], [0], [1], [0, 0, 1, 1], [], []>, transpose_lhs_hint = false} : vector<100x64xf32>, vector<64x64xf32>, vector<100x64xf32> -> vector<100x64xf32>
    %get3A_1040 = arith.constant 0 : index
    %get3A_1041 = arith.constant 0 : index
    %get3A_1042 = vector.load %arg28[%get3A_1040, %get3A_1041] : memref<1x64xf32, #tpu.memory_space<vmem>>, vector<1x64xf32>
    %add3A_1043 = vector.broadcast %get3A_1042 : vector<1x64xf32> to vector<100x64xf32>
    %add3A_1044 = arith.addf %dot_general3A_1039, %add3A_1043 : vector<100x64xf32>
    %slice3A_1045 = vector.extract_strided_slice %add3A_1024 {offsets = [0, 0], sizes = [100, 32], strides = [1, 1]} : vector<100x64xf32> to vector<100x32xf32>
    %slice3A_1046 = vector.extract_strided_slice %add3A_1034 {offsets = [0, 0], sizes = [100, 32], strides = [1, 1]} : vector<100x64xf32> to vector<100x32xf32>
    %dot_general3A_1047 = arith.constant dense<0.000000e+00> : vector<100x100xf32>
    %dot_general3A_1048 = tpu.matmul %slice3A_1045, %slice3A_1046, %dot_general3A_1047 {dimension_numbers = #tpu.dot_dimension_numbers<[1], [1], [0], [0], [0, 0, 1, 0], [], []>, transpose_lhs_hint = false} : vector<100x32xf32>, vector<100x32xf32>, vector<100x100xf32> -> vector<100x100xf32>
    %mul3A_1049 = arith.constant 0.176776692 : f32
    %mul3A_1050 = vector.broadcast %mul3A_1049 : f32 to vector<100x100xf32>
    %mul3A_1051 = arith.mulf %dot_general3A_1048, %mul3A_1050 : vector<100x100xf32>
    %reduce_max3A_1052 = arith.constant dense<0xFF800000> : vector<100xf32>
    %reduce_max3A_1053 = vector.multi_reduction <maximumf>, %mul3A_1051, %reduce_max3A_1052 [1] : vector<100x100xf32> to vector<100xf32>
    %broadcast_in_dim3A_1054 = vector.shape_cast %reduce_max3A_1053 : vector<100xf32> to vector<100x1xf32>
    %sub3A_1055 = vector.broadcast %broadcast_in_dim3A_1054 : vector<100x1xf32> to vector<100x100xf32>
    %sub3A_1056 = arith.subf %mul3A_1051, %sub3A_1055 : vector<100x100xf32>
    %exp3A_1057 = math.exp %sub3A_1056 : vector<100x100xf32>
    %reduce_sum3A_1058 = arith.constant dense<0.000000e+00> : vector<100xf32>
    %reduce_sum3A_1059 = vector.multi_reduction <add>, %exp3A_1057, %reduce_sum3A_1058 [1] : vector<100x100xf32> to vector<100xf32>
    %broadcast_in_dim3A_1060 = vector.shape_cast %reduce_sum3A_1059 : vector<100xf32> to vector<100x1xf32>
    %div3A_1061 = vector.broadcast %broadcast_in_dim3A_1060 : vector<100x1xf32> to vector<100x100xf32>
    %div3A_1062 = arith.divf %exp3A_1057, %div3A_1061 : vector<100x100xf32>
    %slice3A_1063 = vector.extract_strided_slice %add3A_1044 {offsets = [0, 0], sizes = [100, 32], strides = [1, 1]} : vector<100x64xf32> to vector<100x32xf32>
    %dot_general3A_1064 = arith.constant dense<0.000000e+00> : vector<100x32xf32>
    %dot_general3A_1065 = tpu.matmul %div3A_1062, %slice3A_1063, %dot_general3A_1064 {dimension_numbers = #tpu.dot_dimension_numbers<[1], [0], [0], [1], [0, 0, 1, 1], [], []>, transpose_lhs_hint = false} : vector<100x100xf32>, vector<100x32xf32>, vector<100x32xf32> -> vector<100x32xf32>
    %slice3A_1066 = vector.extract_strided_slice %add3A_1024 {offsets = [0, 32], sizes = [100, 32], strides = [1, 1]} : vector<100x64xf32> to vector<100x32xf32>
    %slice3A_1067 = vector.extract_strided_slice %add3A_1034 {offsets = [0, 32], sizes = [100, 32], strides = [1, 1]} : vector<100x64xf32> to vector<100x32xf32>
    %dot_general3A_1068 = arith.constant dense<0.000000e+00> : vector<100x100xf32>
    %dot_general3A_1069 = tpu.matmul %slice3A_1066, %slice3A_1067, %dot_general3A_1068 {dimension_numbers = #tpu.dot_dimension_numbers<[1], [1], [0], [0], [0, 0, 1, 0], [], []>, transpose_lhs_hint = false} : vector<100x32xf32>, vector<100x32xf32>, vector<100x100xf32> -> vector<100x100xf32>
    %mul3A_1070 = arith.constant 0.176776692 : f32
    %mul3A_1071 = vector.broadcast %mul3A_1070 : f32 to vector<100x100xf32>
    %mul3A_1072 = arith.mulf %dot_general3A_1069, %mul3A_1071 : vector<100x100xf32>
    %reduce_max3A_1073 = arith.constant dense<0xFF800000> : vector<100xf32>
    %reduce_max3A_1074 = vector.multi_reduction <maximumf>, %mul3A_1072, %reduce_max3A_1073 [1] : vector<100x100xf32> to vector<100xf32>
    %broadcast_in_dim3A_1075 = vector.shape_cast %reduce_max3A_1074 : vector<100xf32> to vector<100x1xf32>
    %sub3A_1076 = vector.broadcast %broadcast_in_dim3A_1075 : vector<100x1xf32> to vector<100x100xf32>
    %sub3A_1077 = arith.subf %mul3A_1072, %sub3A_1076 : vector<100x100xf32>
    %exp3A_1078 = math.exp %sub3A_1077 : vector<100x100xf32>
    %reduce_sum3A_1079 = arith.constant dense<0.000000e+00> : vector<100xf32>
    %reduce_sum3A_1080 = vector.multi_reduction <add>, %exp3A_1078, %reduce_sum3A_1079 [1] : vector<100x100xf32> to vector<100xf32>
    %broadcast_in_dim3A_1081 = vector.shape_cast %reduce_sum3A_1080 : vector<100xf32> to vector<100x1xf32>
    %div3A_1082 = vector.broadcast %broadcast_in_dim3A_1081 : vector<100x1xf32> to vector<100x100xf32>
    %div3A_1083 = arith.divf %exp3A_1078, %div3A_1082 : vector<100x100xf32>
    %slice3A_1084 = vector.extract_strided_slice %add3A_1044 {offsets = [0, 32], sizes = [100, 32], strides = [1, 1]} : vector<100x64xf32> to vector<100x32xf32>
    %dot_general3A_1085 = arith.constant dense<0.000000e+00> : vector<100x32xf32>
    %dot_general3A_1086 = tpu.matmul %div3A_1083, %slice3A_1084, %dot_general3A_1085 {dimension_numbers = #tpu.dot_dimension_numbers<[1], [0], [0], [1], [0, 0, 1, 1], [], []>, transpose_lhs_hint = false} : vector<100x100xf32>, vector<100x32xf32>, vector<100x32xf32> -> vector<100x32xf32>
    %concatenate3A_1087 = tpu.concatenate %dot_general3A_1065, %dot_general3A_1086 in 1 : vector<100x32xf32>, vector<100x32xf32> -> vector<100x64xf32>
    %get3A_1088 = arith.constant 0 : index
    %get3A_1089 = arith.constant 0 : index
    %get3A_1090 = vector.load %arg25[%get3A_1088, %get3A_1089] : memref<64x64xf32, #tpu.memory_space<vmem>>, vector<64x64xf32>
    %dot_general3A_1091 = arith.constant dense<0.000000e+00> : vector<100x64xf32>
    %dot_general3A_1092 = tpu.matmul %concatenate3A_1087, %get3A_1090, %dot_general3A_1091 {dimension_numbers = #tpu.dot_dimension_numbers<[1], [0], [0], [1], [0, 0, 1, 1], [], []>, transpose_lhs_hint = false} : vector<100x64xf32>, vector<64x64xf32>, vector<100x64xf32> -> vector<100x64xf32>
    %get3A_1093 = arith.constant 0 : index
    %get3A_1094 = arith.constant 0 : index
    %get3A_1095 = vector.load %arg29[%get3A_1093, %get3A_1094] : memref<1x64xf32, #tpu.memory_space<vmem>>, vector<1x64xf32>
    %add3A_1096 = vector.broadcast %get3A_1095 : vector<1x64xf32> to vector<100x64xf32>
    %add3A_1097 = arith.addf %dot_general3A_1092, %add3A_1096 : vector<100x64xf32>
    %add3A_1098 = arith.addf %add3A_1014, %add3A_1097 : vector<100x64xf32>
    %get3A_1099 = arith.constant 0 : index
    %get3A_1100 = arith.constant 0 : index
    %get3A_1101 = vector.load %arg34[%get3A_1099, %get3A_1100] : memref<1x64xf32, #tpu.memory_space<vmem>>, vector<1x64xf32>
    %get3A_1102 = arith.constant 0 : index
    %get3A_1103 = arith.constant 0 : index
    %get3A_1104 = vector.load %arg35[%get3A_1102, %get3A_1103] : memref<1x64xf32, #tpu.memory_space<vmem>>, vector<1x64xf32>
    %reduce_sum3A_1105 = arith.constant dense<0.000000e+00> : vector<100xf32>
    %reduce_sum3A_1106 = vector.multi_reduction <add>, %add3A_1098, %reduce_sum3A_1105 [1] : vector<100x64xf32> to vector<100xf32>
    %broadcast_in_dim3A_1107 = vector.shape_cast %reduce_sum3A_1106 : vector<100xf32> to vector<100x1xf32>
    %div3A_1108 = arith.constant 6.400000e+01 : f32
    %div3A_1109 = vector.broadcast %div3A_1108 : f32 to vector<100x1xf32>
    %div3A_1110 = arith.divf %broadcast_in_dim3A_1107, %div3A_1109 : vector<100x1xf32>
    %sub3A_1111 = vector.broadcast %div3A_1110 : vector<100x1xf32> to vector<100x64xf32>
    %sub3A_1112 = arith.subf %add3A_1098, %sub3A_1111 : vector<100x64xf32>
    %integer_pow3A_1113 = arith.mulf %sub3A_1112, %sub3A_1112 : vector<100x64xf32>
    %reduce_sum3A_1114 = arith.constant dense<0.000000e+00> : vector<100xf32>
    %reduce_sum3A_1115 = vector.multi_reduction <add>, %integer_pow3A_1113, %reduce_sum3A_1114 [1] : vector<100x64xf32> to vector<100xf32>
    %broadcast_in_dim3A_1116 = vector.shape_cast %reduce_sum3A_1115 : vector<100xf32> to vector<100x1xf32>
    %div3A_1117 = arith.constant 6.400000e+01 : f32
    %div3A_1118 = vector.broadcast %div3A_1117 : f32 to vector<100x1xf32>
    %div3A_1119 = arith.divf %broadcast_in_dim3A_1116, %div3A_1118 : vector<100x1xf32>
    %sub3A_1120 = vector.broadcast %div3A_1110 : vector<100x1xf32> to vector<100x64xf32>
    %sub3A_1121 = arith.subf %add3A_1098, %sub3A_1120 : vector<100x64xf32>
    %add3A_1122 = arith.constant 9.99999974E-6 : f32
    %add3A_1123 = vector.broadcast %add3A_1122 : f32 to vector<100x1xf32>
    %add3A_1124 = arith.addf %div3A_1119, %add3A_1123 : vector<100x1xf32>
    %sqrt3A_1125 = math.sqrt %add3A_1124 : vector<100x1xf32>
    %div3A_1126 = vector.broadcast %sqrt3A_1125 : vector<100x1xf32> to vector<100x64xf32>
    %div3A_1127 = arith.divf %sub3A_1121, %div3A_1126 : vector<100x64xf32>
    %mul3A_1128 = vector.broadcast %get3A_1101 : vector<1x64xf32> to vector<100x64xf32>
    %mul3A_1129 = arith.mulf %div3A_1127, %mul3A_1128 : vector<100x64xf32>
    %add3A_1130 = vector.broadcast %get3A_1104 : vector<1x64xf32> to vector<100x64xf32>
    %add3A_1131 = arith.addf %mul3A_1129, %add3A_1130 : vector<100x64xf32>
    %get3A_1132 = arith.constant 0 : index
    %get3A_1133 = arith.constant 0 : index
    %get3A_1134 = vector.load %arg30[%get3A_1132, %get3A_1133] : memref<64x64xf32, #tpu.memory_space<vmem>>, vector<64x64xf32>
    %dot_general3A_1135 = arith.constant dense<0.000000e+00> : vector<100x64xf32>
    %dot_general3A_1136 = tpu.matmul %add3A_1131, %get3A_1134, %dot_general3A_1135 {dimension_numbers = #tpu.dot_dimension_numbers<[1], [0], [0], [1], [0, 0, 1, 1], [], []>, transpose_lhs_hint = false} : vector<100x64xf32>, vector<64x64xf32>, vector<100x64xf32> -> vector<100x64xf32>
    %get3A_1137 = arith.constant 0 : index
    %get3A_1138 = arith.constant 0 : index
    %get3A_1139 = vector.load %arg31[%get3A_1137, %get3A_1138] : memref<1x64xf32, #tpu.memory_space<vmem>>, vector<1x64xf32>
    %add3A_1140 = vector.broadcast %get3A_1139 : vector<1x64xf32> to vector<100x64xf32>
    %add3A_1141 = arith.addf %dot_general3A_1136, %add3A_1140 : vector<100x64xf32>
    %max3A_1142 = arith.constant 0.000000e+00 : f32
    %max3A_1143 = vector.broadcast %max3A_1142 : f32 to vector<100x64xf32>
    %max3A_1144 = arith.maximumf %add3A_1141, %max3A_1143 : vector<100x64xf32>
    %get3A_1145 = arith.constant 0 : index
    %get3A_1146 = arith.constant 0 : index
    %get3A_1147 = vector.load %arg32[%get3A_1145, %get3A_1146] : memref<64x64xf32, #tpu.memory_space<vmem>>, vector<64x64xf32>
    %dot_general3A_1148 = arith.constant dense<0.000000e+00> : vector<100x64xf32>
    %dot_general3A_1149 = tpu.matmul %max3A_1144, %get3A_1147, %dot_general3A_1148 {dimension_numbers = #tpu.dot_dimension_numbers<[1], [0], [0], [1], [0, 0, 1, 1], [], []>, transpose_lhs_hint = false} : vector<100x64xf32>, vector<64x64xf32>, vector<100x64xf32> -> vector<100x64xf32>
    %get3A_1150 = arith.constant 0 : index
    %get3A_1151 = arith.constant 0 : index
    %get3A_1152 = vector.load %arg33[%get3A_1150, %get3A_1151] : memref<1x64xf32, #tpu.memory_space<vmem>>, vector<1x64xf32>
    %add3A_1153 = vector.broadcast %get3A_1152 : vector<1x64xf32> to vector<100x64xf32>
    %add3A_1154 = arith.addf %dot_general3A_1149, %add3A_1153 : vector<100x64xf32>
    %add3A_1155 = arith.addf %add3A_1131, %add3A_1154 : vector<100x64xf32>
    %get3A_1156 = arith.constant 0 : index
    %get3A_1157 = arith.constant 0 : index
    %get3A_1158 = vector.load %arg36[%get3A_1156, %get3A_1157] : memref<1x64xf32, #tpu.memory_space<vmem>>, vector<1x64xf32>
    %get3A_1159 = arith.constant 0 : index
    %get3A_1160 = arith.constant 0 : index
    %get3A_1161 = vector.load %arg37[%get3A_1159, %get3A_1160] : memref<1x64xf32, #tpu.memory_space<vmem>>, vector<1x64xf32>
    %reduce_sum3A_1162 = arith.constant dense<0.000000e+00> : vector<100xf32>
    %reduce_sum3A_1163 = vector.multi_reduction <add>, %add3A_1155, %reduce_sum3A_1162 [1] : vector<100x64xf32> to vector<100xf32>
    %broadcast_in_dim3A_1164 = vector.shape_cast %reduce_sum3A_1163 : vector<100xf32> to vector<100x1xf32>
    %div3A_1165 = arith.constant 6.400000e+01 : f32
    %div3A_1166 = vector.broadcast %div3A_1165 : f32 to vector<100x1xf32>
    %div3A_1167 = arith.divf %broadcast_in_dim3A_1164, %div3A_1166 : vector<100x1xf32>
    %sub3A_1168 = vector.broadcast %div3A_1167 : vector<100x1xf32> to vector<100x64xf32>
    %sub3A_1169 = arith.subf %add3A_1155, %sub3A_1168 : vector<100x64xf32>
    %integer_pow3A_1170 = arith.mulf %sub3A_1169, %sub3A_1169 : vector<100x64xf32>
    %reduce_sum3A_1171 = arith.constant dense<0.000000e+00> : vector<100xf32>
    %reduce_sum3A_1172 = vector.multi_reduction <add>, %integer_pow3A_1170, %reduce_sum3A_1171 [1] : vector<100x64xf32> to vector<100xf32>
    %broadcast_in_dim3A_1173 = vector.shape_cast %reduce_sum3A_1172 : vector<100xf32> to vector<100x1xf32>
    %div3A_1174 = arith.constant 6.400000e+01 : f32
    %div3A_1175 = vector.broadcast %div3A_1174 : f32 to vector<100x1xf32>
    %div3A_1176 = arith.divf %broadcast_in_dim3A_1173, %div3A_1175 : vector<100x1xf32>
    %sub3A_1177 = vector.broadcast %div3A_1167 : vector<100x1xf32> to vector<100x64xf32>
    %sub3A_1178 = arith.subf %add3A_1155, %sub3A_1177 : vector<100x64xf32>
    %add3A_1179 = arith.constant 9.99999974E-6 : f32
    %add3A_1180 = vector.broadcast %add3A_1179 : f32 to vector<100x1xf32>
    %add3A_1181 = arith.addf %div3A_1176, %add3A_1180 : vector<100x1xf32>
    %sqrt3A_1182 = math.sqrt %add3A_1181 : vector<100x1xf32>
    %div3A_1183 = vector.broadcast %sqrt3A_1182 : vector<100x1xf32> to vector<100x64xf32>
    %div3A_1184 = arith.divf %sub3A_1178, %div3A_1183 : vector<100x64xf32>
    %mul3A_1185 = vector.broadcast %get3A_1158 : vector<1x64xf32> to vector<100x64xf32>
    %mul3A_1186 = arith.mulf %div3A_1184, %mul3A_1185 : vector<100x64xf32>
    %add3A_1187 = vector.broadcast %get3A_1161 : vector<1x64xf32> to vector<100x64xf32>
    %add3A_1188 = arith.addf %mul3A_1186, %add3A_1187 : vector<100x64xf32>
    %dot_general3A_1189 = arith.constant dense<0.000000e+00> : vector<511x64xf32>
    %dot_general3A_1190 = tpu.matmul %select_n3A_966, %add3A_1188, %dot_general3A_1189 {dimension_numbers = #tpu.dot_dimension_numbers<[0], [0], [1], [1], [0, 1, 1, 1], [], []>, transpose_lhs_hint = false} : vector<100x511xf32>, vector<100x64xf32>, vector<511x64xf32> -> vector<511x64xf32>
    %broadcast_in_dim3A_1191 = vector.shape_cast %get3A_990 : vector<1x128xf32> to vector<1x128xf32>
    %broadcast_in_dim3A_1192 = vector.broadcast %broadcast_in_dim3A_1191 : vector<1x128xf32> to vector<511x128xf32>
    %broadcast_in_dim3A_1193 = vector.shape_cast %get3A_995 : vector<1x128xf32> to vector<1x128xf32>
    %broadcast_in_dim3A_1194 = vector.broadcast %broadcast_in_dim3A_1193 : vector<1x128xf32> to vector<511x128xf32>
    %concatenate3A_1195 = tpu.concatenate %concatenate3A_943, %broadcast_in_dim3A_1192, %broadcast_in_dim3A_1194, %dot_general3A_1190 in 1 : vector<511x256xf32>, vector<511x128xf32>, vector<511x128xf32>, vector<511x64xf32> -> vector<511x576xf32>
    %get3A_1196 = arith.constant 0 : index
    %get3A_1197 = arith.constant 0 : index
    %get3A_1198 = vector.load %arg38[%get3A_1196, %get3A_1197] : memref<576x512xf32, #tpu.memory_space<vmem>>, vector<576x512xf32>
    %convert_element_type3A_1199 = arith.truncf %concatenate3A_1195 : vector<511x576xf32> to vector<511x576xbf16>
    %convert_element_type3A_1200 = arith.truncf %get3A_1198 : vector<576x512xf32> to vector<576x512xbf16>
    %dot_general3A_1201 = arith.constant dense<0.000000e+00> : vector<511x512xf32>
    %dot_general3A_1202 = tpu.matmul %convert_element_type3A_1199, %convert_element_type3A_1200, %dot_general3A_1201 {dimension_numbers = #tpu.dot_dimension_numbers<[1], [0], [0], [1], [0, 0, 1, 1], [], []>, transpose_lhs_hint = false} : vector<511x576xbf16>, vector<576x512xbf16>, vector<511x512xf32> -> vector<511x512xf32>
    %get3A_1203 = arith.constant 0 : index
    %get3A_1204 = arith.constant 0 : index
    %get3A_1205 = vector.load %arg39[%get3A_1203, %get3A_1204] : memref<1x512xf32, #tpu.memory_space<vmem>>, vector<1x512xf32>
    %add3A_1206 = vector.broadcast %get3A_1205 : vector<1x512xf32> to vector<511x512xf32>
    %add3A_1207 = arith.addf %dot_general3A_1202, %add3A_1206 : vector<511x512xf32>
    %convert_element_type3A_1208 = arith.truncf %add3A_1207 : vector<511x512xf32> to vector<511x512xbf16>
    %slice3A_1209 = vector.extract_strided_slice %convert_element_type3A_1208 {offsets = [0, 0], sizes = [128, 512], strides = [1, 1]} : vector<511x512xbf16> to vector<128x512xbf16>
    %dot_general3A_1210 = arith.constant dense<0.000000e+00> : vector<128x2000xf32>
    %dot_general3A_1211 = tpu.matmul %slice3A_1209, %convert_element_type3A_30, %dot_general3A_1210 {dimension_numbers = #tpu.dot_dimension_numbers<[1], [0], [0], [1], [0, 0, 1, 1], [], []>, transpose_lhs_hint = false} : vector<128x512xbf16>, vector<512x2000xbf16>, vector<128x2000xf32> -> vector<128x2000xf32>
    %add3A_1212 = vector.broadcast %get3A_33 : vector<1x2000xf32> to vector<128x2000xf32>
    %add3A_1213 = arith.addf %dot_general3A_1211, %add3A_1212 : vector<128x2000xf32>
    %max3A_1214 = arith.constant 0.000000e+00 : f32
    %max3A_1215 = vector.broadcast %max3A_1214 : f32 to vector<128x2000xf32>
    %max3A_1216 = arith.maximumf %add3A_1213, %max3A_1215 : vector<128x2000xf32>
    %abs3A_1217 = math.absf %add3A_1213 : vector<128x2000xf32>
    %neg3A_1218 = arith.constant 0.000000e+00 : f32
    %neg3A_1219 = vector.broadcast %neg3A_1218 : f32 to vector<128x2000xf32>
    %neg3A_1220 = arith.subf %neg3A_1219, %abs3A_1217 : vector<128x2000xf32>
    %exp3A_1221 = math.exp %neg3A_1220 : vector<128x2000xf32>
    %add3A_1222 = arith.constant 1.000000e+00 : f32
    %add3A_1223 = vector.broadcast %add3A_1222 : f32 to vector<128x2000xf32>
    %add3A_1224 = arith.addf %add3A_1223, %exp3A_1221 : vector<128x2000xf32>
    %log3A_1225 = math.log %add3A_1224 : vector<128x2000xf32>
    %add3A_1226 = arith.addf %max3A_1216, %log3A_1225 : vector<128x2000xf32>
    %swap3A_1227 = arith.constant 0 : index
    %swap3A_1228 = arith.constant 0 : index
    %swap3A_1229 = vector.load %arg47[%swap3A_1227, %swap3A_1228] : memref<128x2000xf32, #tpu.memory_space<vmem>>, vector<128x2000xf32>
    tpu.vector_store %arg47[%swap3A_1227, %swap3A_1228], %add3A_1226 {strides = array<i32>} : memref<128x2000xf32, #tpu.memory_space<vmem>>, vector<128x2000xf32>,
    %mul3A_1230 = arith.constant 2 : i32
    %mul3A_1231 = arith.muli %mul3A_1230, %arg0 : i32
    %add3A_1232 = arith.constant 1 : i32
    %add3A_1233 = arith.addi %mul3A_1231, %add3A_1232 : i32
    %dma_start3A_1234 = arith.constant 4 : i32
    %dma_start3A_1235 = tpu.memref_slice %arg51[%dma_start3A_1234] : memref<8x!tpu.dma_semaphore, #tpu.memory_space<semaphore_mem>> -> memref<1x!tpu.dma_semaphore, #tpu.memory_space<semaphore_mem>>
    %dma_start3A_1236 = tpu.memref_squeeze %dma_start3A_1235 : memref<1x!tpu.dma_semaphore, #tpu.memory_space<semaphore_mem>> -> memref<!tpu.dma_semaphore, #tpu.memory_space<semaphore_mem>>
    %dma_start3A_1237 = arith.constant 0 : i32
    %dma_start3A_1238 = arith.constant 0 : i32
    %dma_start3A_1239 = tpu.memref_slice %arg42[%add3A_1233, %dma_start3A_1237, %dma_start3A_1238] : memref<8x511x2000xf32, #tpu.memory_space<hbm>> -> memref<1x128x2000xf32, #tpu.memory_space<hbm>>
    %dma_start3A_1240 = tpu.memref_squeeze %dma_start3A_1239 : memref<1x128x2000xf32, #tpu.memory_space<hbm>> -> memref<128x2000xf32, #tpu.memory_space<hbm>>
    tpu.enqueue_dma source(%arg47 : memref<128x2000xf32, #tpu.memory_space<vmem>>) target(%dma_start3A_1240 : memref<128x2000xf32, #tpu.memory_space<hbm>>) target_semaphore(%dma_start3A_1236 : memref<!tpu.dma_semaphore, #tpu.memory_space<semaphore_mem>>)
    %slice3A_1241 = vector.extract_strided_slice %convert_element_type3A_1208 {offsets = [128, 0], sizes = [128, 512], strides = [1, 1]} : vector<511x512xbf16> to vector<128x512xbf16>
    %dot_general3A_1242 = arith.constant dense<0.000000e+00> : vector<128x2000xf32>
    %dot_general3A_1243 = tpu.matmul %slice3A_1241, %convert_element_type3A_30, %dot_general3A_1242 {dimension_numbers = #tpu.dot_dimension_numbers<[1], [0], [0], [1], [0, 0, 1, 1], [], []>, transpose_lhs_hint = false} : vector<128x512xbf16>, vector<512x2000xbf16>, vector<128x2000xf32> -> vector<128x2000xf32>
    %add3A_1244 = vector.broadcast %get3A_33 : vector<1x2000xf32> to vector<128x2000xf32>
    %add3A_1245 = arith.addf %dot_general3A_1243, %add3A_1244 : vector<128x2000xf32>
    %max3A_1246 = arith.constant 0.000000e+00 : f32
    %max3A_1247 = vector.broadcast %max3A_1246 : f32 to vector<128x2000xf32>
    %max3A_1248 = arith.maximumf %add3A_1245, %max3A_1247 : vector<128x2000xf32>
    %abs3A_1249 = math.absf %add3A_1245 : vector<128x2000xf32>
    %neg3A_1250 = arith.constant 0.000000e+00 : f32
    %neg3A_1251 = vector.broadcast %neg3A_1250 : f32 to vector<128x2000xf32>
    %neg3A_1252 = arith.subf %neg3A_1251, %abs3A_1249 : vector<128x2000xf32>
    %exp3A_1253 = math.exp %neg3A_1252 : vector<128x2000xf32>
    %add3A_1254 = arith.constant 1.000000e+00 : f32
    %add3A_1255 = vector.broadcast %add3A_1254 : f32 to vector<128x2000xf32>
    %add3A_1256 = arith.addf %add3A_1255, %exp3A_1253 : vector<128x2000xf32>
    %log3A_1257 = math.log %add3A_1256 : vector<128x2000xf32>
    %add3A_1258 = arith.addf %max3A_1248, %log3A_1257 : vector<128x2000xf32>
    %swap3A_1259 = arith.constant 0 : index
    %swap3A_1260 = arith.constant 0 : index
    %swap3A_1261 = vector.load %arg48[%swap3A_1259, %swap3A_1260] : memref<128x2000xf32, #tpu.memory_space<vmem>>, vector<128x2000xf32>
    tpu.vector_store %arg48[%swap3A_1259, %swap3A_1260], %add3A_1258 {strides = array<i32>} : memref<128x2000xf32, #tpu.memory_space<vmem>>, vector<128x2000xf32>,
    %mul3A_1262 = arith.constant 2 : i32
    %mul3A_1263 = arith.muli %mul3A_1262, %arg0 : i32
    %add3A_1264 = arith.constant 1 : i32
    %add3A_1265 = arith.addi %mul3A_1263, %add3A_1264 : i32
    %dma_start3A_1266 = arith.constant 5 : i32
    %dma_start3A_1267 = tpu.memref_slice %arg51[%dma_start3A_1266] : memref<8x!tpu.dma_semaphore, #tpu.memory_space<semaphore_mem>> -> memref<1x!tpu.dma_semaphore, #tpu.memory_space<semaphore_mem>>
    %dma_start3A_1268 = tpu.memref_squeeze %dma_start3A_1267 : memref<1x!tpu.dma_semaphore, #tpu.memory_space<semaphore_mem>> -> memref<!tpu.dma_semaphore, #tpu.memory_space<semaphore_mem>>
    %dma_start3A_1269 = arith.constant 128 : i32
    %dma_start3A_1270 = arith.constant 0 : i32
    %dma_start3A_1271 = tpu.memref_slice %arg42[%add3A_1265, %dma_start3A_1269, %dma_start3A_1270] : memref<8x511x2000xf32, #tpu.memory_space<hbm>> -> memref<1x128x2000xf32, #tpu.memory_space<hbm>>
    %dma_start3A_1272 = tpu.memref_squeeze %dma_start3A_1271 : memref<1x128x2000xf32, #tpu.memory_space<hbm>> -> memref<128x2000xf32, #tpu.memory_space<hbm>>
    tpu.enqueue_dma source(%arg48 : memref<128x2000xf32, #tpu.memory_space<vmem>>) target(%dma_start3A_1272 : memref<128x2000xf32, #tpu.memory_space<hbm>>) target_semaphore(%dma_start3A_1268 : memref<!tpu.dma_semaphore, #tpu.memory_space<semaphore_mem>>)
    %slice3A_1273 = vector.extract_strided_slice %convert_element_type3A_1208 {offsets = [256, 0], sizes = [128, 512], strides = [1, 1]} : vector<511x512xbf16> to vector<128x512xbf16>
    %dot_general3A_1274 = arith.constant dense<0.000000e+00> : vector<128x2000xf32>
    %dot_general3A_1275 = tpu.matmul %slice3A_1273, %convert_element_type3A_30, %dot_general3A_1274 {dimension_numbers = #tpu.dot_dimension_numbers<[1], [0], [0], [1], [0, 0, 1, 1], [], []>, transpose_lhs_hint = false} : vector<128x512xbf16>, vector<512x2000xbf16>, vector<128x2000xf32> -> vector<128x2000xf32>
    %add3A_1276 = vector.broadcast %get3A_33 : vector<1x2000xf32> to vector<128x2000xf32>
    %add3A_1277 = arith.addf %dot_general3A_1275, %add3A_1276 : vector<128x2000xf32>
    %max3A_1278 = arith.constant 0.000000e+00 : f32
    %max3A_1279 = vector.broadcast %max3A_1278 : f32 to vector<128x2000xf32>
    %max3A_1280 = arith.maximumf %add3A_1277, %max3A_1279 : vector<128x2000xf32>
    %abs3A_1281 = math.absf %add3A_1277 : vector<128x2000xf32>
    %neg3A_1282 = arith.constant 0.000000e+00 : f32
    %neg3A_1283 = vector.broadcast %neg3A_1282 : f32 to vector<128x2000xf32>
    %neg3A_1284 = arith.subf %neg3A_1283, %abs3A_1281 : vector<128x2000xf32>
    %exp3A_1285 = math.exp %neg3A_1284 : vector<128x2000xf32>
    %add3A_1286 = arith.constant 1.000000e+00 : f32
    %add3A_1287 = vector.broadcast %add3A_1286 : f32 to vector<128x2000xf32>
    %add3A_1288 = arith.addf %add3A_1287, %exp3A_1285 : vector<128x2000xf32>
    %log3A_1289 = math.log %add3A_1288 : vector<128x2000xf32>
    %add3A_1290 = arith.addf %max3A_1280, %log3A_1289 : vector<128x2000xf32>
    %swap3A_1291 = arith.constant 0 : index
    %swap3A_1292 = arith.constant 0 : index
    %swap3A_1293 = vector.load %arg49[%swap3A_1291, %swap3A_1292] : memref<128x2000xf32, #tpu.memory_space<vmem>>, vector<128x2000xf32>
    tpu.vector_store %arg49[%swap3A_1291, %swap3A_1292], %add3A_1290 {strides = array<i32>} : memref<128x2000xf32, #tpu.memory_space<vmem>>, vector<128x2000xf32>,
    %mul3A_1294 = arith.constant 2 : i32
    %mul3A_1295 = arith.muli %mul3A_1294, %arg0 : i32
    %add3A_1296 = arith.constant 1 : i32
    %add3A_1297 = arith.addi %mul3A_1295, %add3A_1296 : i32
    %dma_start3A_1298 = arith.constant 6 : i32
    %dma_start3A_1299 = tpu.memref_slice %arg51[%dma_start3A_1298] : memref<8x!tpu.dma_semaphore, #tpu.memory_space<semaphore_mem>> -> memref<1x!tpu.dma_semaphore, #tpu.memory_space<semaphore_mem>>
    %dma_start3A_1300 = tpu.memref_squeeze %dma_start3A_1299 : memref<1x!tpu.dma_semaphore, #tpu.memory_space<semaphore_mem>> -> memref<!tpu.dma_semaphore, #tpu.memory_space<semaphore_mem>>
    %dma_start3A_1301 = arith.constant 256 : i32
    %dma_start3A_1302 = arith.constant 0 : i32
    %dma_start3A_1303 = tpu.memref_slice %arg42[%add3A_1297, %dma_start3A_1301, %dma_start3A_1302] : memref<8x511x2000xf32, #tpu.memory_space<hbm>> -> memref<1x128x2000xf32, #tpu.memory_space<hbm>>
    %dma_start3A_1304 = tpu.memref_squeeze %dma_start3A_1303 : memref<1x128x2000xf32, #tpu.memory_space<hbm>> -> memref<128x2000xf32, #tpu.memory_space<hbm>>
    tpu.enqueue_dma source(%arg49 : memref<128x2000xf32, #tpu.memory_space<vmem>>) target(%dma_start3A_1304 : memref<128x2000xf32, #tpu.memory_space<hbm>>) target_semaphore(%dma_start3A_1300 : memref<!tpu.dma_semaphore, #tpu.memory_space<semaphore_mem>>)
    %slice3A_1305 = vector.extract_strided_slice %convert_element_type3A_1208 {offsets = [384, 0], sizes = [127, 512], strides = [1, 1]} : vector<511x512xbf16> to vector<127x512xbf16>
    %dot_general3A_1306 = arith.constant dense<0.000000e+00> : vector<127x2000xf32>
    %dot_general3A_1307 = tpu.matmul %slice3A_1305, %convert_element_type3A_30, %dot_general3A_1306 {dimension_numbers = #tpu.dot_dimension_numbers<[1], [0], [0], [1], [0, 0, 1, 1], [], []>, transpose_lhs_hint = false} : vector<127x512xbf16>, vector<512x2000xbf16>, vector<127x2000xf32> -> vector<127x2000xf32>
    %add3A_1308 = vector.broadcast %get3A_33 : vector<1x2000xf32> to vector<127x2000xf32>
    %add3A_1309 = arith.addf %dot_general3A_1307, %add3A_1308 : vector<127x2000xf32>
    %max3A_1310 = arith.constant 0.000000e+00 : f32
    %max3A_1311 = vector.broadcast %max3A_1310 : f32 to vector<127x2000xf32>
    %max3A_1312 = arith.maximumf %add3A_1309, %max3A_1311 : vector<127x2000xf32>
    %abs3A_1313 = math.absf %add3A_1309 : vector<127x2000xf32>
    %neg3A_1314 = arith.constant 0.000000e+00 : f32
    %neg3A_1315 = vector.broadcast %neg3A_1314 : f32 to vector<127x2000xf32>
    %neg3A_1316 = arith.subf %neg3A_1315, %abs3A_1313 : vector<127x2000xf32>
    %exp3A_1317 = math.exp %neg3A_1316 : vector<127x2000xf32>
    %add3A_1318 = arith.constant 1.000000e+00 : f32
    %add3A_1319 = vector.broadcast %add3A_1318 : f32 to vector<127x2000xf32>
    %add3A_1320 = arith.addf %add3A_1319, %exp3A_1317 : vector<127x2000xf32>
    %log3A_1321 = math.log %add3A_1320 : vector<127x2000xf32>
    %add3A_1322 = arith.addf %max3A_1312, %log3A_1321 : vector<127x2000xf32>
    %swap3A_1323 = arith.constant 0 : index
    %swap3A_1324 = arith.constant 0 : index
    %swap3A_1325 = vector.load %arg50[%swap3A_1323, %swap3A_1324] : memref<127x2000xf32, #tpu.memory_space<vmem>>, vector<127x2000xf32>
    tpu.vector_store %arg50[%swap3A_1323, %swap3A_1324], %add3A_1322 {strides = array<i32>} : memref<127x2000xf32, #tpu.memory_space<vmem>>, vector<127x2000xf32>,
    %mul3A_1326 = arith.constant 2 : i32
    %mul3A_1327 = arith.muli %mul3A_1326, %arg0 : i32
    %add3A_1328 = arith.constant 1 : i32
    %add3A_1329 = arith.addi %mul3A_1327, %add3A_1328 : i32
    %dma_start3A_1330 = arith.constant 7 : i32
    %dma_start3A_1331 = tpu.memref_slice %arg51[%dma_start3A_1330] : memref<8x!tpu.dma_semaphore, #tpu.memory_space<semaphore_mem>> -> memref<1x!tpu.dma_semaphore, #tpu.memory_space<semaphore_mem>>
    %dma_start3A_1332 = tpu.memref_squeeze %dma_start3A_1331 : memref<1x!tpu.dma_semaphore, #tpu.memory_space<semaphore_mem>> -> memref<!tpu.dma_semaphore, #tpu.memory_space<semaphore_mem>>
    %dma_start3A_1333 = arith.constant 384 : i32
    %dma_start3A_1334 = arith.constant 0 : i32
    %dma_start3A_1335 = tpu.memref_slice %arg42[%add3A_1329, %dma_start3A_1333, %dma_start3A_1334] : memref<8x511x2000xf32, #tpu.memory_space<hbm>> -> memref<1x127x2000xf32, #tpu.memory_space<hbm>>
    %dma_start3A_1336 = tpu.memref_squeeze %dma_start3A_1335 : memref<1x127x2000xf32, #tpu.memory_space<hbm>> -> memref<127x2000xf32, #tpu.memory_space<hbm>>
    tpu.enqueue_dma source(%arg50 : memref<127x2000xf32, #tpu.memory_space<vmem>>) target(%dma_start3A_1336 : memref<127x2000xf32, #tpu.memory_space<hbm>>) target_semaphore(%dma_start3A_1332 : memref<!tpu.dma_semaphore, #tpu.memory_space<semaphore_mem>>)
    %eq3A_1337 = arith.constant 3 : i32
    %eq3A_1338 = arith.cmpi eq, %arg0, %eq3A_1337 : i32
    %convert_element_type3A_1339 = arith.extui %eq3A_1338 : i1 to i32
    %cond3A_1340 = arith.constant 0 : i32
    %cond3A_1341 = arith.cmpi ne, %convert_element_type3A_1339, %cond3A_1340 : i32
    scf.if %cond3A_1341 {
      %mul3A_1342 = arith.constant 2 : i32
      %mul3A_1343 = arith.muli %mul3A_1342, %arg0 : i32
      %add3A_1344 = arith.constant 0 : i32
      %add3A_1345 = arith.addi %mul3A_1343, %add3A_1344 : i32
      %dma_wait3A = arith.constant 0 : i32
      %dma_wait3A_1346 = tpu.memref_slice %arg51[%dma_wait3A] : memref<8x!tpu.dma_semaphore, #tpu.memory_space<semaphore_mem>> -> memref<1x!tpu.dma_semaphore, #tpu.memory_space<semaphore_mem>>
      %dma_wait3A_1347 = tpu.memref_squeeze %dma_wait3A_1346 : memref<1x!tpu.dma_semaphore, #tpu.memory_space<semaphore_mem>> -> memref<!tpu.dma_semaphore, #tpu.memory_space<semaphore_mem>>
      %dma_wait3A_1348 = arith.constant 0 : i32
      %dma_wait3A_1349 = arith.constant 0 : i32
      %dma_wait3A_1350 = tpu.memref_slice %arg42[%add3A_1345, %dma_wait3A_1348, %dma_wait3A_1349] : memref<8x511x2000xf32, #tpu.memory_space<hbm>> -> memref<1x128x2000xf32, #tpu.memory_space<hbm>>
      %dma_wait3A_1351 = tpu.memref_squeeze %dma_wait3A_1350 : memref<1x128x2000xf32, #tpu.memory_space<hbm>> -> memref<128x2000xf32, #tpu.memory_space<hbm>>
      tpu.wait_dma2 semaphore(%dma_wait3A_1347 : memref<!tpu.dma_semaphore, #tpu.memory_space<semaphore_mem>>) src(%arg43 : memref<128x2000xf32, #tpu.memory_space<vmem>>) dst(%dma_wait3A_1351 : memref<128x2000xf32, #tpu.memory_space<hbm>>)
      %mul3A_1352 = arith.constant 2 : i32
      %mul3A_1353 = arith.muli %mul3A_1352, %arg0 : i32
      %add3A_1354 = arith.constant 0 : i32
      %add3A_1355 = arith.addi %mul3A_1353, %add3A_1354 : i32
      %dma_wait3A_1356 = arith.constant 1 : i32
      %dma_wait3A_1357 = tpu.memref_slice %arg51[%dma_wait3A_1356] : memref<8x!tpu.dma_semaphore, #tpu.memory_space<semaphore_mem>> -> memref<1x!tpu.dma_semaphore, #tpu.memory_space<semaphore_mem>>
      %dma_wait3A_1358 = tpu.memref_squeeze %dma_wait3A_1357 : memref<1x!tpu.dma_semaphore, #tpu.memory_space<semaphore_mem>> -> memref<!tpu.dma_semaphore, #tpu.memory_space<semaphore_mem>>
      %dma_wait3A_1359 = arith.constant 128 : i32
      %dma_wait3A_1360 = arith.constant 0 : i32
      %dma_wait3A_1361 = tpu.memref_slice %arg42[%add3A_1355, %dma_wait3A_1359, %dma_wait3A_1360] : memref<8x511x2000xf32, #tpu.memory_space<hbm>> -> memref<1x128x2000xf32, #tpu.memory_space<hbm>>
      %dma_wait3A_1362 = tpu.memref_squeeze %dma_wait3A_1361 : memref<1x128x2000xf32, #tpu.memory_space<hbm>> -> memref<128x2000xf32, #tpu.memory_space<hbm>>
      tpu.wait_dma2 semaphore(%dma_wait3A_1358 : memref<!tpu.dma_semaphore, #tpu.memory_space<semaphore_mem>>) src(%arg44 : memref<128x2000xf32, #tpu.memory_space<vmem>>) dst(%dma_wait3A_1362 : memref<128x2000xf32, #tpu.memory_space<hbm>>)
      %mul3A_1363 = arith.constant 2 : i32
      %mul3A_1364 = arith.muli %mul3A_1363, %arg0 : i32
      %add3A_1365 = arith.constant 0 : i32
      %add3A_1366 = arith.addi %mul3A_1364, %add3A_1365 : i32
      %dma_wait3A_1367 = arith.constant 2 : i32
      %dma_wait3A_1368 = tpu.memref_slice %arg51[%dma_wait3A_1367] : memref<8x!tpu.dma_semaphore, #tpu.memory_space<semaphore_mem>> -> memref<1x!tpu.dma_semaphore, #tpu.memory_space<semaphore_mem>>
      %dma_wait3A_1369 = tpu.memref_squeeze %dma_wait3A_1368 : memref<1x!tpu.dma_semaphore, #tpu.memory_space<semaphore_mem>> -> memref<!tpu.dma_semaphore, #tpu.memory_space<semaphore_mem>>
      %dma_wait3A_1370 = arith.constant 256 : i32
      %dma_wait3A_1371 = arith.constant 0 : i32
      %dma_wait3A_1372 = tpu.memref_slice %arg42[%add3A_1366, %dma_wait3A_1370, %dma_wait3A_1371] : memref<8x511x2000xf32, #tpu.memory_space<hbm>> -> memref<1x128x2000xf32, #tpu.memory_space<hbm>>
      %dma_wait3A_1373 = tpu.memref_squeeze %dma_wait3A_1372 : memref<1x128x2000xf32, #tpu.memory_space<hbm>> -> memref<128x2000xf32, #tpu.memory_space<hbm>>
      tpu.wait_dma2 semaphore(%dma_wait3A_1369 : memref<!tpu.dma_semaphore, #tpu.memory_space<semaphore_mem>>) src(%arg45 : memref<128x2000xf32, #tpu.memory_space<vmem>>) dst(%dma_wait3A_1373 : memref<128x2000xf32, #tpu.memory_space<hbm>>)
      %mul3A_1374 = arith.constant 2 : i32
      %mul3A_1375 = arith.muli %mul3A_1374, %arg0 : i32
      %add3A_1376 = arith.constant 0 : i32
      %add3A_1377 = arith.addi %mul3A_1375, %add3A_1376 : i32
      %dma_wait3A_1378 = arith.constant 3 : i32
      %dma_wait3A_1379 = tpu.memref_slice %arg51[%dma_wait3A_1378] : memref<8x!tpu.dma_semaphore, #tpu.memory_space<semaphore_mem>> -> memref<1x!tpu.dma_semaphore, #tpu.memory_space<semaphore_mem>>
      %dma_wait3A_1380 = tpu.memref_squeeze %dma_wait3A_1379 : memref<1x!tpu.dma_semaphore, #tpu.memory_space<semaphore_mem>> -> memref<!tpu.dma_semaphore, #tpu.memory_space<semaphore_mem>>
      %dma_wait3A_1381 = arith.constant 384 : i32
      %dma_wait3A_1382 = arith.constant 0 : i32
      %dma_wait3A_1383 = tpu.memref_slice %arg42[%add3A_1377, %dma_wait3A_1381, %dma_wait3A_1382] : memref<8x511x2000xf32, #tpu.memory_space<hbm>> -> memref<1x127x2000xf32, #tpu.memory_space<hbm>>
      %dma_wait3A_1384 = tpu.memref_squeeze %dma_wait3A_1383 : memref<1x127x2000xf32, #tpu.memory_space<hbm>> -> memref<127x2000xf32, #tpu.memory_space<hbm>>
      tpu.wait_dma2 semaphore(%dma_wait3A_1380 : memref<!tpu.dma_semaphore, #tpu.memory_space<semaphore_mem>>) src(%arg46 : memref<127x2000xf32, #tpu.memory_space<vmem>>) dst(%dma_wait3A_1384 : memref<127x2000xf32, #tpu.memory_space<hbm>>)
      %mul3A_1385 = arith.constant 2 : i32
      %mul3A_1386 = arith.muli %mul3A_1385, %arg0 : i32
      %add3A_1387 = arith.constant 1 : i32
      %add3A_1388 = arith.addi %mul3A_1386, %add3A_1387 : i32
      %dma_wait3A_1389 = arith.constant 4 : i32
      %dma_wait3A_1390 = tpu.memref_slice %arg51[%dma_wait3A_1389] : memref<8x!tpu.dma_semaphore, #tpu.memory_space<semaphore_mem>> -> memref<1x!tpu.dma_semaphore, #tpu.memory_space<semaphore_mem>>
      %dma_wait3A_1391 = tpu.memref_squeeze %dma_wait3A_1390 : memref<1x!tpu.dma_semaphore, #tpu.memory_space<semaphore_mem>> -> memref<!tpu.dma_semaphore, #tpu.memory_space<semaphore_mem>>
      %dma_wait3A_1392 = arith.constant 0 : i32
      %dma_wait3A_1393 = arith.constant 0 : i32
      %dma_wait3A_1394 = tpu.memref_slice %arg42[%add3A_1388, %dma_wait3A_1392, %dma_wait3A_1393] : memref<8x511x2000xf32, #tpu.memory_space<hbm>> -> memref<1x128x2000xf32, #tpu.memory_space<hbm>>
      %dma_wait3A_1395 = tpu.memref_squeeze %dma_wait3A_1394 : memref<1x128x2000xf32, #tpu.memory_space<hbm>> -> memref<128x2000xf32, #tpu.memory_space<hbm>>
      tpu.wait_dma2 semaphore(%dma_wait3A_1391 : memref<!tpu.dma_semaphore, #tpu.memory_space<semaphore_mem>>) src(%arg47 : memref<128x2000xf32, #tpu.memory_space<vmem>>) dst(%dma_wait3A_1395 : memref<128x2000xf32, #tpu.memory_space<hbm>>)
      %mul3A_1396 = arith.constant 2 : i32
      %mul3A_1397 = arith.muli %mul3A_1396, %arg0 : i32
      %add3A_1398 = arith.constant 1 : i32
      %add3A_1399 = arith.addi %mul3A_1397, %add3A_1398 : i32
      %dma_wait3A_1400 = arith.constant 5 : i32
      %dma_wait3A_1401 = tpu.memref_slice %arg51[%dma_wait3A_1400] : memref<8x!tpu.dma_semaphore, #tpu.memory_space<semaphore_mem>> -> memref<1x!tpu.dma_semaphore, #tpu.memory_space<semaphore_mem>>
      %dma_wait3A_1402 = tpu.memref_squeeze %dma_wait3A_1401 : memref<1x!tpu.dma_semaphore, #tpu.memory_space<semaphore_mem>> -> memref<!tpu.dma_semaphore, #tpu.memory_space<semaphore_mem>>
      %dma_wait3A_1403 = arith.constant 128 : i32
      %dma_wait3A_1404 = arith.constant 0 : i32
      %dma_wait3A_1405 = tpu.memref_slice %arg42[%add3A_1399, %dma_wait3A_1403, %dma_wait3A_1404] : memref<8x511x2000xf32, #tpu.memory_space<hbm>> -> memref<1x128x2000xf32, #tpu.memory_space<hbm>>
      %dma_wait3A_1406 = tpu.memref_squeeze %dma_wait3A_1405 : memref<1x128x2000xf32, #tpu.memory_space<hbm>> -> memref<128x2000xf32, #tpu.memory_space<hbm>>
      tpu.wait_dma2 semaphore(%dma_wait3A_1402 : memref<!tpu.dma_semaphore, #tpu.memory_space<semaphore_mem>>) src(%arg48 : memref<128x2000xf32, #tpu.memory_space<vmem>>) dst(%dma_wait3A_1406 : memref<128x2000xf32, #tpu.memory_space<hbm>>)
      %mul3A_1407 = arith.constant 2 : i32
      %mul3A_1408 = arith.muli %mul3A_1407, %arg0 : i32
      %add3A_1409 = arith.constant 1 : i32
      %add3A_1410 = arith.addi %mul3A_1408, %add3A_1409 : i32
      %dma_wait3A_1411 = arith.constant 6 : i32
      %dma_wait3A_1412 = tpu.memref_slice %arg51[%dma_wait3A_1411] : memref<8x!tpu.dma_semaphore, #tpu.memory_space<semaphore_mem>> -> memref<1x!tpu.dma_semaphore, #tpu.memory_space<semaphore_mem>>
      %dma_wait3A_1413 = tpu.memref_squeeze %dma_wait3A_1412 : memref<1x!tpu.dma_semaphore, #tpu.memory_space<semaphore_mem>> -> memref<!tpu.dma_semaphore, #tpu.memory_space<semaphore_mem>>
      %dma_wait3A_1414 = arith.constant 256 : i32
      %dma_wait3A_1415 = arith.constant 0 : i32
      %dma_wait3A_1416 = tpu.memref_slice %arg42[%add3A_1410, %dma_wait3A_1414, %dma_wait3A_1415] : memref<8x511x2000xf32, #tpu.memory_space<hbm>> -> memref<1x128x2000xf32, #tpu.memory_space<hbm>>
      %dma_wait3A_1417 = tpu.memref_squeeze %dma_wait3A_1416 : memref<1x128x2000xf32, #tpu.memory_space<hbm>> -> memref<128x2000xf32, #tpu.memory_space<hbm>>
      tpu.wait_dma2 semaphore(%dma_wait3A_1413 : memref<!tpu.dma_semaphore, #tpu.memory_space<semaphore_mem>>) src(%arg49 : memref<128x2000xf32, #tpu.memory_space<vmem>>) dst(%dma_wait3A_1417 : memref<128x2000xf32, #tpu.memory_space<hbm>>)
      %mul3A_1418 = arith.constant 2 : i32
      %mul3A_1419 = arith.muli %mul3A_1418, %arg0 : i32
      %add3A_1420 = arith.constant 1 : i32
      %add3A_1421 = arith.addi %mul3A_1419, %add3A_1420 : i32
      %dma_wait3A_1422 = arith.constant 7 : i32
      %dma_wait3A_1423 = tpu.memref_slice %arg51[%dma_wait3A_1422] : memref<8x!tpu.dma_semaphore, #tpu.memory_space<semaphore_mem>> -> memref<1x!tpu.dma_semaphore, #tpu.memory_space<semaphore_mem>>
      %dma_wait3A_1424 = tpu.memref_squeeze %dma_wait3A_1423 : memref<1x!tpu.dma_semaphore, #tpu.memory_space<semaphore_mem>> -> memref<!tpu.dma_semaphore, #tpu.memory_space<semaphore_mem>>
      %dma_wait3A_1425 = arith.constant 384 : i32
      %dma_wait3A_1426 = arith.constant 0 : i32
      %dma_wait3A_1427 = tpu.memref_slice %arg42[%add3A_1421, %dma_wait3A_1425, %dma_wait3A_1426] : memref<8x511x2000xf32, #tpu.memory_space<hbm>> -> memref<1x127x2000xf32, #tpu.memory_space<hbm>>
      %dma_wait3A_1428 = tpu.memref_squeeze %dma_wait3A_1427 : memref<1x127x2000xf32, #tpu.memory_space<hbm>> -> memref<127x2000xf32, #tpu.memory_space<hbm>>
      tpu.wait_dma2 semaphore(%dma_wait3A_1424 : memref<!tpu.dma_semaphore, #tpu.memory_space<semaphore_mem>>) src(%arg50 : memref<127x2000xf32, #tpu.memory_space<vmem>>) dst(%dma_wait3A_1428 : memref<127x2000xf32, #tpu.memory_space<hbm>>)
    } else {
    }
    return
  }
  func.func @transform_0(%arg0: i32) -> (i32, i32, i32) {
    %c0_i32 = arith.constant 0 : i32
    %c0_i32_0 = arith.constant 0 : i32
    %c0_i32_1 = arith.constant 0 : i32
    return %arg0, %c0_i32, %c0_i32_0 : i32, i32, i32
  }
  func.func @transform_1(%arg0: i32) -> (i32, i32, i32) {
    %c0_i32 = arith.constant 0 : i32
    %c0_i32_0 = arith.constant 0 : i32
    %c0_i32_1 = arith.constant 0 : i32
    return %arg0, %c0_i32, %c0_i32_0 : i32, i32, i32
  }
  func.func @transform_2(%arg0: i32) -> (i32, i32, i32) {
    %c0_i32 = arith.constant 0 : i32
    %c0_i32_0 = arith.constant 0 : i32
    %c0_i32_1 = arith.constant 0 : i32
    return %arg0, %c0_i32, %c0_i32_0 : i32, i32, i32
  }
  func.func @transform_3(%arg0: i32) -> (i32, i32, i32) {
    %c0_i32 = arith.constant 0 : i32
    %c0_i32_0 = arith.constant 0 : i32
    %c0_i32_1 = arith.constant 0 : i32
    return %arg0, %c0_i32, %c0_i32_0 : i32, i32, i32
  }
  func.func @transform_4(%arg0: i32) -> (i32, i32, i32) {
    %c0_i32 = arith.constant 0 : i32
    %c0_i32_0 = arith.constant 0 : i32
    %c0_i32_1 = arith.constant 0 : i32
    return %arg0, %c0_i32, %c0_i32_0 : i32, i32, i32
  }
  func.func @transform_5(%arg0: i32) -> (i32, i32, i32) {
    %c0_i32 = arith.constant 0 : i32
    %c0_i32_0 = arith.constant 0 : i32
    %c0_i32_1 = arith.constant 0 : i32
    return %arg0, %c0_i32, %c0_i32_0 : i32, i32, i32
  }
  func.func @transform_6(%arg0: i32) -> (i32, i32, i32) {
    %c0_i32 = arith.constant 0 : i32
    %c0_i32_0 = arith.constant 0 : i32
    %c0_i32_1 = arith.constant 0 : i32
    return %arg0, %c0_i32, %c0_i32_0 : i32, i32, i32
  }
  func.func @transform_7(%arg0: i32) -> (i32, i32) {
    %c0_i32 = arith.constant 0 : i32
    %c0_i32_0 = arith.constant 0 : i32
    %c0_i32_1 = arith.constant 0 : i32
    return %c0_i32, %c0_i32_0 : i32, i32
  }
  func.func @transform_8(%arg0: i32) -> (i32, i32) {
    %c0_i32 = arith.constant 0 : i32
    %c0_i32_0 = arith.constant 0 : i32
    %c0_i32_1 = arith.constant 0 : i32
    return %c0_i32, %c0_i32_0 : i32, i32
  }
  func.func @transform_9(%arg0: i32) -> (i32, i32) {
    %c0_i32 = arith.constant 0 : i32
    %c0_i32_0 = arith.constant 0 : i32
    %c0_i32_1 = arith.constant 0 : i32
    return %c0_i32, %c0_i32_0 : i32, i32
  }
  func.func @transform_10(%arg0: i32) -> (i32, i32) {
    %c0_i32 = arith.constant 0 : i32
    %c0_i32_0 = arith.constant 0 : i32
    %c0_i32_1 = arith.constant 0 : i32
    return %c0_i32, %c0_i32_0 : i32, i32
  }
  func.func @transform_11(%arg0: i32) -> (i32, i32) {
    %c0_i32 = arith.constant 0 : i32
    %c0_i32_0 = arith.constant 0 : i32
    %c0_i32_1 = arith.constant 0 : i32
    return %c0_i32, %c0_i32_0 : i32, i32
  }
  func.func @transform_12(%arg0: i32) -> (i32, i32) {
    %c0_i32 = arith.constant 0 : i32
    %c0_i32_0 = arith.constant 0 : i32
    %c0_i32_1 = arith.constant 0 : i32
    return %c0_i32, %c0_i32_0 : i32, i32
  }
  func.func @transform_13(%arg0: i32) -> (i32, i32) {
    %c0_i32 = arith.constant 0 : i32
    %c0_i32_0 = arith.constant 0 : i32
    %c0_i32_1 = arith.constant 0 : i32
    return %c0_i32, %c0_i32_0 : i32, i32
  }
  func.func @transform_14(%arg0: i32) -> (i32, i32) {
    %c0_i32 = arith.constant 0 : i32
    %c0_i32_0 = arith.constant 0 : i32
    %c0_i32_1 = arith.constant 0 : i32
    return %c0_i32, %c0_i32_0 : i32, i32
  }
  func.func @transform_15(%arg0: i32) -> (i32, i32) {
    %c0_i32 = arith.constant 0 : i32
    %c0_i32_0 = arith.constant 0 : i32
    %c0_i32_1 = arith.constant 0 : i32
    return %c0_i32, %c0_i32_0 : i32, i32
  }
  func.func @transform_16(%arg0: i32) -> (i32, i32) {
    %c0_i32 = arith.constant 0 : i32
    %c0_i32_0 = arith.constant 0 : i32
    %c0_i32_1 = arith.constant 0 : i32
    return %c0_i32, %c0_i32_0 : i32, i32
  }
  func.func @transform_17(%arg0: i32) -> (i32, i32) {
    %c0_i32 = arith.constant 0 : i32
    %c0_i32_0 = arith.constant 0 : i32
    %c0_i32_1 = arith.constant 0 : i32
    return %c0_i32, %c0_i32_0 : i32, i32
  }
  func.func @transform_18(%arg0: i32) -> (i32, i32) {
    %c0_i32 = arith.constant 0 : i32
    %c0_i32_0 = arith.constant 0 : i32
    %c0_i32_1 = arith.constant 0 : i32
    return %c0_i32, %c0_i32_0 : i32, i32
  }
  func.func @transform_19(%arg0: i32) -> (i32, i32) {
    %c0_i32 = arith.constant 0 : i32
    %c0_i32_0 = arith.constant 0 : i32
    %c0_i32_1 = arith.constant 0 : i32
    return %c0_i32, %c0_i32_0 : i32, i32
  }
  func.func @transform_20(%arg0: i32) -> (i32, i32) {
    %c0_i32 = arith.constant 0 : i32
    %c0_i32_0 = arith.constant 0 : i32
    %c0_i32_1 = arith.constant 0 : i32
    return %c0_i32, %c0_i32_0 : i32, i32
  }
  func.func @transform_21(%arg0: i32) -> (i32, i32) {
    %c0_i32 = arith.constant 0 : i32
    %c0_i32_0 = arith.constant 0 : i32
    %c0_i32_1 = arith.constant 0 : i32
    return %c0_i32, %c0_i32_0 : i32, i32
  }
  func.func @transform_22(%arg0: i32) -> (i32, i32) {
    %c0_i32 = arith.constant 0 : i32
    %c0_i32_0 = arith.constant 0 : i32
    %c0_i32_1 = arith.constant 0 : i32
    return %c0_i32, %c0_i32_0 : i32, i32
  }
  func.func @transform_23(%arg0: i32) -> (i32, i32) {
    %c0_i32 = arith.constant 0 : i32
    %c0_i32_0 = arith.constant 0 : i32
    %c0_i32_1 = arith.constant 0 : i32
    return %c0_i32, %c0_i32_0 : i32, i32
  }
  func.func @transform_24(%arg0: i32) -> (i32, i32) {
    %c0_i32 = arith.constant 0 : i32
    %c0_i32_0 = arith.constant 0 : i32
    %c0_i32_1 = arith.constant 0 : i32
    return %c0_i32, %c0_i32_0 : i32, i32
  }
  func.func @transform_25(%arg0: i32) -> (i32, i32) {
    %c0_i32 = arith.constant 0 : i32
    %c0_i32_0 = arith.constant 0 : i32
    %c0_i32_1 = arith.constant 0 : i32
    return %c0_i32, %c0_i32_0 : i32, i32
  }
  func.func @transform_26(%arg0: i32) -> (i32, i32) {
    %c0_i32 = arith.constant 0 : i32
    %c0_i32_0 = arith.constant 0 : i32
    %c0_i32_1 = arith.constant 0 : i32
    return %c0_i32, %c0_i32_0 : i32, i32
  }
  func.func @transform_27(%arg0: i32) -> (i32, i32) {
    %c0_i32 = arith.constant 0 : i32
    %c0_i32_0 = arith.constant 0 : i32
    %c0_i32_1 = arith.constant 0 : i32
    return %c0_i32, %c0_i32_0 : i32, i32
  }
  func.func @transform_28(%arg0: i32) -> (i32, i32) {
    %c0_i32 = arith.constant 0 : i32
    %c0_i32_0 = arith.constant 0 : i32
    %c0_i32_1 = arith.constant 0 : i32
    return %c0_i32, %c0_i32_0 : i32, i32
  }
  func.func @transform_29(%arg0: i32) -> (i32, i32) {
    %c0_i32 = arith.constant 0 : i32
    %c0_i32_0 = arith.constant 0 : i32
    %c0_i32_1 = arith.constant 0 : i32
    return %c0_i32, %c0_i32_0 : i32, i32
  }
  func.func @transform_30(%arg0: i32) -> (i32, i32) {
    %c0_i32 = arith.constant 0 : i32
    %c0_i32_0 = arith.constant 0 : i32
    %c0_i32_1 = arith.constant 0 : i32
    return %c0_i32, %c0_i32_0 : i32, i32
  }
  func.func @transform_31(%arg0: i32) -> (i32, i32) {
    %c0_i32 = arith.constant 0 : i32
    %c0_i32_0 = arith.constant 0 : i32
    %c0_i32_1 = arith.constant 0 : i32
    return %c0_i32, %c0_i32_0 : i32, i32
  }
  func.func @transform_32(%arg0: i32) -> (i32, i32) {
    %c0_i32 = arith.constant 0 : i32
    %c0_i32_0 = arith.constant 0 : i32
    %c0_i32_1 = arith.constant 0 : i32
    return %c0_i32, %c0_i32_0 : i32, i32
  }
  func.func @transform_33(%arg0: i32) -> (i32, i32) {
    %c0_i32 = arith.constant 0 : i32
    %c0_i32_0 = arith.constant 0 : i32
    %c0_i32_1 = arith.constant 0 : i32
    return %c0_i32, %c0_i32_0 : i32, i32
  }
  func.func @transform_34(%arg0: i32) -> (i32, i32) {
    %c0_i32 = arith.constant 0 : i32
    %c0_i32_0 = arith.constant 0 : i32
    %c0_i32_1 = arith.constant 0 : i32
    return %c0_i32, %c0_i32_0 : i32, i32
  }
  func.func @transform_35(%arg0: i32) -> (i32, i32) {
    %c0_i32 = arith.constant 0 : i32
    %c0_i32_0 = arith.constant 0 : i32
    %c0_i32_1 = arith.constant 0 : i32
    return %c0_i32, %c0_i32_0 : i32, i32
  }
  func.func @transform_36(%arg0: i32) -> (i32, i32) {
    %c0_i32 = arith.constant 0 : i32
    %c0_i32_0 = arith.constant 0 : i32
    %c0_i32_1 = arith.constant 0 : i32
    return %c0_i32, %c0_i32_0 : i32, i32
  }
  func.func @transform_37(%arg0: i32) -> (i32, i32) {
    %c0_i32 = arith.constant 0 : i32
    %c0_i32_0 = arith.constant 0 : i32
    %c0_i32_1 = arith.constant 0 : i32
    return %c0_i32, %c0_i32_0 : i32, i32
  }
  func.func @transform_38(%arg0: i32) -> (i32, i32) {
    %c0_i32 = arith.constant 0 : i32
    %c0_i32_0 = arith.constant 0 : i32
    %c0_i32_1 = arith.constant 0 : i32
    return %c0_i32, %c0_i32_0 : i32, i32
  }
  func.func @transform_39(%arg0: i32) -> (i32, i32) {
    %c0_i32 = arith.constant 0 : i32
    %c0_i32_0 = arith.constant 0 : i32
    %c0_i32_1 = arith.constant 0 : i32
    return %c0_i32, %c0_i32_0 : i32, i32
  }
  func.func @transform_40(%arg0: i32) -> (i32, i32) {
    %c0_i32 = arith.constant 0 : i32
    %c0_i32_0 = arith.constant 0 : i32
    %c0_i32_1 = arith.constant 0 : i32
    return %c0_i32, %c0_i32_0 : i32, i32
  }
}

</mosaic_0001>

<sc_bundles>
// kernel: kernel.4.cloned.1.call-start
scs
__scs_entry_jumppad:
0x0: {  	(pc) =	sbr.rel $0x88, $3  }
0x1: {  	(tag) =	ssettag $0x0;
	lr =	simm.s32 $0x1  }
0x2: {  	[smem:$0x3F75] =	sst lr;
	_ =	strace $0xD0000000  }
0x3: {  	_ = 	snop  }
0x4: {  	_ = 	snop  }
0x5: {  	_ = 	snop  }
0x6: {  	_ = 	snop  }
0x7: {  	_ = 	snop  }
__scs_overlays_trampoline_lowered:
0x8: {  	[smem:$0x3F84] =	sst s0  }
0x9: {  	[smem:$0x3F85] =	sst s1  }
0xa: {  	[smem:$0x3F86] =	sst s2  }
0xb: {  	[smem:$0x3F87] =	sst s3  }
0xc: {  	[smem:$0x3F88] =	sst s4  }
0xd: {  	[smem:$0x3F89] =	sst s5  }
0xe: {  	[smem:$0x3F8A] =	sst s6  }
0xf: {  	[smem:$0x3F8B] =	sst s7  }
0x10: {  	[smem:$0x3F8C] =	sst s8  }
0x11: {  	[smem:$0x3F8D] =	sst s9;
	s0 =	simm.s32 @!p0 $0x0  }
0x12: {  	s1 =	sld [smem:$0x3F73];
	s0 =	simm.s32 @p0 $0x1  }
0x13: {  	[smem:$0x3F8E] =	sst s0;
	s0 =	simm.s32 @!p1 $0x0  }
0x14: {  	s2 =	sld [smem:$0x3F72];
	s0 =	simm.s32 @p1 $0x1  }
0x15: {  	[smem:$0x3F8F] =	sst s0;
	s0 =	simm.s32 @!p2 $0x0  }
0x16: {  	s3 =	sld [smem:$0x3FDB];
	s0 =	simm.s32 @p2 $0x1  }
0x17: {  	s4 =	simm.s32 $0x1BF5;
	[smem:$0x3F91] =	sst s0  }
0x18: {  	s0 =	sld [smem:$0x3F74];
	_ =	swait.ge [sflag:s4], $0x0  }
0x19: {  	s7 =	sld [smem:$0x3F75]  }
0x1a: {  	s8 =	sadd.s32 $0xFFFFE003, lr  }
0x1b: {  	s9 =	sadd.s32 $0xFFFFFEF7, lr;
	s5 =	simm.s32 $0xFFFFFFFF;
	p2 =	slt.u32 s8, $0xFFFFF086  }
0x1c: {  	p1 =	slt.u32 s9, $0xF7A;
	s5 =	simm.s32 @!p2 $0x0  }
0x1d: {  	s5 =	simm.s32 @p1 $0x1;
	p0 =	seq.s32 s7, s2  }
0x1e: {  	s7 =	smul.u32 @!p0 $0xF7A, s2;
	p2 =	seq.s32 @!p0 s5, $0x0  }
0x1f: {  	s9 =	smul.u32 $0xF7A, s1;
	s8 =	simm.s32 @!p0 $0x1BF5;
	p2 =	por !p2, p0  }
0x20: {  	[sflag:s8] =	ssyncset.s32 @!p0 $0xFFFFF086;
	s6 =	sadd.s32 @!p0 s3, s7;
	s7 =	simm.s32 @!p0 $0x108  }
0x21: {  	s3 =	sadd.s32 s3, s9;
	s6 =	sadd.s32 @!p0 $0x88, s6;
	s7 =	simm.s32 @p2 $0x1082  }
0x22: {  	[simem:s7], [sflag:s8] =	dma.local @!p0 [hbm:s6], $0xF7A  }
0x23: {  	s9 =	sor.u32 $0xD0000000, s2;
	s6 =	simm.s32 $0x108;
	_ =	swait.ge @!p0 [sflag:s8], $0x0  }
0x24: {  	s3 =	sadd.s32 $0x88, s3;
	s6 =	simm.s32 @!p1 $0x1082;
	[sflag:s4] =	ssyncset.s32 $0xFFFFF086  }
0x25: {  	[simem:s6], [sflag:s4] =	dma.local [hbm:s3], $0xF7A  }
0x26: {  	[smem:$0x3F75] =	sst s1;
	(tag) =	ssettag s2;
	_ =	strace s9  }
0x27: {  	s1 =	sld [smem:$0x3F85]  }
0x28: {  	s2 =	sld [smem:$0x3F86]  }
0x29: {  	s4 =	sld [smem:$0x3F88]  }
0x2a: {  	p0 =	seq.s32 s5, $0x0;
	s5 =	sld [smem:$0x3F89]  }
0x2b: {  	s6 =	sld [smem:$0x3F8A]  }
0x2c: {  	s7 =	sld [smem:$0x3F8B]  }
0x2d: {  	s3 =	simm.s32 $0x108;
	s8 =	sld [smem:$0x3F8C]  }
0x2e: {  	s3 =	simm.s32 @!p0 $0x1082;
	s9 =	sld [smem:$0x3F8D]  }
0x2f: {  	lr =	sadd.s32 s0, s3;
	s0 =	sld [smem:$0x3F84]  }
0x30: {  	s3 =	sld [smem:$0x3F87]  }
0x31: {  	[smem:$0x3F90] =	sst s10  }
0x32: {  	s10 =	sld [smem:$0x3F8E];
	_ =	sdelay $0x3  }
0x33: {  	p0 =	seq.s32 s10, $0x1;
	s10 =	sld [smem:$0x3F90];
	_ =	sdelay $0x3  }
0x34: {  	[smem:$0x3F90] =	sst s10  }
0x35: {  	s10 =	sld [smem:$0x3F8F];
	_ =	sdelay $0x3  }
0x36: {  	p1 =	seq.s32 s10, $0x1;
	s10 =	sld [smem:$0x3F90];
	_ =	sdelay $0x3  }
0x37: {  	[smem:$0x3F90] =	sst s10  }
0x38: {  	s10 =	sld [smem:$0x3F91]  }
0x39: {  	_ = 	snop;
	(pc) =	sbr.ind lr, $3  }
0x3a: {  	_ = 	snop  }
0x3b: {  	_ = 	snop  }
0x3c: {  	p2 =	seq.s32 s10, $0x1;
	s10 =	sld [smem:$0x3F90]  }
0x3d: {  	_ =	shalt  }
0x3e: {  	_ =	shalt  }
0x3f: {  	_ =	shalt  }
0x40: {  	_ =	shalt  }
0x41: {  	_ =	shalt  }
0x42: {  	_ =	shalt  }
0x43: {  	_ =	shalt  }
0x44: {  	_ =	shalt  }
0x45: {  	_ =	shalt  }
0x46: {  	_ =	shalt  }
0x47: {  	_ =	shalt  }
0x48: {  	_ =	shalt  }
0x49: {  	_ =	shalt  }
0x4a: {  	_ =	shalt  }
0x4b: {  	_ =	shalt  }
0x4c: {  	_ =	shalt  }
0x4d: {  	_ =	shalt  }
0x4e: {  	_ =	shalt  }
0x4f: {  	_ =	shalt  }
0x50: {  	_ =	shalt  }
0x51: {  	_ =	shalt  }
0x52: {  	_ =	shalt  }
0x53: {  	_ =	shalt  }
0x54: {  	_ =	shalt  }
0x55: {  	_ =	shalt  }
0x56: {  	_ =	shalt  }
0x57: {  	_ =	shalt  }
0x58: {  	_ =	shalt  }
0x59: {  	_ =	shalt  }
0x5a: {  	_ =	shalt  }
0x5b: {  	_ =	shalt  }
0x5c: {  	_ =	shalt  }
0x5d: {  	_ =	shalt  }
0x5e: {  	_ =	shalt  }
0x5f: {  	_ =	shalt  }
0x60: {  	_ =	shalt  }
0x61: {  	_ =	shalt  }
0x62: {  	_ =	shalt  }
0x63: {  	_ =	shalt  }
0x64: {  	_ =	shalt  }
0x65: {  	_ =	shalt  }
0x66: {  	_ =	shalt  }
0x67: {  	_ =	shalt  }
0x68: {  	_ =	shalt  }
0x69: {  	_ =	shalt  }
0x6a: {  	_ =	shalt  }
0x6b: {  	_ =	shalt  }
0x6c: {  	_ =	shalt  }
0x6d: {  	_ =	shalt  }
0x6e: {  	_ =	shalt  }
0x6f: {  	_ =	shalt  }
0x70: {  	_ =	shalt  }
0x71: {  	_ =	shalt  }
0x72: {  	_ =	shalt  }
0x73: {  	_ =	shalt  }
0x74: {  	_ =	shalt  }
0x75: {  	_ =	shalt  }
0x76: {  	_ =	shalt  }
0x77: {  	_ =	shalt  }
0x78: {  	_ =	shalt  }
0x79: {  	_ =	shalt  }
0x7a: {  	_ =	shalt  }
0x7b: {  	_ =	shalt  }
0x7c: {  	_ =	shalt  }
0x7d: {  	_ =	shalt  }
0x7e: {  	_ =	shalt  }
0x7f: {  	_ =	shalt  }
0x80: {  	_ =	shalt  }
0x81: {  	_ =	shalt  }
0x82: {  	_ =	shalt  }
0x83: {  	_ =	shalt  }
0x84: {  	_ =	shalt  }
0x85: {  	_ =	shalt  }
0x86: {  	_ =	shalt  }
0x87: {  	_ =	shalt  }
.Lfunc_end0:
.L_simem_size_0:
called_computation_lowered:
.L_overlay_start_0:
0x88: {  	s2 =	sld [smem:$0x3FD9]  }
0x89: {  	s3 =	sld [smem:$0x3FFE];
	_ =	sdelay $0x1  }
0x8a: {  	s1 =	srdreg.scid  }
0x8b: {  	s0 =	sand.u32 $0x1, s1  }
0x8c: {  	s17 =	sshll.u32 s0, $0xA;
	s2 =	sadd.s32 s3, s2  }
0x8d: {  	s2 =	sadd.s32 s2, s17  }
0x8e: {  	[smem:$0x3F9C] =	sst s2  }
0x8f: {  	_ = 	snop  }
0x90: {  	s2 =	sld [smem:$0x3FC3]  }
0x91: {  	s18 =	sld [smem:$0x3FB6]  }
0x92: {  	s4 =	sld [smem:$0x3F9F]  }
0x93: {  	s5 =	sld [smem:$0x3F9E]  }
0x94: {  	s6 =	sld [smem:$0x3FD0];
	(tm) =	ssettm $0x1  }
0x95: {  	s7 =	sld [smem:$0x3FFB];
	_ =	sdelay $0x3  }
0x96: {  	_ =	strace s7  }
0x97: {  	s7 =	sld [smem:$0x3FFC];
	_ =	sdelay $0x3  }
0x98: {  	_ =	strace s7  }
0x99: {  	s7 =	sld [smem:$0x3FFD];
	_ =	sdelay $0x3  }
0x9a: {  	_ =	strace s7  }
0x9b: {  	_ =	strace $0x8FFFFFFF  }
0x9c: {  	s19 =	sld [smem:$0x3FDB];
	_ =	sdelay $0x1  }
0x9d: {  	s8 =	simm.s32 $_scs_section_size  }
0x9e: {  	s9 =	simm.s32 $_size__tile_overlayer_lowered;
	s10 =	simm.s32 $_tile_overlayer_lowered  }
0x9f: {  	s22 =	simm.s32 $0x1BFF;
	s21 =	sshll.u32 s10, $0x1;
	s7 =	sadd.s32 s8, s19  }
0xa0: {  	s11 =	simm.s32 $0x0;
	s20 =	sshll.u32 s9, $0x1;
	s9 =	sadd.s32 s21, s7  }
0xa1: {  	[timem:s11], [sflag:s22] =	dma.local [hbm:s9], s20  }
0xa2: {  	_ =	swait.ge [sflag:s22], s20  }
0xa3: {  	s8 =	ssub.s32 $0x0, s20;
	[sflag:s22] =	ssyncset.done $0x0  }
0xa4: {  	[sflag:s22] =	ssyncadd.s32 s8;
	_ =	sdelay $0x1  }
0xa5: {  	s23 =	simm.s32 $0x1B8B  }
0xa6: {  	_ =	swait.ge [sflag:s23], $0x1  }
0xa7: {  	[sflag:s23] =	ssyncset.done $0x0  }
0xa8: {  	s25 =	simm.s32 $0x1B8E;
	s24 =	sld [smem:$0x3FFE];
	[sflag:s23] =	ssyncadd.s32 $0xFFFFFFFF  }
0xa9: {  	s26 =	simm.s32 $execute0_lowered;
	[smem:$0x3FD2] =	sst s25  }
0xaa: {  	s9 =	sshll.u32 s26, $0x1;
	_ =	strace $0x80000046;
	[dreg:$0x1] =	wrdreg $0xFFFFFFFF  }
0xab: {  	s28 =	simm.s32 $_size_execute0_lowered;
	s7 =	sadd.s32 s7, s9;
	[dreg:$0x0] =	wrdreg $0x0  }
0xac: {  	s9 =	sshll.u32 s28, $0x1;
	[dreg:$0x2] =	wrdreg s7  }
0xad: {  	[dreg:$0x3] =	wrdreg s9  }
0xae: {  	[dreg:$0x4] =	wrdreg $0xC0  }
0xaf: {  	_ =	task [dreg:s11], $0x5FFFF  }
0xb0: {  	[dreg:$0x1] =	wrdreg $0xFFFFFFFF  }
0xb1: {  	[dreg:$0x0] =	wrdreg $0x60  }
0xb2: {  	[dreg:$0x2] =	wrdreg s24  }
0xb3: {  	[dreg:$0x3] =	wrdreg s2  }
0xb4: {  	[dreg:$0x4] =	wrdreg s18  }
0xb5: {  	[dreg:$0x5] =	wrdreg s5  }
0xb6: {  	[dreg:$0x6] =	wrdreg s4  }
0xb7: {  	[dreg:$0x7] =	wrdreg s6  }
0xb8: {  	[dreg:$0x8] =	wrdreg $0x9  }
0xb9: {  	_ =	task.clear_ibuf [dreg:s11], $0x9FFFF;
	_ =	strace $0x90000046  }
0xba: {  	s29 =	simm.s32 $0x9;
	_ =	strace $0x80000048  }
0xbb: {  	_ =	swait.ge [sflag:s29], $0x1  }
0xbc: {  	[sflag:s29] =	ssyncadd.s32 $0xFFFFFFFF  }
0xbd: {  	_ =	strace $0x90000048  }
0xbe: {  	_ =	sfence  }
0xbf: {  	s30 =	sld [smem:$0x0];
	_ =	sdelay $0x2  }
0xc0: {  	s31 =	sshll.u32 s1, $0xD;
	s1 =	sshrl.u32 s1, $0x2  }
0xc1: {  	s3 =	sand.u32 $0x4000, s31;
	s1 =	sadd.s32 s1, s30  }
0xc2: {  	s0 =	sor.u32 s3, s0;
	s1 =	sshll.u32 s1, $0x11  }
0xc3: {  	s0 =	sor.u32 s1, s0  }
0xc4: {  	s0 =	sadd.s32 $0x8F2B, s0  }
0xc5: {  	[sflag:s0] =	ssyncadd.remote.s32 $0x1  }
0xc6: {  	_ =	sfence.sel $0xFFFF  }
0xc7: {  	[dreg:$0x0] =	wrdreg $0xFFFFFFFF;
	(pc) =	sbr.abs _section_cstart, $3  }
0xc8: {  	[dreg:$0x1] =	wrdreg $0xFFFFFFFF  }
0xc9: {  	_ =	task.clear_ibuf [dreg:s11], $0x2FFFF;
	_ =	strace $0x9FFFFFFF  }
0xca: {  	(tm) =	ssettm $0x7FFFFFFF  }
0xcb: {  	_ =	shalt  }
tec
execute0_lowered:
.L_overlay_start_1:
0x0: {  	(tag) =	ssettag $0x1  }
0x1: {  	s10 =	rddreg [dreg:$0x0]  }
0x2: {  	s1 =	rddreg [dreg:$0x1]  }
0x3: {  	s2 =	rddreg [dreg:$0x2]  }
0x4: {  	s3 =	rddreg [dreg:$0x3]  }
0x5: {  	s4 =	rddreg [dreg:$0x4]  }
0x6: {  	s15 =	rddreg [dreg:$0x5]  }
0x7: {  	s0 =	rddreg [dreg:$0x6]  }
0x8: {  	s6 =	simm.s32 $0x0;
	s7 =	srdreg.scid;
	s5 =	stileid.u32  }
0x9: {  	s18 =	simm.s32 $0x80;
	s19 =	simm.s32 $0x100;
	s20 =	simm.s32 $0x180  }
0xa: {  	s21 =	simm.s32 $0x1;
	s22 =	simm.s32 $0x2;
	s23 =	simm.s32 $0x4180  }
0xb: {  	s24 =	simm.s32 $0x8;
	[smem:$0x7FF] =	sst s6;
	s8 =	sand.u32 $0x1, s7  }
0xc: {  	s31 =	sshll.u32 s5, $0x1;
	s7 =	sadd.s32 $0x5600, s10;
	_ =	strace $0x80000047  }
0xd: {  	s25 =	sor.u32 s8, s31;
	s11 =	ssub.s32 $0x2, s8;
	s8 =	sadd.s32 $0x5400, s10  }
0xe: {  	s9 =	sshll.u32 s25, $0x4;
	s12 =	sshrl.u32 s11, $0x1;
	s17 =	sshll.u32 s25, $0xB  }
.Ltmp0:
0xf: {  	p0 =	seq.s32 s25, $0x0;
	p1 =	sne.s32 s25, $0x1;
	(pc) =	sbr.rel .LBB2_1-.Ltmp0, $4  }
0x10: {  	s25 =	simm.s32 $0x4200;
	s14 =	sadd.s32 s9, s10;
	s9 =	sadd.s32 $0x5E00, s10  }
0x11: {  	s10 =	sadd.s32 $0x6000, s10;
	s16 =	ssub.s32 s11, s12;
	s15 =	sadd.s32 s15, s17  }
0x12: {  	s17 =	simm.s32 $0x3;
	s11 =	sadd.s32 $0x5A00, s14;
	s12 =	sadd.s32 $0x5800, s14  }
0x13: {  	s13 =	sadd.s32 $0x5200, s14;
	s14 =	sadd.s32 $0x5C00, s14;
	s16 =	smax.u32 s16, $0x1  }
.LBB2_4:
0x14: {  	[tilespmem:s23], [sflag:$0x3] =	stream.linear.gather [hbm4b:s29+s6], $0x80, $0x38;
	[tilespmem:$0x4600] =	vst v63  }
0x15: {  	_ =	swait.ge [sflag:s17], $0x80  }
0x16: {  	[sflag:s17] =	ssyncset.done $0x0  }
0x17: {  	[sflag:s17] =	ssyncadd.s32 $0xFFFFFF80  }
0x18: {  	[tilespmem:s25], [sflag:$0x1] =	stream.indirect.gather [hbm4b:s28+s24], $0x80, s23, s24, $0xb8;
	[tilespmem:$0x4600] =	vst v63  }
0x19: {  	_ =	swait.ge [sflag:s21], $0x400  }
0x1a: {  	[sflag:s21] =	ssyncset.done $0x0  }
0x1b: {  	[sflag:s21] =	ssyncadd.s32 $0xFFFFFC00  }
0x1c: {  	[hbm4b:s26+s6] =	stream.linear.scatter [tilespmem:s25], [sflag:$0x3], $0x400, $0x38;
	[tilespmem:$0x4600] =	vst v63  }
0x1d: {  	_ =	swait.ge [sflag:s17], $0x400  }
0x1e: {  	[sflag:s17] =	ssyncset.done $0x0  }
0x1f: {  	[sflag:s17] =	ssyncadd.s32 $0xFFFFFC00  }
.LBB2_5:
0x20: {  	s16 =	sadd.s32 $0xFFFFFFFF, s16  }
0x21: {  	p2 =	sne.s32 s16, $0x0  }
.Ltmp1:
0x22: {  	_ = 	snop;
	(pc) =	sbr.rel @!p2 .LBB2_6-.Ltmp1, $1  }
0x23: {  	_ =	sdelay $0x3  }
.LBB2_1:
0x24: {  	[tilespmem:s6], [sflag:$0x3] =	stream.linear.gather [hbm4b:s11+s6], $0x80, $0x38;
	[tilespmem:$0x4600] =	vst v63  }
0x25: {  	_ =	swait.ge [sflag:s17], $0x80  }
0x26: {  	[sflag:s17] =	ssyncset.done $0x0  }
0x27: {  	[sflag:s17] =	ssyncadd.s32 $0xFFFFFF80  }
0x28: {  	[tilespmem:s18], [sflag:$0x3] =	stream.linear.gather [hbm4b:s12+s6], $0x80, $0x38;
	[tilespmem:$0x4600] =	vst v63  }
0x29: {  	_ =	swait.ge [sflag:s17], $0x80  }
0x2a: {  	[sflag:s17] =	ssyncset.done $0x0  }
0x2b: {  	[sflag:s17] =	ssyncadd.s32 $0xFFFFFF80  }
0x2c: {  	[tilespmem:s19], [sflag:$0x3] =	stream.linear.gather [hbm4b:s13+s6], $0x80, $0x38;
	[tilespmem:$0x4600] =	vst v63  }
0x2d: {  	_ =	swait.ge [sflag:s17], $0x80  }
0x2e: {  	[sflag:s17] =	ssyncset.done $0x0  }
0x2f: {  	[sflag:s17] =	ssyncadd.s32 $0xFFFFFF80  }
0x30: {  	v0 =	vld [tilespmem:$0x0]  }
0x31: {  	v1 =	vld [tilespmem:$0x80]  }
0x32: {  	v2 =	vld [tilespmem:$0x10]  }
0x33: {  	v3 =	vld [tilespmem:$0x90]  }
0x34: {  	v4 =	vld [tilespmem:$0x20]  }
0x35: {  	v5 =	vld [tilespmem:$0xA0]  }
0x36: {  	v6 =	vld [tilespmem:$0x30]  }
0x37: {  	v7 =	vld [tilespmem:$0xB0]  }
0x38: {  	v8 =	vld [tilespmem:$0x40]  }
0x39: {  	v9 =	vld [tilespmem:$0xC0]  }
0x3a: {  	v10 =	vld [tilespmem:$0x50]  }
0x3b: {  	v11 =	vld [tilespmem:$0xD0];
	v0 =	vmul.u32 $0x32, v0  }
0x3c: {  	v12 =	vld [tilespmem:$0x60];
	v2 =	vmul.u32 $0x32, v2  }
0x3d: {  	v49 =	vld [tilespmem:$0x70];
	v48 =	vmul.u32 $0x32, v4;
	v0 =	vadd.s32 v1, v0  }
0x3e: {  	v52 =	vld [tilespmem:$0xE0];
	v51 =	vmul.u32 $0x32, v6;
	v50 =	vadd.s32 v3, v2;
	[tilespmem:$0x80] =	vst v0  }
0x3f: {  	v55 =	vld [tilespmem:$0xF0];
	v54 =	vmul.u32 $0x32, v8;
	v53 =	vadd.s32 v5, v48;
	[tilespmem:$0x90] =	vst v50  }
0x40: {  	v57 =	vmul.u32 $0x32, v10;
	v56 =	vadd.s32 v7, v51;
	[tilespmem:$0xA0] =	vst v53  }
0x41: {  	v59 =	vmul.u32 $0x32, v12;
	v58 =	vadd.s32 v9, v54;
	[tilespmem:$0xB0] =	vst v56  }
0x42: {  	v61 =	vmul.u32 $0x32, v49;
	v60 =	vadd.s32 v11, v57;
	[tilespmem:$0xC0] =	vst v58  }
0x43: {  	v62 =	vadd.s32 v52, v59;
	[tilespmem:$0xD0] =	vst v60  }
0x44: {  	v63 =	vadd.s32 v55, v61;
	[tilespmem:$0xE0] =	vst v62  }
0x45: {  	[tilespmem:$0xF0] =	vst v63  }
0x46: {  	[tilespmem:s6], [sflag:$0x1] =	stream.indirect.gather [hbm4b:s1+s18], $0x1, s18, s18, $0xb8;
	[tilespmem:$0x4600] =	vst v63  }
0x47: {  	_ = 	snop  }
0x48: {  	[tilespmem:s20], [sflag:$0x2] =	stream.indirect.gather [hbm4b:s2+s18], $0x80, s19, s18, $0xb8;
	[tilespmem:$0x4600] =	vst v63  }
0x49: {  	_ =	swait.ge [sflag:s21], $0x80  }
0x4a: {  	[sflag:s21] =	ssyncset.done $0x0  }
0x4b: {  	[sflag:s21] =	ssyncadd.s32 $0xFFFFFF80  }
0x4c: {  	[hbm4b:s14+s6] =	stream.linear.scatter [tilespmem:s6], [sflag:$0x3], $0x80, $0x38;
	[tilespmem:$0x4600] =	vst v63  }
0x4d: {  	_ =	swait.ge [sflag:s17], $0x80  }
0x4e: {  	[sflag:s17] =	ssyncset.done $0x0  }
0x4f: {  	[sflag:s17] =	ssyncadd.s32 $0xFFFFFF80  }
0x50: {  	_ =	swait.ge [sflag:s22], $0x4000  }
0x51: {  	[sflag:s22] =	ssyncset.done $0x0  }
.Ltmp2:
0x52: {  	[sflag:s22] =	ssyncadd.s32 $0xFFFFC000;
	(pc) =	sbr.rel @p0 .LBB2_4-.Ltmp2, $4  }
0x53: {  	[hbm4b:s15+s6] =	stream.linear.scatter [tilespmem:s20], [sflag:$0x3], $0x4000, $0x38;
	[tilespmem:$0x4600] =	vst v63  }
0x54: {  	_ =	swait.ge [sflag:s17], $0x4000  }
0x55: {  	s29 =	smov.u32 s7;
	[sflag:s17] =	ssyncset.done $0x0  }
0x56: {  	s28 =	smov.u32 s3;
	s26 =	smov.u32 s9;
	[sflag:s17] =	ssyncadd.s32 $0xFFFFC000  }
.Ltmp3:
0x57: {  	(pc) =	sbr.rel @p1 .LBB2_5-.Ltmp3, $1  }
0x58: {  	_ =	sdelay $0x3  }
.Ltmp4:
0x59: {  	(pc) =	sbr.rel .LBB2_4-.Ltmp4, $2  }
0x5a: {  	_ =	sdelay $0x2  }
0x5b: {  	s29 =	smov.u32 s8;
	s28 =	smov.u32 s4;
	s26 =	smov.u32 s10  }
.LBB2_6:
0x5c: {  	_ =	sfence.sel $0x180000  }
0x5d: {  	[bflag:$0x0] =	sbarrier.arrive $0xFFFF  }
0x5e: {  	p0 =	sne.s32 s5, $0x0;
	_ =	strace $0x90000047  }
0x5f: {  	s0 =	sadd.s32 @!p0 $0x100000, s0;
	[bflag:$0x2] =	sbarrier.arrive $0xFFFF  }
0x60: {  	[sflag:s0] =	ssyncadd.tile.s32 @!p0 $0x1;
	_ =	shalt  }
.Lfunc_end2:
_tile_overlayer_lowered:
.L_overlay_start_2:
0x61: {  	(tag) =	ssettag $0x2  }
0x62: {  	s0 =	rddreg [dreg:$0x0];
	s2 =	stileid.u32  }
0x63: {  	s1 =	rddreg [dreg:$0x1];
	p0 =	sne.s32 s2, $0x0  }
0x64: {  	s3 =	rddreg [dreg:$0x2];
	[bflag:$0x3] =	sbarrier.arrive $0xFFFF;
	s2 =	simm.s32 @!p0 $0x1C03  }
0x65: {  	[timem:s3], [sflag:s2] =	dma.local @!p0 [hbm:s0], s1  }
0x66: {  	s0 =	simm.s32 @!p0 $0x3  }
0x67: {  	_ =	swait.ge @!p0 [sflag:s0], s1  }
0x68: {  	s1 =	ssub.s32 @!p0 $0x0, s1;
	[sflag:s0] =	ssyncset.done @!p0 $0x0  }
0x69: {  	[sflag:s0] =	ssyncadd.s32 @!p0 s1  }
0x6a: {  	[bflag:$0x3] =	sbarrier.arrive $0xFFFF  }
0x6b: {  	_ =	shalt  }

</sc_bundles>
